<compile_context>
chip_gen: v7x
topology: tpu7x:2x2x1
jax: 0.10.2.dev20260603
libtpu: 0.0.44.dev20260713+nightly
codegen_flags: <defaults>
</compile_context>

<pallas_src>
import functools

import jax
import jax.numpy as jnp
from jax import lax
from jax.experimental import pallas as pl
from jax.experimental.pallas import tpu as pltpu
from jax.experimental.pallas import tpu_sc as plsc

D_MODEL = 64
SCALE = 8.0

_info = plsc.get_sparse_core_info()
NC, NS, L = _info.num_cores, _info.num_subcores, _info.num_lanes
NW = NC * NS

BLK = 128
TP = BLK + 1


@functools.partial(jax.jit, static_argnums=(2, 3))
def _sc_embed(table, xt, n_seq, n_blk):
    mesh = plsc.VectorSubcoreMesh(core_axis_name="c", subcore_axis_name="s")

    @functools.partial(
        pl.kernel,
        mesh=mesh,
        out_type=jax.ShapeDtypeStruct(
            (n_seq, D_MODEL // 8, n_blk, 8, BLK), jnp.float32
        ),
        scratch_types=[
            pltpu.VMEM((n_seq + 1, BLK), jnp.int32),
            pltpu.VMEM((2, BLK, D_MODEL), jnp.float32),
            pltpu.VMEM((2, D_MODEL // 8, 8, TP), jnp.float32),
            pltpu.SemaphoreType.DMA,
            pltpu.SemaphoreType.DMA,
            pltpu.SemaphoreType.DMA,
            pltpu.SemaphoreType.DMA,
        ],
        compiler_params=pltpu.CompilerParams(
            use_tc_tiling_on_sc=False, needs_layout_passes=False
        ),
    )
    def k(table_hbm, xt_hbm, out_hbm, idx_v, rows_v, t_v, g0, g1, o0, o1):
        sem_g = (g0, g1)
        sem_o = (o0, o1)
        wid = lax.axis_index("s") * NC + lax.axis_index("c")
        pltpu.sync_copy(
            xt_hbm.at[:, pl.ds(wid * BLK, BLK)], idx_v.at[pl.ds(0, n_seq)]
        )
        iota = lax.iota(jnp.int32, L)
        zeros = iota * 0
        for h in range(BLK // L):
            idx_v[n_seq, pl.ds(h * L, L)] = zeros
        dvecs = [iota + q * L for q in range(D_MODEL // L)]
        td_vecs = [lax.shift_right_logical(d, 3) for d in dvecs]
        s_vecs = [lax.bitwise_and(d, 7) for d in dvecs]

        def transpose_half(b, lo):
            @plsc.parallel_loop(lo, lo + BLK // 2, unroll=8)
            def _tl(l):
                lsplat = zeros + l
                for q in range(D_MODEL // L):
                    v = rows_v[b, l, pl.ds(q * L, L)] * SCALE
                    plsc.store_scatter(
                        t_v.at[b], [td_vecs[q], s_vecs[q], lsplat], v
                    )

        pltpu.async_copy(table_hbm.at[idx_v.at[0]], rows_v.at[0], sem_g[0])

        def step(g, carry):
            for b in range(2):
                j = 2 * g + b
                pltpu.async_copy(
                    table_hbm.at[idx_v.at[j + 1]], rows_v.at[1 - b], sem_g[1 - b]
                )
                pltpu.make_async_copy(
                    table_hbm.at[idx_v.at[j]], rows_v.at[b], sem_g[b]
                ).wait()
                @pl.when(g > 0)
                def _drain():
                    for half in range(2):
                        pltpu.make_async_copy(
                            t_v.at[b, :, :, pl.ds(half * (BLK // 2), BLK // 2)],
                            out_hbm.at[j, :, wid, :, pl.ds(half * (BLK // 2), BLK // 2)],
                            sem_o[b],
                        ).wait()

                transpose_half(b, 0)
                pltpu.async_copy(
                    t_v.at[b, :, :, pl.ds(0, BLK // 2)],
                    out_hbm.at[j, :, wid, :, pl.ds(0, BLK // 2)],
                    sem_o[b],
                )
                transpose_half(b, BLK // 2)
                pltpu.async_copy(
                    t_v.at[b, :, :, pl.ds(BLK // 2, BLK // 2)],
                    out_hbm.at[j, :, wid, :, pl.ds(BLK // 2, BLK // 2)],
                    sem_o[b],
                )
            return carry

        lax.fori_loop(0, n_seq // 2, step, 0)
        for b in range(2):
            for half in range(2):
                pltpu.make_async_copy(
                    t_v.at[b, :, :, pl.ds(half * (BLK // 2), BLK // 2)],
                    out_hbm.at[n_seq - 2 + b, :, wid, :, pl.ds(half * (BLK // 2), BLK // 2)],
                    sem_o[b],
                ).wait()
        pltpu.make_async_copy(
            table_hbm.at[idx_v.at[n_seq]], rows_v.at[0], sem_g[0]
        ).wait()

    return k(table, xt)


def kernel(x, table):
    b, n_seq = x.shape
    assert b == NW * BLK and n_seq % 2 == 0
    xt = x.T.astype(jnp.int32)
    phys = _sc_embed(table, xt, n_seq, b // BLK)
    out = phys.transpose(2, 4, 0, 1, 3).reshape(b, n_seq, D_MODEL)
    return out

# --- scband reference (transcript-rebuilt; emitter-appended) ---
"""Pipeline reference for scband-embeddings-87720412053569 (READ-ONLY COPY).

The authoritative reference and input builder live on the scoring server;
editing this copy changes nothing except your own understanding.
"""

import math
import jax, jax.numpy as jnp
import numpy as np

VOCAB = 1000000
D_MODEL = 64
PADDING_IDX = 2

def setup_inputs(seed: int = 0) -> dict:
    key = jax.random.key(seed)
    k1, k2 = jax.random.split(key)
    x = jax.random.randint(k1, (4096, 200), 0, VOCAB, dtype=jnp.int64 if jax.config.jax_enable_x64 else jnp.int32)
    # xavier_uniform init: bound = sqrt(6/(fan_in+fan_out))
    bound = math.sqrt(6.0 / (VOCAB + D_MODEL))
    table = jax.random.uniform(k2, (VOCAB, D_MODEL), dtype=jnp.float32, minval=-bound, maxval=bound)
    # padding_idx row is zero, matching nn.Embedding(padding_idx=2)
    table = table.at[PADDING_IDX].set(0.0)
    return {"x": x, "table": table}

def reference(x, table):
    # Embeddings.forward: self.embedding(x) * sqrt(d_model)
    out = jnp.take(table, x, axis=0) * math.sqrt(D_MODEL)
    return out

if __name__ == "__main__":
    import jax
    _d = setup_inputs()
    print(jax.jit(kernel)(*tuple(_d.values())))

</pallas_src>

<mosaic_0001>
#map = affine_map<(d0, d1) -> (0, 0)>
#map1 = affine_map<(d0, d1) -> (0, 0, 0, 0, 0)>
module attributes {stable_mosaic.version = 14 : i64} {
  func.func @k(%arg0: i32, %arg1: i32, %arg2: memref<1000000x64xf32, #tpu.memory_space<hbm>>, %arg3: memref<200x4096xi32, #tpu.memory_space<hbm>>, %arg4: memref<200x8x32x8x128xf32, #tpu.memory_space<hbm>>, %arg5: memref<201x128xi32, #tpu.memory_space<vmem>>, %arg6: memref<2x128x64xf32, #tpu.memory_space<vmem>>, %arg7: memref<2x8x8x129xf32, #tpu.memory_space<vmem>>, %arg8: memref<!tpu.dma_semaphore, #tpu.memory_space<semaphore_mem>>, %arg9: memref<!tpu.dma_semaphore, #tpu.memory_space<semaphore_mem>>, %arg10: memref<!tpu.dma_semaphore, #tpu.memory_space<semaphore_mem>>, %arg11: memref<!tpu.dma_semaphore, #tpu.memory_space<semaphore_mem>>) attributes {dimension_semantics = [#tpu.dimension_semantics<core_parallel>, #tpu.dimension_semantics<subcore_parallel>], iteration_bounds = array<i64: 2, 16>, scalar_prefetch = 0 : i64, scratch_operands = 7 : i64, tpu.core_type = #tpu.core_type<sc_vector_subcore>, window_params = [{transform_indices = #map}, {transform_indices = #map}, {transform_indices = #map1}]} {
    %mul3A = arith.constant 2 : i32
    %mul3A_0 = arith.muli %arg1, %mul3A : i32
    %add3A = arith.addi %mul3A_0, %arg0 : i32
    %mul3A_1 = arith.constant 128 : i32
    %mul3A_2 = arith.muli %add3A, %mul3A_1 : i32
    "tpu.region"() ({
      %run_scoped3A = tpu.sem_alloc : memref<!tpu.dma_semaphore, #tpu.memory_space<semaphore_mem>>
      %dma_start3A_186 = arith.constant 0 : i32
      %dma_start3A_187 = arith.constant 0 : i32
      %dma_start3A_188 = tpu.memref_slice %arg5[%dma_start3A_186, %dma_start3A_187] : memref<201x128xi32, #tpu.memory_space<vmem>> -> memref<200x128xi32, #tpu.memory_space<vmem>>
      %dma_start3A_189 = arith.constant 0 : i32
      %dma_start3A_190 = tpu.memref_slice %arg3[%dma_start3A_189, %mul3A_2] : memref<200x4096xi32, #tpu.memory_space<hbm>> -> memref<200x128xi32, #tpu.memory_space<hbm>>
      %dma_start3A_191 = arith.constant 0 : i32
      %dma_start3A_192 = arith.constant 0 : i32
      %dma_start3A_193 = tpu.memref_slice %arg5[%dma_start3A_191, %dma_start3A_192] : memref<201x128xi32, #tpu.memory_space<vmem>> -> memref<200x128xi32, #tpu.memory_space<vmem>>
      %dma_start3A_194 = arith.constant 0 : i32
      %dma_start3A_195 = tpu.memref_slice %arg3[%dma_start3A_194, %mul3A_2] : memref<200x4096xi32, #tpu.memory_space<hbm>> -> memref<200x128xi32, #tpu.memory_space<hbm>>
      tpu.enqueue_dma source(%dma_start3A_195 : memref<200x128xi32, #tpu.memory_space<hbm>>) target(%dma_start3A_193 : memref<200x128xi32, #tpu.memory_space<vmem>>) target_semaphore(%run_scoped3A : memref<!tpu.dma_semaphore, #tpu.memory_space<semaphore_mem>>)
      %dma_wait3A_196 = arith.constant 0 : i32
      %dma_wait3A_197 = arith.constant 0 : i32
      %dma_wait3A_198 = tpu.memref_slice %arg5[%dma_wait3A_196, %dma_wait3A_197] : memref<201x128xi32, #tpu.memory_space<vmem>> -> memref<200x128xi32, #tpu.memory_space<vmem>>
      %dma_wait3A_199 = arith.constant 0 : i32
      %dma_wait3A_200 = tpu.memref_slice %arg3[%dma_wait3A_199, %mul3A_2] : memref<200x4096xi32, #tpu.memory_space<hbm>> -> memref<200x128xi32, #tpu.memory_space<hbm>>
      %dma_wait3A_201 = arith.constant 0 : i32
      %dma_wait3A_202 = arith.constant 0 : i32
      %dma_wait3A_203 = tpu.memref_slice %arg5[%dma_wait3A_201, %dma_wait3A_202] : memref<201x128xi32, #tpu.memory_space<vmem>> -> memref<200x128xi32, #tpu.memory_space<vmem>>
      %dma_wait3A_204 = arith.constant 0 : i32
      %dma_wait3A_205 = tpu.memref_slice %arg3[%dma_wait3A_204, %mul3A_2] : memref<200x4096xi32, #tpu.memory_space<hbm>> -> memref<200x128xi32, #tpu.memory_space<hbm>>
      tpu.wait_dma2 semaphore(%run_scoped3A : memref<!tpu.dma_semaphore, #tpu.memory_space<semaphore_mem>>) src(%dma_wait3A_205 : memref<200x128xi32, #tpu.memory_space<hbm>>) dst(%dma_wait3A_203 : memref<200x128xi32, #tpu.memory_space<vmem>>)
      tpu.yield
    }) : () -> ()
    %iota3A = tpu.iota {dimensions = array<i32: 0>} : vector<16xi32>
    %mul3A_3 = arith.constant 0 : i32
    %mul3A_4 = vector.broadcast %mul3A_3 : i32 to vector<16xi32>
    %mul3A_5 = arith.muli %iota3A, %mul3A_4 : vector<16xi32>
    %swap3A = arith.constant 200 : i32
    %swap3A_6 = arith.index_cast %swap3A : i32 to index
    %swap3A_7 = arith.constant 0 : index
    %swap3A_8 = tpu.vector_load %arg5[%swap3A_6, %swap3A_7] {strides = array<i32>} : memref<201x128xi32, #tpu.memory_space<vmem>>, vector<16xi32>,
    tpu.vector_store %arg5[%swap3A_6, %swap3A_7], %mul3A_5 {strides = array<i32>} : memref<201x128xi32, #tpu.memory_space<vmem>>, vector<16xi32>,
    %swap3A_9 = arith.constant 200 : i32
    %swap3A_10 = arith.index_cast %swap3A_9 : i32 to index
    %swap3A_11 = arith.constant 16 : index
    %swap3A_12 = tpu.vector_load %arg5[%swap3A_10, %swap3A_11] {strides = array<i32>} : memref<201x128xi32, #tpu.memory_space<vmem>>, vector<16xi32>,
    tpu.vector_store %arg5[%swap3A_10, %swap3A_11], %mul3A_5 {strides = array<i32>} : memref<201x128xi32, #tpu.memory_space<vmem>>, vector<16xi32>,
    %swap3A_13 = arith.constant 200 : i32
    %swap3A_14 = arith.index_cast %swap3A_13 : i32 to index
    %swap3A_15 = arith.constant 32 : index
    %swap3A_16 = tpu.vector_load %arg5[%swap3A_14, %swap3A_15] {strides = array<i32>} : memref<201x128xi32, #tpu.memory_space<vmem>>, vector<16xi32>,
    tpu.vector_store %arg5[%swap3A_14, %swap3A_15], %mul3A_5 {strides = array<i32>} : memref<201x128xi32, #tpu.memory_space<vmem>>, vector<16xi32>,
    %swap3A_17 = arith.constant 200 : i32
    %swap3A_18 = arith.index_cast %swap3A_17 : i32 to index
    %swap3A_19 = arith.constant 48 : index
    %swap3A_20 = tpu.vector_load %arg5[%swap3A_18, %swap3A_19] {strides = array<i32>} : memref<201x128xi32, #tpu.memory_space<vmem>>, vector<16xi32>,
    tpu.vector_store %arg5[%swap3A_18, %swap3A_19], %mul3A_5 {strides = array<i32>} : memref<201x128xi32, #tpu.memory_space<vmem>>, vector<16xi32>,
    %swap3A_21 = arith.constant 200 : i32
    %swap3A_22 = arith.index_cast %swap3A_21 : i32 to index
    %swap3A_23 = arith.constant 64 : index
    %swap3A_24 = tpu.vector_load %arg5[%swap3A_22, %swap3A_23] {strides = array<i32>} : memref<201x128xi32, #tpu.memory_space<vmem>>, vector<16xi32>,
    tpu.vector_store %arg5[%swap3A_22, %swap3A_23], %mul3A_5 {strides = array<i32>} : memref<201x128xi32, #tpu.memory_space<vmem>>, vector<16xi32>,
    %swap3A_25 = arith.constant 200 : i32
    %swap3A_26 = arith.index_cast %swap3A_25 : i32 to index
    %swap3A_27 = arith.constant 80 : index
    %swap3A_28 = tpu.vector_load %arg5[%swap3A_26, %swap3A_27] {strides = array<i32>} : memref<201x128xi32, #tpu.memory_space<vmem>>, vector<16xi32>,
    tpu.vector_store %arg5[%swap3A_26, %swap3A_27], %mul3A_5 {strides = array<i32>} : memref<201x128xi32, #tpu.memory_space<vmem>>, vector<16xi32>,
    %swap3A_29 = arith.constant 200 : i32
    %swap3A_30 = arith.index_cast %swap3A_29 : i32 to index
    %swap3A_31 = arith.constant 96 : index
    %swap3A_32 = tpu.vector_load %arg5[%swap3A_30, %swap3A_31] {strides = array<i32>} : memref<201x128xi32, #tpu.memory_space<vmem>>, vector<16xi32>,
    tpu.vector_store %arg5[%swap3A_30, %swap3A_31], %mul3A_5 {strides = array<i32>} : memref<201x128xi32, #tpu.memory_space<vmem>>, vector<16xi32>,
    %swap3A_33 = arith.constant 200 : i32
    %swap3A_34 = arith.index_cast %swap3A_33 : i32 to index
    %swap3A_35 = arith.constant 112 : index
    %swap3A_36 = tpu.vector_load %arg5[%swap3A_34, %swap3A_35] {strides = array<i32>} : memref<201x128xi32, #tpu.memory_space<vmem>>, vector<16xi32>,
    tpu.vector_store %arg5[%swap3A_34, %swap3A_35], %mul3A_5 {strides = array<i32>} : memref<201x128xi32, #tpu.memory_space<vmem>>, vector<16xi32>,
    %add3A_37 = arith.constant 0 : i32
    %add3A_38 = vector.broadcast %add3A_37 : i32 to vector<16xi32>
    %add3A_39 = arith.addi %iota3A, %add3A_38 : vector<16xi32>
    %add3A_40 = arith.constant 16 : i32
    %add3A_41 = vector.broadcast %add3A_40 : i32 to vector<16xi32>
    %add3A_42 = arith.addi %iota3A, %add3A_41 : vector<16xi32>
    %add3A_43 = arith.constant 32 : i32
    %add3A_44 = vector.broadcast %add3A_43 : i32 to vector<16xi32>
    %add3A_45 = arith.addi %iota3A, %add3A_44 : vector<16xi32>
    %add3A_46 = arith.constant 48 : i32
    %add3A_47 = vector.broadcast %add3A_46 : i32 to vector<16xi32>
    %add3A_48 = arith.addi %iota3A, %add3A_47 : vector<16xi32>
    %shift_right_logical3A = arith.constant 3 : i32
    %shift_right_logical3A_49 = vector.broadcast %shift_right_logical3A : i32 to vector<16xi32>
    %shift_right_logical3A_50 = arith.shrui %add3A_39, %shift_right_logical3A_49 : vector<16xi32>
    %shift_right_logical3A_51 = arith.constant 3 : i32
    %shift_right_logical3A_52 = vector.broadcast %shift_right_logical3A_51 : i32 to vector<16xi32>
    %shift_right_logical3A_53 = arith.shrui %add3A_42, %shift_right_logical3A_52 : vector<16xi32>
    %shift_right_logical3A_54 = arith.constant 3 : i32
    %shift_right_logical3A_55 = vector.broadcast %shift_right_logical3A_54 : i32 to vector<16xi32>
    %shift_right_logical3A_56 = arith.shrui %add3A_45, %shift_right_logical3A_55 : vector<16xi32>
    %shift_right_logical3A_57 = arith.constant 3 : i32
    %shift_right_logical3A_58 = vector.broadcast %shift_right_logical3A_57 : i32 to vector<16xi32>
    %shift_right_logical3A_59 = arith.shrui %add3A_48, %shift_right_logical3A_58 : vector<16xi32>
    %and3A = arith.constant 7 : i32
    %and3A_60 = vector.broadcast %and3A : i32 to vector<16xi32>
    %and3A_61 = arith.andi %add3A_39, %and3A_60 : vector<16xi32>
    %and3A_62 = arith.constant 7 : i32
    %and3A_63 = vector.broadcast %and3A_62 : i32 to vector<16xi32>
    %and3A_64 = arith.andi %add3A_42, %and3A_63 : vector<16xi32>
    %and3A_65 = arith.constant 7 : i32
    %and3A_66 = vector.broadcast %and3A_65 : i32 to vector<16xi32>
    %and3A_67 = arith.andi %add3A_45, %and3A_66 : vector<16xi32>
    %and3A_68 = arith.constant 7 : i32
    %and3A_69 = vector.broadcast %and3A_68 : i32 to vector<16xi32>
    %and3A_70 = arith.andi %add3A_48, %and3A_69 : vector<16xi32>
    %dma_start3A = arith.constant 0 : i32
    %dma_start3A_71 = arith.constant 0 : i32
    %dma_start3A_72 = arith.constant 0 : i32
    %dma_start3A_73 = arith.constant 0 : i32
    %dma_start3A_74 = tpu.memref_slice %arg6[%dma_start3A_71, %dma_start3A_72, %dma_start3A_73] : memref<2x128x64xf32, #tpu.memory_space<vmem>> -> memref<1x128x64xf32, #tpu.memory_space<vmem>>
    %dma_start3A_75 = tpu.memref_squeeze %dma_start3A_74 : memref<1x128x64xf32, #tpu.memory_space<vmem>> -> memref<128x64xf32, #tpu.memory_space<vmem>>
    %dma_start3A_76 = arith.constant 0 : i32
    %dma_start3A_77 = tpu.memref_slice %arg5[%dma_start3A, %dma_start3A_76] : memref<201x128xi32, #tpu.memory_space<vmem>> -> memref<1x128xi32, #tpu.memory_space<vmem>>
    %dma_start3A_78 = tpu.memref_squeeze %dma_start3A_77 : memref<1x128xi32, #tpu.memory_space<vmem>> -> memref<128xi32, #tpu.memory_space<vmem>>
    %dma_start3A_79 = arith.constant 0 : i32
    %dma_start3A_80 = arith.constant 0 : i32
    %dma_start3A_81 = tpu.memref_slice %arg2[%dma_start3A_79, %dma_start3A_80] : memref<1000000x64xf32, #tpu.memory_space<hbm>> -> memref<1000000x64xf32, #tpu.memory_space<hbm>>
    tpu.enqueue_indirect_dma source(%dma_start3A_81 : memref<1000000x64xf32, #tpu.memory_space<hbm>>) target(%dma_start3A_75 : memref<128x64xf32, #tpu.memory_space<vmem>>) offsets(%dma_start3A_78 : memref<128xi32, #tpu.memory_space<vmem>>) semaphore(%arg8 : memref<!tpu.dma_semaphore, #tpu.memory_space<semaphore_mem>>)
    %scan3A = arith.constant 0 : i32
    %scan3A_82 = arith.constant 0 : i32
    %scan3A_83 = arith.constant 100 : i32
    %scan3A_84 = arith.addi %scan3A_82, %scan3A_83 : i32
    %scan3A_85 = arith.constant 1 : i32
    scf.for %scan3A_186 = %scan3A_82 to %scan3A_84 step %scan3A_85  : i32 {
      %mul3A_187 = arith.constant 2 : i32
      %mul3A_188 = arith.muli %mul3A_187, %scan3A_186 : i32
      %add3A_189 = arith.constant 0 : i32
      %add3A_190 = arith.addi %mul3A_188, %add3A_189 : i32
      %add3A_191 = arith.constant 1 : i32
      %add3A_192 = arith.addi %add3A_190, %add3A_191 : i32
      %dma_start3A_193 = arith.constant 1 : i32
      %dma_start3A_194 = arith.constant 0 : i32
      %dma_start3A_195 = arith.constant 0 : i32
      %dma_start3A_196 = tpu.memref_slice %arg6[%dma_start3A_193, %dma_start3A_194, %dma_start3A_195] : memref<2x128x64xf32, #tpu.memory_space<vmem>> -> memref<1x128x64xf32, #tpu.memory_space<vmem>>
      %dma_start3A_197 = tpu.memref_squeeze %dma_start3A_196 : memref<1x128x64xf32, #tpu.memory_space<vmem>> -> memref<128x64xf32, #tpu.memory_space<vmem>>
      %dma_start3A_198 = arith.constant 0 : i32
      %dma_start3A_199 = tpu.memref_slice %arg5[%add3A_192, %dma_start3A_198] : memref<201x128xi32, #tpu.memory_space<vmem>> -> memref<1x128xi32, #tpu.memory_space<vmem>>
      %dma_start3A_200 = tpu.memref_squeeze %dma_start3A_199 : memref<1x128xi32, #tpu.memory_space<vmem>> -> memref<128xi32, #tpu.memory_space<vmem>>
      %dma_start3A_201 = arith.constant 0 : i32
      %dma_start3A_202 = arith.constant 0 : i32
      %dma_start3A_203 = tpu.memref_slice %arg2[%dma_start3A_201, %dma_start3A_202] : memref<1000000x64xf32, #tpu.memory_space<hbm>> -> memref<1000000x64xf32, #tpu.memory_space<hbm>>
      tpu.enqueue_indirect_dma source(%dma_start3A_203 : memref<1000000x64xf32, #tpu.memory_space<hbm>>) target(%dma_start3A_197 : memref<128x64xf32, #tpu.memory_space<vmem>>) offsets(%dma_start3A_200 : memref<128xi32, #tpu.memory_space<vmem>>) semaphore(%arg9 : memref<!tpu.dma_semaphore, #tpu.memory_space<semaphore_mem>>)
      %dma_wait3A_204 = arith.constant 0 : i32
      %dma_wait3A_205 = arith.constant 0 : i32
      %dma_wait3A_206 = arith.constant 0 : i32
      %dma_wait3A_207 = tpu.memref_slice %arg6[%dma_wait3A_204, %dma_wait3A_205, %dma_wait3A_206] : memref<2x128x64xf32, #tpu.memory_space<vmem>> -> memref<1x128x64xf32, #tpu.memory_space<vmem>>
      %dma_wait3A_208 = tpu.memref_squeeze %dma_wait3A_207 : memref<1x128x64xf32, #tpu.memory_space<vmem>> -> memref<128x64xf32, #tpu.memory_space<vmem>>
      %dma_wait3A_209 = arith.constant 0 : i32
      %dma_wait3A_210 = tpu.memref_slice %arg5[%add3A_190, %dma_wait3A_209] : memref<201x128xi32, #tpu.memory_space<vmem>> -> memref<1x128xi32, #tpu.memory_space<vmem>>
      %dma_wait3A_211 = tpu.memref_squeeze %dma_wait3A_210 : memref<1x128xi32, #tpu.memory_space<vmem>> -> memref<128xi32, #tpu.memory_space<vmem>>
      %dma_wait3A_212 = arith.constant 0 : i32
      %dma_wait3A_213 = arith.constant 0 : i32
      %dma_wait3A_214 = tpu.memref_slice %arg2[%dma_wait3A_212, %dma_wait3A_213] : memref<1000000x64xf32, #tpu.memory_space<hbm>> -> memref<1000000x64xf32, #tpu.memory_space<hbm>>
      tpu.wait_indirect_dma semaphore(%arg8 : memref<!tpu.dma_semaphore, #tpu.memory_space<semaphore_mem>>) src(%dma_wait3A_214 : memref<1000000x64xf32, #tpu.memory_space<hbm>>) dst(%dma_wait3A_208 : memref<128x64xf32, #tpu.memory_space<vmem>>)
      %gt3A = arith.constant 0 : i32
      %gt3A_215 = arith.cmpi sgt, %scan3A_186, %gt3A : i32
      %convert_element_type3A = arith.extui %gt3A_215 : i1 to i32
      %cond3A = arith.constant 0 : i32
      %cond3A_216 = arith.cmpi ne, %convert_element_type3A, %cond3A : i32
      scf.if %cond3A_216 {
        %dma_wait3A_345 = arith.constant 0 : i32
        %dma_wait3A_346 = arith.constant 0 : i32
        %dma_wait3A_347 = arith.constant 0 : i32
        %dma_wait3A_348 = arith.constant 0 : i32
        %dma_wait3A_349 = tpu.memref_slice %arg7[%dma_wait3A_345, %dma_wait3A_346, %dma_wait3A_347, %dma_wait3A_348] : memref<2x8x8x129xf32, #tpu.memory_space<vmem>> -> memref<1x8x8x64xf32, #tpu.memory_space<vmem>>
        %dma_wait3A_350 = tpu.memref_squeeze %dma_wait3A_349 : memref<1x8x8x64xf32, #tpu.memory_space<vmem>> -> memref<8x8x64xf32, #tpu.memory_space<vmem>>
        %dma_wait3A_351 = arith.constant 0 : i32
        %dma_wait3A_352 = arith.constant 0 : i32
        %dma_wait3A_353 = arith.constant 0 : i32
        %dma_wait3A_354 = tpu.memref_slice %arg4[%add3A_190, %dma_wait3A_351, %add3A, %dma_wait3A_352, %dma_wait3A_353] : memref<200x8x32x8x128xf32, #tpu.memory_space<hbm>> -> memref<1x8x1x8x64xf32, #tpu.memory_space<hbm>>
        %dma_wait3A_355 = tpu.memref_squeeze %dma_wait3A_354 : memref<1x8x1x8x64xf32, #tpu.memory_space<hbm>> -> memref<8x8x64xf32, #tpu.memory_space<hbm>>
        %dma_wait3A_356 = arith.constant 0 : i32
        %dma_wait3A_357 = arith.constant 0 : i32
        %dma_wait3A_358 = arith.constant 0 : i32
        %dma_wait3A_359 = tpu.memref_slice %arg4[%add3A_190, %dma_wait3A_356, %add3A, %dma_wait3A_357, %dma_wait3A_358] : memref<200x8x32x8x128xf32, #tpu.memory_space<hbm>> -> memref<1x8x1x8x64xf32, #tpu.memory_space<hbm>>
        %dma_wait3A_360 = tpu.memref_squeeze %dma_wait3A_359 : memref<1x8x1x8x64xf32, #tpu.memory_space<hbm>> -> memref<8x8x64xf32, #tpu.memory_space<hbm>>
        %dma_wait3A_361 = arith.constant 0 : i32
        %dma_wait3A_362 = arith.constant 0 : i32
        %dma_wait3A_363 = arith.constant 0 : i32
        %dma_wait3A_364 = tpu.memref_slice %arg7[%dma_wait3A_345, %dma_wait3A_361, %dma_wait3A_362, %dma_wait3A_363] : memref<2x8x8x129xf32, #tpu.memory_space<vmem>> -> memref<1x8x8x64xf32, #tpu.memory_space<vmem>>
        %dma_wait3A_365 = tpu.memref_squeeze %dma_wait3A_364 : memref<1x8x8x64xf32, #tpu.memory_space<vmem>> -> memref<8x8x64xf32, #tpu.memory_space<vmem>>
        tpu.wait_dma2 semaphore(%arg10 : memref<!tpu.dma_semaphore, #tpu.memory_space<semaphore_mem>>) src(%dma_wait3A_365 : memref<8x8x64xf32, #tpu.memory_space<vmem>>) dst(%dma_wait3A_360 : memref<8x8x64xf32, #tpu.memory_space<hbm>>)
        %dma_wait3A_366 = arith.constant 0 : i32
        %dma_wait3A_367 = arith.constant 0 : i32
        %dma_wait3A_368 = arith.constant 0 : i32
        %dma_wait3A_369 = arith.constant 64 : i32
        %dma_wait3A_370 = tpu.memref_slice %arg7[%dma_wait3A_366, %dma_wait3A_367, %dma_wait3A_368, %dma_wait3A_369] : memref<2x8x8x129xf32, #tpu.memory_space<vmem>> -> memref<1x8x8x64xf32, #tpu.memory_space<vmem>>
        %dma_wait3A_371 = tpu.memref_squeeze %dma_wait3A_370 : memref<1x8x8x64xf32, #tpu.memory_space<vmem>> -> memref<8x8x64xf32, #tpu.memory_space<vmem>>
        %dma_wait3A_372 = arith.constant 0 : i32
        %dma_wait3A_373 = arith.constant 0 : i32
        %dma_wait3A_374 = arith.constant 64 : i32
        %dma_wait3A_375 = tpu.memref_slice %arg4[%add3A_190, %dma_wait3A_372, %add3A, %dma_wait3A_373, %dma_wait3A_374] : memref<200x8x32x8x128xf32, #tpu.memory_space<hbm>> -> memref<1x8x1x8x64xf32, #tpu.memory_space<hbm>>
        %dma_wait3A_376 = tpu.memref_squeeze %dma_wait3A_375 : memref<1x8x1x8x64xf32, #tpu.memory_space<hbm>> -> memref<8x8x64xf32, #tpu.memory_space<hbm>>
        %dma_wait3A_377 = arith.constant 0 : i32
        %dma_wait3A_378 = arith.constant 0 : i32
        %dma_wait3A_379 = arith.constant 64 : i32
        %dma_wait3A_380 = tpu.memref_slice %arg4[%add3A_190, %dma_wait3A_377, %add3A, %dma_wait3A_378, %dma_wait3A_379] : memref<200x8x32x8x128xf32, #tpu.memory_space<hbm>> -> memref<1x8x1x8x64xf32, #tpu.memory_space<hbm>>
        %dma_wait3A_381 = tpu.memref_squeeze %dma_wait3A_380 : memref<1x8x1x8x64xf32, #tpu.memory_space<hbm>> -> memref<8x8x64xf32, #tpu.memory_space<hbm>>
        %dma_wait3A_382 = arith.constant 0 : i32
        %dma_wait3A_383 = arith.constant 0 : i32
        %dma_wait3A_384 = arith.constant 64 : i32
        %dma_wait3A_385 = tpu.memref_slice %arg7[%dma_wait3A_366, %dma_wait3A_382, %dma_wait3A_383, %dma_wait3A_384] : memref<2x8x8x129xf32, #tpu.memory_space<vmem>> -> memref<1x8x8x64xf32, #tpu.memory_space<vmem>>
        %dma_wait3A_386 = tpu.memref_squeeze %dma_wait3A_385 : memref<1x8x8x64xf32, #tpu.memory_space<vmem>> -> memref<8x8x64xf32, #tpu.memory_space<vmem>>
        tpu.wait_dma2 semaphore(%arg10 : memref<!tpu.dma_semaphore, #tpu.memory_space<semaphore_mem>>) src(%dma_wait3A_386 : memref<8x8x64xf32, #tpu.memory_space<vmem>>) dst(%dma_wait3A_381 : memref<8x8x64xf32, #tpu.memory_space<hbm>>)
      } else {
      }
      %parallel_loop3A = arith.constant 0 : i32
      %parallel_loop3A_217 = arith.constant 64 : i32
      %parallel_loop3A_218 = arith.constant 1 : i32
      scf.for %parallel_loop3A_345 = %parallel_loop3A to %parallel_loop3A_217 step %parallel_loop3A_218  : i32 {
        %parallel_loop3A_346 = vector.broadcast %parallel_loop3A_345 : i32 to vector<16xi32>
        %parallel_loop3A_347 = arith.addi %mul3A_5, %parallel_loop3A_346 : vector<16xi32>
        %parallel_loop3A_348 = arith.constant 0 : i32
        %parallel_loop3A_349 = arith.index_cast %parallel_loop3A_348 : i32 to index
        %parallel_loop3A_350 = arith.index_cast %parallel_loop3A_345 : i32 to index
        %parallel_loop3A_351 = arith.constant 0 : index
        %parallel_loop3A_352 = tpu.vector_load %arg6[%parallel_loop3A_349, %parallel_loop3A_350, %parallel_loop3A_351] {strides = array<i32>} : memref<2x128x64xf32, #tpu.memory_space<vmem>>, vector<16xf32>,
        %parallel_loop3A_353 = arith.constant 8.000000e+00 : f32
        %parallel_loop3A_354 = vector.broadcast %parallel_loop3A_353 : f32 to vector<16xf32>
        %parallel_loop3A_355 = arith.mulf %parallel_loop3A_352, %parallel_loop3A_354 : vector<16xf32>
        %parallel_loop3A_356 = arith.constant 0 : i32
        %parallel_loop3A_357 = arith.constant 0 : i32
        %parallel_loop3A_358 = arith.constant 0 : i32
        %parallel_loop3A_359 = arith.constant 0 : i32
        %parallel_loop3A_360 = tpu.memref_slice %arg7[%parallel_loop3A_356, %parallel_loop3A_357, %parallel_loop3A_358, %parallel_loop3A_359] : memref<2x8x8x129xf32, #tpu.memory_space<vmem>> -> memref<1x8x8x129xf32, #tpu.memory_space<vmem>>
        %parallel_loop3A_361 = tpu.memref_squeeze %parallel_loop3A_360 : memref<1x8x8x129xf32, #tpu.memory_space<vmem>> -> memref<8x8x129xf32, #tpu.memory_space<vmem>>
        tpu.vector_store_idx %parallel_loop3A_361[%shift_right_logical3A_50, %and3A_61, %parallel_loop3A_347], %parallel_loop3A_355 : memref<8x8x129xf32, #tpu.memory_space<vmem>>[vector<16xi32>, vector<16xi32>, vector<16xi32>], vector<16xf32>,
        %parallel_loop3A_362 = arith.constant 0 : i32
        %parallel_loop3A_363 = arith.index_cast %parallel_loop3A_362 : i32 to index
        %parallel_loop3A_364 = arith.index_cast %parallel_loop3A_345 : i32 to index
        %parallel_loop3A_365 = arith.constant 16 : index
        %parallel_loop3A_366 = tpu.vector_load %arg6[%parallel_loop3A_363, %parallel_loop3A_364, %parallel_loop3A_365] {strides = array<i32>} : memref<2x128x64xf32, #tpu.memory_space<vmem>>, vector<16xf32>,
        %parallel_loop3A_367 = arith.constant 8.000000e+00 : f32
        %parallel_loop3A_368 = vector.broadcast %parallel_loop3A_367 : f32 to vector<16xf32>
        %parallel_loop3A_369 = arith.mulf %parallel_loop3A_366, %parallel_loop3A_368 : vector<16xf32>
        %parallel_loop3A_370 = arith.constant 0 : i32
        %parallel_loop3A_371 = arith.constant 0 : i32
        %parallel_loop3A_372 = arith.constant 0 : i32
        %parallel_loop3A_373 = arith.constant 0 : i32
        %parallel_loop3A_374 = tpu.memref_slice %arg7[%parallel_loop3A_370, %parallel_loop3A_371, %parallel_loop3A_372, %parallel_loop3A_373] : memref<2x8x8x129xf32, #tpu.memory_space<vmem>> -> memref<1x8x8x129xf32, #tpu.memory_space<vmem>>
        %parallel_loop3A_375 = tpu.memref_squeeze %parallel_loop3A_374 : memref<1x8x8x129xf32, #tpu.memory_space<vmem>> -> memref<8x8x129xf32, #tpu.memory_space<vmem>>
        tpu.vector_store_idx %parallel_loop3A_375[%shift_right_logical3A_53, %and3A_64, %parallel_loop3A_347], %parallel_loop3A_369 : memref<8x8x129xf32, #tpu.memory_space<vmem>>[vector<16xi32>, vector<16xi32>, vector<16xi32>], vector<16xf32>,
        %parallel_loop3A_376 = arith.constant 0 : i32
        %parallel_loop3A_377 = arith.index_cast %parallel_loop3A_376 : i32 to index
        %parallel_loop3A_378 = arith.index_cast %parallel_loop3A_345 : i32 to index
        %parallel_loop3A_379 = arith.constant 32 : index
        %parallel_loop3A_380 = tpu.vector_load %arg6[%parallel_loop3A_377, %parallel_loop3A_378, %parallel_loop3A_379] {strides = array<i32>} : memref<2x128x64xf32, #tpu.memory_space<vmem>>, vector<16xf32>,
        %parallel_loop3A_381 = arith.constant 8.000000e+00 : f32
        %parallel_loop3A_382 = vector.broadcast %parallel_loop3A_381 : f32 to vector<16xf32>
        %parallel_loop3A_383 = arith.mulf %parallel_loop3A_380, %parallel_loop3A_382 : vector<16xf32>
        %parallel_loop3A_384 = arith.constant 0 : i32
        %parallel_loop3A_385 = arith.constant 0 : i32
        %parallel_loop3A_386 = arith.constant 0 : i32
        %parallel_loop3A_387 = arith.constant 0 : i32
        %parallel_loop3A_388 = tpu.memref_slice %arg7[%parallel_loop3A_384, %parallel_loop3A_385, %parallel_loop3A_386, %parallel_loop3A_387] : memref<2x8x8x129xf32, #tpu.memory_space<vmem>> -> memref<1x8x8x129xf32, #tpu.memory_space<vmem>>
        %parallel_loop3A_389 = tpu.memref_squeeze %parallel_loop3A_388 : memref<1x8x8x129xf32, #tpu.memory_space<vmem>> -> memref<8x8x129xf32, #tpu.memory_space<vmem>>
        tpu.vector_store_idx %parallel_loop3A_389[%shift_right_logical3A_56, %and3A_67, %parallel_loop3A_347], %parallel_loop3A_383 : memref<8x8x129xf32, #tpu.memory_space<vmem>>[vector<16xi32>, vector<16xi32>, vector<16xi32>], vector<16xf32>,
        %parallel_loop3A_390 = arith.constant 0 : i32
        %parallel_loop3A_391 = arith.index_cast %parallel_loop3A_390 : i32 to index
        %parallel_loop3A_392 = arith.index_cast %parallel_loop3A_345 : i32 to index
        %parallel_loop3A_393 = arith.constant 48 : index
        %parallel_loop3A_394 = tpu.vector_load %arg6[%parallel_loop3A_391, %parallel_loop3A_392, %parallel_loop3A_393] {strides = array<i32>} : memref<2x128x64xf32, #tpu.memory_space<vmem>>, vector<16xf32>,
        %parallel_loop3A_395 = arith.constant 8.000000e+00 : f32
        %parallel_loop3A_396 = vector.broadcast %parallel_loop3A_395 : f32 to vector<16xf32>
        %parallel_loop3A_397 = arith.mulf %parallel_loop3A_394, %parallel_loop3A_396 : vector<16xf32>
        %parallel_loop3A_398 = arith.constant 0 : i32
        %parallel_loop3A_399 = arith.constant 0 : i32
        %parallel_loop3A_400 = arith.constant 0 : i32
        %parallel_loop3A_401 = arith.constant 0 : i32
        %parallel_loop3A_402 = tpu.memref_slice %arg7[%parallel_loop3A_398, %parallel_loop3A_399, %parallel_loop3A_400, %parallel_loop3A_401] : memref<2x8x8x129xf32, #tpu.memory_space<vmem>> -> memref<1x8x8x129xf32, #tpu.memory_space<vmem>>
        %parallel_loop3A_403 = tpu.memref_squeeze %parallel_loop3A_402 : memref<1x8x8x129xf32, #tpu.memory_space<vmem>> -> memref<8x8x129xf32, #tpu.memory_space<vmem>>
        tpu.vector_store_idx %parallel_loop3A_403[%shift_right_logical3A_59, %and3A_70, %parallel_loop3A_347], %parallel_loop3A_397 : memref<8x8x129xf32, #tpu.memory_space<vmem>>[vector<16xi32>, vector<16xi32>, vector<16xi32>], vector<16xf32>,
      } {sc.loop_unroll_factor = 8 : i64, sc.parallel_access}
      %dma_start3A_219 = arith.constant 0 : i32
      %dma_start3A_220 = arith.constant 0 : i32
      %dma_start3A_221 = arith.constant 0 : i32
      %dma_start3A_222 = arith.constant 0 : i32
      %dma_start3A_223 = tpu.memref_slice %arg7[%dma_start3A_219, %dma_start3A_220, %dma_start3A_221, %dma_start3A_222] : memref<2x8x8x129xf32, #tpu.memory_space<vmem>> -> memref<1x8x8x64xf32, #tpu.memory_space<vmem>>
      %dma_start3A_224 = tpu.memref_squeeze %dma_start3A_223 : memref<1x8x8x64xf32, #tpu.memory_space<vmem>> -> memref<8x8x64xf32, #tpu.memory_space<vmem>>
      %dma_start3A_225 = arith.constant 0 : i32
      %dma_start3A_226 = arith.constant 0 : i32
      %dma_start3A_227 = arith.constant 0 : i32
      %dma_start3A_228 = tpu.memref_slice %arg4[%add3A_190, %dma_start3A_225, %add3A, %dma_start3A_226, %dma_start3A_227] : memref<200x8x32x8x128xf32, #tpu.memory_space<hbm>> -> memref<1x8x1x8x64xf32, #tpu.memory_space<hbm>>
      %dma_start3A_229 = tpu.memref_squeeze %dma_start3A_228 : memref<1x8x1x8x64xf32, #tpu.memory_space<hbm>> -> memref<8x8x64xf32, #tpu.memory_space<hbm>>
      %dma_start3A_230 = arith.constant 0 : i32
      %dma_start3A_231 = arith.constant 0 : i32
      %dma_start3A_232 = arith.constant 0 : i32
      %dma_start3A_233 = tpu.memref_slice %arg4[%add3A_190, %dma_start3A_230, %add3A, %dma_start3A_231, %dma_start3A_232] : memref<200x8x32x8x128xf32, #tpu.memory_space<hbm>> -> memref<1x8x1x8x64xf32, #tpu.memory_space<hbm>>
      %dma_start3A_234 = tpu.memref_squeeze %dma_start3A_233 : memref<1x8x1x8x64xf32, #tpu.memory_space<hbm>> -> memref<8x8x64xf32, #tpu.memory_space<hbm>>
      %dma_start3A_235 = arith.constant 0 : i32
      %dma_start3A_236 = arith.constant 0 : i32
      %dma_start3A_237 = arith.constant 0 : i32
      %dma_start3A_238 = tpu.memref_slice %arg7[%dma_start3A_219, %dma_start3A_235, %dma_start3A_236, %dma_start3A_237] : memref<2x8x8x129xf32, #tpu.memory_space<vmem>> -> memref<1x8x8x64xf32, #tpu.memory_space<vmem>>
      %dma_start3A_239 = tpu.memref_squeeze %dma_start3A_238 : memref<1x8x8x64xf32, #tpu.memory_space<vmem>> -> memref<8x8x64xf32, #tpu.memory_space<vmem>>
      tpu.enqueue_dma source(%dma_start3A_239 : memref<8x8x64xf32, #tpu.memory_space<vmem>>) target(%dma_start3A_234 : memref<8x8x64xf32, #tpu.memory_space<hbm>>) target_semaphore(%arg10 : memref<!tpu.dma_semaphore, #tpu.memory_space<semaphore_mem>>)
      %parallel_loop3A_240 = arith.constant 64 : i32
      %parallel_loop3A_241 = arith.constant 128 : i32
      %parallel_loop3A_242 = arith.constant 1 : i32
      scf.for %parallel_loop3A_345 = %parallel_loop3A_240 to %parallel_loop3A_241 step %parallel_loop3A_242  : i32 {
        %parallel_loop3A_346 = vector.broadcast %parallel_loop3A_345 : i32 to vector<16xi32>
        %parallel_loop3A_347 = arith.addi %mul3A_5, %parallel_loop3A_346 : vector<16xi32>
        %parallel_loop3A_348 = arith.constant 0 : i32
        %parallel_loop3A_349 = arith.index_cast %parallel_loop3A_348 : i32 to index
        %parallel_loop3A_350 = arith.index_cast %parallel_loop3A_345 : i32 to index
        %parallel_loop3A_351 = arith.constant 0 : index
        %parallel_loop3A_352 = tpu.vector_load %arg6[%parallel_loop3A_349, %parallel_loop3A_350, %parallel_loop3A_351] {strides = array<i32>} : memref<2x128x64xf32, #tpu.memory_space<vmem>>, vector<16xf32>,
        %parallel_loop3A_353 = arith.constant 8.000000e+00 : f32
        %parallel_loop3A_354 = vector.broadcast %parallel_loop3A_353 : f32 to vector<16xf32>
        %parallel_loop3A_355 = arith.mulf %parallel_loop3A_352, %parallel_loop3A_354 : vector<16xf32>
        %parallel_loop3A_356 = arith.constant 0 : i32
        %parallel_loop3A_357 = arith.constant 0 : i32
        %parallel_loop3A_358 = arith.constant 0 : i32
        %parallel_loop3A_359 = arith.constant 0 : i32
        %parallel_loop3A_360 = tpu.memref_slice %arg7[%parallel_loop3A_356, %parallel_loop3A_357, %parallel_loop3A_358, %parallel_loop3A_359] : memref<2x8x8x129xf32, #tpu.memory_space<vmem>> -> memref<1x8x8x129xf32, #tpu.memory_space<vmem>>
        %parallel_loop3A_361 = tpu.memref_squeeze %parallel_loop3A_360 : memref<1x8x8x129xf32, #tpu.memory_space<vmem>> -> memref<8x8x129xf32, #tpu.memory_space<vmem>>
        tpu.vector_store_idx %parallel_loop3A_361[%shift_right_logical3A_50, %and3A_61, %parallel_loop3A_347], %parallel_loop3A_355 : memref<8x8x129xf32, #tpu.memory_space<vmem>>[vector<16xi32>, vector<16xi32>, vector<16xi32>], vector<16xf32>,
        %parallel_loop3A_362 = arith.constant 0 : i32
        %parallel_loop3A_363 = arith.index_cast %parallel_loop3A_362 : i32 to index
        %parallel_loop3A_364 = arith.index_cast %parallel_loop3A_345 : i32 to index
        %parallel_loop3A_365 = arith.constant 16 : index
        %parallel_loop3A_366 = tpu.vector_load %arg6[%parallel_loop3A_363, %parallel_loop3A_364, %parallel_loop3A_365] {strides = array<i32>} : memref<2x128x64xf32, #tpu.memory_space<vmem>>, vector<16xf32>,
        %parallel_loop3A_367 = arith.constant 8.000000e+00 : f32
        %parallel_loop3A_368 = vector.broadcast %parallel_loop3A_367 : f32 to vector<16xf32>
        %parallel_loop3A_369 = arith.mulf %parallel_loop3A_366, %parallel_loop3A_368 : vector<16xf32>
        %parallel_loop3A_370 = arith.constant 0 : i32
        %parallel_loop3A_371 = arith.constant 0 : i32
        %parallel_loop3A_372 = arith.constant 0 : i32
        %parallel_loop3A_373 = arith.constant 0 : i32
        %parallel_loop3A_374 = tpu.memref_slice %arg7[%parallel_loop3A_370, %parallel_loop3A_371, %parallel_loop3A_372, %parallel_loop3A_373] : memref<2x8x8x129xf32, #tpu.memory_space<vmem>> -> memref<1x8x8x129xf32, #tpu.memory_space<vmem>>
        %parallel_loop3A_375 = tpu.memref_squeeze %parallel_loop3A_374 : memref<1x8x8x129xf32, #tpu.memory_space<vmem>> -> memref<8x8x129xf32, #tpu.memory_space<vmem>>
        tpu.vector_store_idx %parallel_loop3A_375[%shift_right_logical3A_53, %and3A_64, %parallel_loop3A_347], %parallel_loop3A_369 : memref<8x8x129xf32, #tpu.memory_space<vmem>>[vector<16xi32>, vector<16xi32>, vector<16xi32>], vector<16xf32>,
        %parallel_loop3A_376 = arith.constant 0 : i32
        %parallel_loop3A_377 = arith.index_cast %parallel_loop3A_376 : i32 to index
        %parallel_loop3A_378 = arith.index_cast %parallel_loop3A_345 : i32 to index
        %parallel_loop3A_379 = arith.constant 32 : index
        %parallel_loop3A_380 = tpu.vector_load %arg6[%parallel_loop3A_377, %parallel_loop3A_378, %parallel_loop3A_379] {strides = array<i32>} : memref<2x128x64xf32, #tpu.memory_space<vmem>>, vector<16xf32>,
        %parallel_loop3A_381 = arith.constant 8.000000e+00 : f32
        %parallel_loop3A_382 = vector.broadcast %parallel_loop3A_381 : f32 to vector<16xf32>
        %parallel_loop3A_383 = arith.mulf %parallel_loop3A_380, %parallel_loop3A_382 : vector<16xf32>
        %parallel_loop3A_384 = arith.constant 0 : i32
        %parallel_loop3A_385 = arith.constant 0 : i32
        %parallel_loop3A_386 = arith.constant 0 : i32
        %parallel_loop3A_387 = arith.constant 0 : i32
        %parallel_loop3A_388 = tpu.memref_slice %arg7[%parallel_loop3A_384, %parallel_loop3A_385, %parallel_loop3A_386, %parallel_loop3A_387] : memref<2x8x8x129xf32, #tpu.memory_space<vmem>> -> memref<1x8x8x129xf32, #tpu.memory_space<vmem>>
        %parallel_loop3A_389 = tpu.memref_squeeze %parallel_loop3A_388 : memref<1x8x8x129xf32, #tpu.memory_space<vmem>> -> memref<8x8x129xf32, #tpu.memory_space<vmem>>
        tpu.vector_store_idx %parallel_loop3A_389[%shift_right_logical3A_56, %and3A_67, %parallel_loop3A_347], %parallel_loop3A_383 : memref<8x8x129xf32, #tpu.memory_space<vmem>>[vector<16xi32>, vector<16xi32>, vector<16xi32>], vector<16xf32>,
        %parallel_loop3A_390 = arith.constant 0 : i32
        %parallel_loop3A_391 = arith.index_cast %parallel_loop3A_390 : i32 to index
        %parallel_loop3A_392 = arith.index_cast %parallel_loop3A_345 : i32 to index
        %parallel_loop3A_393 = arith.constant 48 : index
        %parallel_loop3A_394 = tpu.vector_load %arg6[%parallel_loop3A_391, %parallel_loop3A_392, %parallel_loop3A_393] {strides = array<i32>} : memref<2x128x64xf32, #tpu.memory_space<vmem>>, vector<16xf32>,
        %parallel_loop3A_395 = arith.constant 8.000000e+00 : f32
        %parallel_loop3A_396 = vector.broadcast %parallel_loop3A_395 : f32 to vector<16xf32>
        %parallel_loop3A_397 = arith.mulf %parallel_loop3A_394, %parallel_loop3A_396 : vector<16xf32>
        %parallel_loop3A_398 = arith.constant 0 : i32
        %parallel_loop3A_399 = arith.constant 0 : i32
        %parallel_loop3A_400 = arith.constant 0 : i32
        %parallel_loop3A_401 = arith.constant 0 : i32
        %parallel_loop3A_402 = tpu.memref_slice %arg7[%parallel_loop3A_398, %parallel_loop3A_399, %parallel_loop3A_400, %parallel_loop3A_401] : memref<2x8x8x129xf32, #tpu.memory_space<vmem>> -> memref<1x8x8x129xf32, #tpu.memory_space<vmem>>
        %parallel_loop3A_403 = tpu.memref_squeeze %parallel_loop3A_402 : memref<1x8x8x129xf32, #tpu.memory_space<vmem>> -> memref<8x8x129xf32, #tpu.memory_space<vmem>>
        tpu.vector_store_idx %parallel_loop3A_403[%shift_right_logical3A_59, %and3A_70, %parallel_loop3A_347], %parallel_loop3A_397 : memref<8x8x129xf32, #tpu.memory_space<vmem>>[vector<16xi32>, vector<16xi32>, vector<16xi32>], vector<16xf32>,
      } {sc.loop_unroll_factor = 8 : i64, sc.parallel_access}
      %dma_start3A_243 = arith.constant 0 : i32
      %dma_start3A_244 = arith.constant 0 : i32
      %dma_start3A_245 = arith.constant 0 : i32
      %dma_start3A_246 = arith.constant 64 : i32
      %dma_start3A_247 = tpu.memref_slice %arg7[%dma_start3A_243, %dma_start3A_244, %dma_start3A_245, %dma_start3A_246] : memref<2x8x8x129xf32, #tpu.memory_space<vmem>> -> memref<1x8x8x64xf32, #tpu.memory_space<vmem>>
      %dma_start3A_248 = tpu.memref_squeeze %dma_start3A_247 : memref<1x8x8x64xf32, #tpu.memory_space<vmem>> -> memref<8x8x64xf32, #tpu.memory_space<vmem>>
      %dma_start3A_249 = arith.constant 0 : i32
      %dma_start3A_250 = arith.constant 0 : i32
      %dma_start3A_251 = arith.constant 64 : i32
      %dma_start3A_252 = tpu.memref_slice %arg4[%add3A_190, %dma_start3A_249, %add3A, %dma_start3A_250, %dma_start3A_251] : memref<200x8x32x8x128xf32, #tpu.memory_space<hbm>> -> memref<1x8x1x8x64xf32, #tpu.memory_space<hbm>>
      %dma_start3A_253 = tpu.memref_squeeze %dma_start3A_252 : memref<1x8x1x8x64xf32, #tpu.memory_space<hbm>> -> memref<8x8x64xf32, #tpu.memory_space<hbm>>
      %dma_start3A_254 = arith.constant 0 : i32
      %dma_start3A_255 = arith.constant 0 : i32
      %dma_start3A_256 = arith.constant 64 : i32
      %dma_start3A_257 = tpu.memref_slice %arg4[%add3A_190, %dma_start3A_254, %add3A, %dma_start3A_255, %dma_start3A_256] : memref<200x8x32x8x128xf32, #tpu.memory_space<hbm>> -> memref<1x8x1x8x64xf32, #tpu.memory_space<hbm>>
      %dma_start3A_258 = tpu.memref_squeeze %dma_start3A_257 : memref<1x8x1x8x64xf32, #tpu.memory_space<hbm>> -> memref<8x8x64xf32, #tpu.memory_space<hbm>>
      %dma_start3A_259 = arith.constant 0 : i32
      %dma_start3A_260 = arith.constant 0 : i32
      %dma_start3A_261 = arith.constant 64 : i32
      %dma_start3A_262 = tpu.memref_slice %arg7[%dma_start3A_243, %dma_start3A_259, %dma_start3A_260, %dma_start3A_261] : memref<2x8x8x129xf32, #tpu.memory_space<vmem>> -> memref<1x8x8x64xf32, #tpu.memory_space<vmem>>
      %dma_start3A_263 = tpu.memref_squeeze %dma_start3A_262 : memref<1x8x8x64xf32, #tpu.memory_space<vmem>> -> memref<8x8x64xf32, #tpu.memory_space<vmem>>
      tpu.enqueue_dma source(%dma_start3A_263 : memref<8x8x64xf32, #tpu.memory_space<vmem>>) target(%dma_start3A_258 : memref<8x8x64xf32, #tpu.memory_space<hbm>>) target_semaphore(%arg10 : memref<!tpu.dma_semaphore, #tpu.memory_space<semaphore_mem>>)
      %mul3A_264 = arith.constant 2 : i32
      %mul3A_265 = arith.muli %mul3A_264, %scan3A_186 : i32
      %add3A_266 = arith.constant 1 : i32
      %add3A_267 = arith.addi %mul3A_265, %add3A_266 : i32
      %add3A_268 = arith.constant 1 : i32
      %add3A_269 = arith.addi %add3A_267, %add3A_268 : i32
      %dma_start3A_270 = arith.constant 0 : i32
      %dma_start3A_271 = arith.constant 0 : i32
      %dma_start3A_272 = arith.constant 0 : i32
      %dma_start3A_273 = tpu.memref_slice %arg6[%dma_start3A_270, %dma_start3A_271, %dma_start3A_272] : memref<2x128x64xf32, #tpu.memory_space<vmem>> -> memref<1x128x64xf32, #tpu.memory_space<vmem>>
      %dma_start3A_274 = tpu.memref_squeeze %dma_start3A_273 : memref<1x128x64xf32, #tpu.memory_space<vmem>> -> memref<128x64xf32, #tpu.memory_space<vmem>>
      %dma_start3A_275 = arith.constant 0 : i32
      %dma_start3A_276 = tpu.memref_slice %arg5[%add3A_269, %dma_start3A_275] : memref<201x128xi32, #tpu.memory_space<vmem>> -> memref<1x128xi32, #tpu.memory_space<vmem>>
      %dma_start3A_277 = tpu.memref_squeeze %dma_start3A_276 : memref<1x128xi32, #tpu.memory_space<vmem>> -> memref<128xi32, #tpu.memory_space<vmem>>
      %dma_start3A_278 = arith.constant 0 : i32
      %dma_start3A_279 = arith.constant 0 : i32
      %dma_start3A_280 = tpu.memref_slice %arg2[%dma_start3A_278, %dma_start3A_279] : memref<1000000x64xf32, #tpu.memory_space<hbm>> -> memref<1000000x64xf32, #tpu.memory_space<hbm>>
      tpu.enqueue_indirect_dma source(%dma_start3A_280 : memref<1000000x64xf32, #tpu.memory_space<hbm>>) target(%dma_start3A_274 : memref<128x64xf32, #tpu.memory_space<vmem>>) offsets(%dma_start3A_277 : memref<128xi32, #tpu.memory_space<vmem>>) semaphore(%arg8 : memref<!tpu.dma_semaphore, #tpu.memory_space<semaphore_mem>>)
      %dma_wait3A_281 = arith.constant 1 : i32
      %dma_wait3A_282 = arith.constant 0 : i32
      %dma_wait3A_283 = arith.constant 0 : i32
      %dma_wait3A_284 = tpu.memref_slice %arg6[%dma_wait3A_281, %dma_wait3A_282, %dma_wait3A_283] : memref<2x128x64xf32, #tpu.memory_space<vmem>> -> memref<1x128x64xf32, #tpu.memory_space<vmem>>
      %dma_wait3A_285 = tpu.memref_squeeze %dma_wait3A_284 : memref<1x128x64xf32, #tpu.memory_space<vmem>> -> memref<128x64xf32, #tpu.memory_space<vmem>>
      %dma_wait3A_286 = arith.constant 0 : i32
      %dma_wait3A_287 = tpu.memref_slice %arg5[%add3A_267, %dma_wait3A_286] : memref<201x128xi32, #tpu.memory_space<vmem>> -> memref<1x128xi32, #tpu.memory_space<vmem>>
      %dma_wait3A_288 = tpu.memref_squeeze %dma_wait3A_287 : memref<1x128xi32, #tpu.memory_space<vmem>> -> memref<128xi32, #tpu.memory_space<vmem>>
      %dma_wait3A_289 = arith.constant 0 : i32
      %dma_wait3A_290 = arith.constant 0 : i32
      %dma_wait3A_291 = tpu.memref_slice %arg2[%dma_wait3A_289, %dma_wait3A_290] : memref<1000000x64xf32, #tpu.memory_space<hbm>> -> memref<1000000x64xf32, #tpu.memory_space<hbm>>
      tpu.wait_indirect_dma semaphore(%arg9 : memref<!tpu.dma_semaphore, #tpu.memory_space<semaphore_mem>>) src(%dma_wait3A_291 : memref<1000000x64xf32, #tpu.memory_space<hbm>>) dst(%dma_wait3A_285 : memref<128x64xf32, #tpu.memory_space<vmem>>)
      %gt3A_292 = arith.constant 0 : i32
      %gt3A_293 = arith.cmpi sgt, %scan3A_186, %gt3A_292 : i32
      %convert_element_type3A_294 = arith.extui %gt3A_293 : i1 to i32
      %cond3A_295 = arith.constant 0 : i32
      %cond3A_296 = arith.cmpi ne, %convert_element_type3A_294, %cond3A_295 : i32
      scf.if %cond3A_296 {
        %dma_wait3A_345 = arith.constant 1 : i32
        %dma_wait3A_346 = arith.constant 0 : i32
        %dma_wait3A_347 = arith.constant 0 : i32
        %dma_wait3A_348 = arith.constant 0 : i32
        %dma_wait3A_349 = tpu.memref_slice %arg7[%dma_wait3A_345, %dma_wait3A_346, %dma_wait3A_347, %dma_wait3A_348] : memref<2x8x8x129xf32, #tpu.memory_space<vmem>> -> memref<1x8x8x64xf32, #tpu.memory_space<vmem>>
        %dma_wait3A_350 = tpu.memref_squeeze %dma_wait3A_349 : memref<1x8x8x64xf32, #tpu.memory_space<vmem>> -> memref<8x8x64xf32, #tpu.memory_space<vmem>>
        %dma_wait3A_351 = arith.constant 0 : i32
        %dma_wait3A_352 = arith.constant 0 : i32
        %dma_wait3A_353 = arith.constant 0 : i32
        %dma_wait3A_354 = tpu.memref_slice %arg4[%add3A_267, %dma_wait3A_351, %add3A, %dma_wait3A_352, %dma_wait3A_353] : memref<200x8x32x8x128xf32, #tpu.memory_space<hbm>> -> memref<1x8x1x8x64xf32, #tpu.memory_space<hbm>>
        %dma_wait3A_355 = tpu.memref_squeeze %dma_wait3A_354 : memref<1x8x1x8x64xf32, #tpu.memory_space<hbm>> -> memref<8x8x64xf32, #tpu.memory_space<hbm>>
        %dma_wait3A_356 = arith.constant 0 : i32
        %dma_wait3A_357 = arith.constant 0 : i32
        %dma_wait3A_358 = arith.constant 0 : i32
        %dma_wait3A_359 = tpu.memref_slice %arg4[%add3A_267, %dma_wait3A_356, %add3A, %dma_wait3A_357, %dma_wait3A_358] : memref<200x8x32x8x128xf32, #tpu.memory_space<hbm>> -> memref<1x8x1x8x64xf32, #tpu.memory_space<hbm>>
        %dma_wait3A_360 = tpu.memref_squeeze %dma_wait3A_359 : memref<1x8x1x8x64xf32, #tpu.memory_space<hbm>> -> memref<8x8x64xf32, #tpu.memory_space<hbm>>
        %dma_wait3A_361 = arith.constant 0 : i32
        %dma_wait3A_362 = arith.constant 0 : i32
        %dma_wait3A_363 = arith.constant 0 : i32
        %dma_wait3A_364 = tpu.memref_slice %arg7[%dma_wait3A_345, %dma_wait3A_361, %dma_wait3A_362, %dma_wait3A_363] : memref<2x8x8x129xf32, #tpu.memory_space<vmem>> -> memref<1x8x8x64xf32, #tpu.memory_space<vmem>>
        %dma_wait3A_365 = tpu.memref_squeeze %dma_wait3A_364 : memref<1x8x8x64xf32, #tpu.memory_space<vmem>> -> memref<8x8x64xf32, #tpu.memory_space<vmem>>
        tpu.wait_dma2 semaphore(%arg11 : memref<!tpu.dma_semaphore, #tpu.memory_space<semaphore_mem>>) src(%dma_wait3A_365 : memref<8x8x64xf32, #tpu.memory_space<vmem>>) dst(%dma_wait3A_360 : memref<8x8x64xf32, #tpu.memory_space<hbm>>)
        %dma_wait3A_366 = arith.constant 1 : i32
        %dma_wait3A_367 = arith.constant 0 : i32
        %dma_wait3A_368 = arith.constant 0 : i32
        %dma_wait3A_369 = arith.constant 64 : i32
        %dma_wait3A_370 = tpu.memref_slice %arg7[%dma_wait3A_366, %dma_wait3A_367, %dma_wait3A_368, %dma_wait3A_369] : memref<2x8x8x129xf32, #tpu.memory_space<vmem>> -> memref<1x8x8x64xf32, #tpu.memory_space<vmem>>
        %dma_wait3A_371 = tpu.memref_squeeze %dma_wait3A_370 : memref<1x8x8x64xf32, #tpu.memory_space<vmem>> -> memref<8x8x64xf32, #tpu.memory_space<vmem>>
        %dma_wait3A_372 = arith.constant 0 : i32
        %dma_wait3A_373 = arith.constant 0 : i32
        %dma_wait3A_374 = arith.constant 64 : i32
        %dma_wait3A_375 = tpu.memref_slice %arg4[%add3A_267, %dma_wait3A_372, %add3A, %dma_wait3A_373, %dma_wait3A_374] : memref<200x8x32x8x128xf32, #tpu.memory_space<hbm>> -> memref<1x8x1x8x64xf32, #tpu.memory_space<hbm>>
        %dma_wait3A_376 = tpu.memref_squeeze %dma_wait3A_375 : memref<1x8x1x8x64xf32, #tpu.memory_space<hbm>> -> memref<8x8x64xf32, #tpu.memory_space<hbm>>
        %dma_wait3A_377 = arith.constant 0 : i32
        %dma_wait3A_378 = arith.constant 0 : i32
        %dma_wait3A_379 = arith.constant 64 : i32
        %dma_wait3A_380 = tpu.memref_slice %arg4[%add3A_267, %dma_wait3A_377, %add3A, %dma_wait3A_378, %dma_wait3A_379] : memref<200x8x32x8x128xf32, #tpu.memory_space<hbm>> -> memref<1x8x1x8x64xf32, #tpu.memory_space<hbm>>
        %dma_wait3A_381 = tpu.memref_squeeze %dma_wait3A_380 : memref<1x8x1x8x64xf32, #tpu.memory_space<hbm>> -> memref<8x8x64xf32, #tpu.memory_space<hbm>>
        %dma_wait3A_382 = arith.constant 0 : i32
        %dma_wait3A_383 = arith.constant 0 : i32
        %dma_wait3A_384 = arith.constant 64 : i32
        %dma_wait3A_385 = tpu.memref_slice %arg7[%dma_wait3A_366, %dma_wait3A_382, %dma_wait3A_383, %dma_wait3A_384] : memref<2x8x8x129xf32, #tpu.memory_space<vmem>> -> memref<1x8x8x64xf32, #tpu.memory_space<vmem>>
        %dma_wait3A_386 = tpu.memref_squeeze %dma_wait3A_385 : memref<1x8x8x64xf32, #tpu.memory_space<vmem>> -> memref<8x8x64xf32, #tpu.memory_space<vmem>>
        tpu.wait_dma2 semaphore(%arg11 : memref<!tpu.dma_semaphore, #tpu.memory_space<semaphore_mem>>) src(%dma_wait3A_386 : memref<8x8x64xf32, #tpu.memory_space<vmem>>) dst(%dma_wait3A_381 : memref<8x8x64xf32, #tpu.memory_space<hbm>>)
      } else {
      }
      %parallel_loop3A_297 = arith.constant 0 : i32
      %parallel_loop3A_298 = arith.constant 64 : i32
      %parallel_loop3A_299 = arith.constant 1 : i32
      scf.for %parallel_loop3A_345 = %parallel_loop3A_297 to %parallel_loop3A_298 step %parallel_loop3A_299  : i32 {
        %parallel_loop3A_346 = vector.broadcast %parallel_loop3A_345 : i32 to vector<16xi32>
        %parallel_loop3A_347 = arith.addi %mul3A_5, %parallel_loop3A_346 : vector<16xi32>
        %parallel_loop3A_348 = arith.constant 1 : i32
        %parallel_loop3A_349 = arith.index_cast %parallel_loop3A_348 : i32 to index
        %parallel_loop3A_350 = arith.index_cast %parallel_loop3A_345 : i32 to index
        %parallel_loop3A_351 = arith.constant 0 : index
        %parallel_loop3A_352 = tpu.vector_load %arg6[%parallel_loop3A_349, %parallel_loop3A_350, %parallel_loop3A_351] {strides = array<i32>} : memref<2x128x64xf32, #tpu.memory_space<vmem>>, vector<16xf32>,
        %parallel_loop3A_353 = arith.constant 8.000000e+00 : f32
        %parallel_loop3A_354 = vector.broadcast %parallel_loop3A_353 : f32 to vector<16xf32>
        %parallel_loop3A_355 = arith.mulf %parallel_loop3A_352, %parallel_loop3A_354 : vector<16xf32>
        %parallel_loop3A_356 = arith.constant 1 : i32
        %parallel_loop3A_357 = arith.constant 0 : i32
        %parallel_loop3A_358 = arith.constant 0 : i32
        %parallel_loop3A_359 = arith.constant 0 : i32
        %parallel_loop3A_360 = tpu.memref_slice %arg7[%parallel_loop3A_356, %parallel_loop3A_357, %parallel_loop3A_358, %parallel_loop3A_359] : memref<2x8x8x129xf32, #tpu.memory_space<vmem>> -> memref<1x8x8x129xf32, #tpu.memory_space<vmem>>
        %parallel_loop3A_361 = tpu.memref_squeeze %parallel_loop3A_360 : memref<1x8x8x129xf32, #tpu.memory_space<vmem>> -> memref<8x8x129xf32, #tpu.memory_space<vmem>>
        tpu.vector_store_idx %parallel_loop3A_361[%shift_right_logical3A_50, %and3A_61, %parallel_loop3A_347], %parallel_loop3A_355 : memref<8x8x129xf32, #tpu.memory_space<vmem>>[vector<16xi32>, vector<16xi32>, vector<16xi32>], vector<16xf32>,
        %parallel_loop3A_362 = arith.constant 1 : i32
        %parallel_loop3A_363 = arith.index_cast %parallel_loop3A_362 : i32 to index
        %parallel_loop3A_364 = arith.index_cast %parallel_loop3A_345 : i32 to index
        %parallel_loop3A_365 = arith.constant 16 : index
        %parallel_loop3A_366 = tpu.vector_load %arg6[%parallel_loop3A_363, %parallel_loop3A_364, %parallel_loop3A_365] {strides = array<i32>} : memref<2x128x64xf32, #tpu.memory_space<vmem>>, vector<16xf32>,
        %parallel_loop3A_367 = arith.constant 8.000000e+00 : f32
        %parallel_loop3A_368 = vector.broadcast %parallel_loop3A_367 : f32 to vector<16xf32>
        %parallel_loop3A_369 = arith.mulf %parallel_loop3A_366, %parallel_loop3A_368 : vector<16xf32>
        %parallel_loop3A_370 = arith.constant 1 : i32
        %parallel_loop3A_371 = arith.constant 0 : i32
        %parallel_loop3A_372 = arith.constant 0 : i32
        %parallel_loop3A_373 = arith.constant 0 : i32
        %parallel_loop3A_374 = tpu.memref_slice %arg7[%parallel_loop3A_370, %parallel_loop3A_371, %parallel_loop3A_372, %parallel_loop3A_373] : memref<2x8x8x129xf32, #tpu.memory_space<vmem>> -> memref<1x8x8x129xf32, #tpu.memory_space<vmem>>
        %parallel_loop3A_375 = tpu.memref_squeeze %parallel_loop3A_374 : memref<1x8x8x129xf32, #tpu.memory_space<vmem>> -> memref<8x8x129xf32, #tpu.memory_space<vmem>>
        tpu.vector_store_idx %parallel_loop3A_375[%shift_right_logical3A_53, %and3A_64, %parallel_loop3A_347], %parallel_loop3A_369 : memref<8x8x129xf32, #tpu.memory_space<vmem>>[vector<16xi32>, vector<16xi32>, vector<16xi32>], vector<16xf32>,
        %parallel_loop3A_376 = arith.constant 1 : i32
        %parallel_loop3A_377 = arith.index_cast %parallel_loop3A_376 : i32 to index
        %parallel_loop3A_378 = arith.index_cast %parallel_loop3A_345 : i32 to index
        %parallel_loop3A_379 = arith.constant 32 : index
        %parallel_loop3A_380 = tpu.vector_load %arg6[%parallel_loop3A_377, %parallel_loop3A_378, %parallel_loop3A_379] {strides = array<i32>} : memref<2x128x64xf32, #tpu.memory_space<vmem>>, vector<16xf32>,
        %parallel_loop3A_381 = arith.constant 8.000000e+00 : f32
        %parallel_loop3A_382 = vector.broadcast %parallel_loop3A_381 : f32 to vector<16xf32>
        %parallel_loop3A_383 = arith.mulf %parallel_loop3A_380, %parallel_loop3A_382 : vector<16xf32>
        %parallel_loop3A_384 = arith.constant 1 : i32
        %parallel_loop3A_385 = arith.constant 0 : i32
        %parallel_loop3A_386 = arith.constant 0 : i32
        %parallel_loop3A_387 = arith.constant 0 : i32
        %parallel_loop3A_388 = tpu.memref_slice %arg7[%parallel_loop3A_384, %parallel_loop3A_385, %parallel_loop3A_386, %parallel_loop3A_387] : memref<2x8x8x129xf32, #tpu.memory_space<vmem>> -> memref<1x8x8x129xf32, #tpu.memory_space<vmem>>
        %parallel_loop3A_389 = tpu.memref_squeeze %parallel_loop3A_388 : memref<1x8x8x129xf32, #tpu.memory_space<vmem>> -> memref<8x8x129xf32, #tpu.memory_space<vmem>>
        tpu.vector_store_idx %parallel_loop3A_389[%shift_right_logical3A_56, %and3A_67, %parallel_loop3A_347], %parallel_loop3A_383 : memref<8x8x129xf32, #tpu.memory_space<vmem>>[vector<16xi32>, vector<16xi32>, vector<16xi32>], vector<16xf32>,
        %parallel_loop3A_390 = arith.constant 1 : i32
        %parallel_loop3A_391 = arith.index_cast %parallel_loop3A_390 : i32 to index
        %parallel_loop3A_392 = arith.index_cast %parallel_loop3A_345 : i32 to index
        %parallel_loop3A_393 = arith.constant 48 : index
        %parallel_loop3A_394 = tpu.vector_load %arg6[%parallel_loop3A_391, %parallel_loop3A_392, %parallel_loop3A_393] {strides = array<i32>} : memref<2x128x64xf32, #tpu.memory_space<vmem>>, vector<16xf32>,
        %parallel_loop3A_395 = arith.constant 8.000000e+00 : f32
        %parallel_loop3A_396 = vector.broadcast %parallel_loop3A_395 : f32 to vector<16xf32>
        %parallel_loop3A_397 = arith.mulf %parallel_loop3A_394, %parallel_loop3A_396 : vector<16xf32>
        %parallel_loop3A_398 = arith.constant 1 : i32
        %parallel_loop3A_399 = arith.constant 0 : i32
        %parallel_loop3A_400 = arith.constant 0 : i32
        %parallel_loop3A_401 = arith.constant 0 : i32
        %parallel_loop3A_402 = tpu.memref_slice %arg7[%parallel_loop3A_398, %parallel_loop3A_399, %parallel_loop3A_400, %parallel_loop3A_401] : memref<2x8x8x129xf32, #tpu.memory_space<vmem>> -> memref<1x8x8x129xf32, #tpu.memory_space<vmem>>
        %parallel_loop3A_403 = tpu.memref_squeeze %parallel_loop3A_402 : memref<1x8x8x129xf32, #tpu.memory_space<vmem>> -> memref<8x8x129xf32, #tpu.memory_space<vmem>>
        tpu.vector_store_idx %parallel_loop3A_403[%shift_right_logical3A_59, %and3A_70, %parallel_loop3A_347], %parallel_loop3A_397 : memref<8x8x129xf32, #tpu.memory_space<vmem>>[vector<16xi32>, vector<16xi32>, vector<16xi32>], vector<16xf32>,
      } {sc.loop_unroll_factor = 8 : i64, sc.parallel_access}
      %dma_start3A_300 = arith.constant 1 : i32
      %dma_start3A_301 = arith.constant 0 : i32
      %dma_start3A_302 = arith.constant 0 : i32
      %dma_start3A_303 = arith.constant 0 : i32
      %dma_start3A_304 = tpu.memref_slice %arg7[%dma_start3A_300, %dma_start3A_301, %dma_start3A_302, %dma_start3A_303] : memref<2x8x8x129xf32, #tpu.memory_space<vmem>> -> memref<1x8x8x64xf32, #tpu.memory_space<vmem>>
      %dma_start3A_305 = tpu.memref_squeeze %dma_start3A_304 : memref<1x8x8x64xf32, #tpu.memory_space<vmem>> -> memref<8x8x64xf32, #tpu.memory_space<vmem>>
      %dma_start3A_306 = arith.constant 0 : i32
      %dma_start3A_307 = arith.constant 0 : i32
      %dma_start3A_308 = arith.constant 0 : i32
      %dma_start3A_309 = tpu.memref_slice %arg4[%add3A_267, %dma_start3A_306, %add3A, %dma_start3A_307, %dma_start3A_308] : memref<200x8x32x8x128xf32, #tpu.memory_space<hbm>> -> memref<1x8x1x8x64xf32, #tpu.memory_space<hbm>>
      %dma_start3A_310 = tpu.memref_squeeze %dma_start3A_309 : memref<1x8x1x8x64xf32, #tpu.memory_space<hbm>> -> memref<8x8x64xf32, #tpu.memory_space<hbm>>
      %dma_start3A_311 = arith.constant 0 : i32
      %dma_start3A_312 = arith.constant 0 : i32
      %dma_start3A_313 = arith.constant 0 : i32
      %dma_start3A_314 = tpu.memref_slice %arg4[%add3A_267, %dma_start3A_311, %add3A, %dma_start3A_312, %dma_start3A_313] : memref<200x8x32x8x128xf32, #tpu.memory_space<hbm>> -> memref<1x8x1x8x64xf32, #tpu.memory_space<hbm>>
      %dma_start3A_315 = tpu.memref_squeeze %dma_start3A_314 : memref<1x8x1x8x64xf32, #tpu.memory_space<hbm>> -> memref<8x8x64xf32, #tpu.memory_space<hbm>>
      %dma_start3A_316 = arith.constant 0 : i32
      %dma_start3A_317 = arith.constant 0 : i32
      %dma_start3A_318 = arith.constant 0 : i32
      %dma_start3A_319 = tpu.memref_slice %arg7[%dma_start3A_300, %dma_start3A_316, %dma_start3A_317, %dma_start3A_318] : memref<2x8x8x129xf32, #tpu.memory_space<vmem>> -> memref<1x8x8x64xf32, #tpu.memory_space<vmem>>
      %dma_start3A_320 = tpu.memref_squeeze %dma_start3A_319 : memref<1x8x8x64xf32, #tpu.memory_space<vmem>> -> memref<8x8x64xf32, #tpu.memory_space<vmem>>
      tpu.enqueue_dma source(%dma_start3A_320 : memref<8x8x64xf32, #tpu.memory_space<vmem>>) target(%dma_start3A_315 : memref<8x8x64xf32, #tpu.memory_space<hbm>>) target_semaphore(%arg11 : memref<!tpu.dma_semaphore, #tpu.memory_space<semaphore_mem>>)
      %parallel_loop3A_321 = arith.constant 64 : i32
      %parallel_loop3A_322 = arith.constant 128 : i32
      %parallel_loop3A_323 = arith.constant 1 : i32
      scf.for %parallel_loop3A_345 = %parallel_loop3A_321 to %parallel_loop3A_322 step %parallel_loop3A_323  : i32 {
        %parallel_loop3A_346 = vector.broadcast %parallel_loop3A_345 : i32 to vector<16xi32>
        %parallel_loop3A_347 = arith.addi %mul3A_5, %parallel_loop3A_346 : vector<16xi32>
        %parallel_loop3A_348 = arith.constant 1 : i32
        %parallel_loop3A_349 = arith.index_cast %parallel_loop3A_348 : i32 to index
        %parallel_loop3A_350 = arith.index_cast %parallel_loop3A_345 : i32 to index
        %parallel_loop3A_351 = arith.constant 0 : index
        %parallel_loop3A_352 = tpu.vector_load %arg6[%parallel_loop3A_349, %parallel_loop3A_350, %parallel_loop3A_351] {strides = array<i32>} : memref<2x128x64xf32, #tpu.memory_space<vmem>>, vector<16xf32>,
        %parallel_loop3A_353 = arith.constant 8.000000e+00 : f32
        %parallel_loop3A_354 = vector.broadcast %parallel_loop3A_353 : f32 to vector<16xf32>
        %parallel_loop3A_355 = arith.mulf %parallel_loop3A_352, %parallel_loop3A_354 : vector<16xf32>
        %parallel_loop3A_356 = arith.constant 1 : i32
        %parallel_loop3A_357 = arith.constant 0 : i32
        %parallel_loop3A_358 = arith.constant 0 : i32
        %parallel_loop3A_359 = arith.constant 0 : i32
        %parallel_loop3A_360 = tpu.memref_slice %arg7[%parallel_loop3A_356, %parallel_loop3A_357, %parallel_loop3A_358, %parallel_loop3A_359] : memref<2x8x8x129xf32, #tpu.memory_space<vmem>> -> memref<1x8x8x129xf32, #tpu.memory_space<vmem>>
        %parallel_loop3A_361 = tpu.memref_squeeze %parallel_loop3A_360 : memref<1x8x8x129xf32, #tpu.memory_space<vmem>> -> memref<8x8x129xf32, #tpu.memory_space<vmem>>
        tpu.vector_store_idx %parallel_loop3A_361[%shift_right_logical3A_50, %and3A_61, %parallel_loop3A_347], %parallel_loop3A_355 : memref<8x8x129xf32, #tpu.memory_space<vmem>>[vector<16xi32>, vector<16xi32>, vector<16xi32>], vector<16xf32>,
        %parallel_loop3A_362 = arith.constant 1 : i32
        %parallel_loop3A_363 = arith.index_cast %parallel_loop3A_362 : i32 to index
        %parallel_loop3A_364 = arith.index_cast %parallel_loop3A_345 : i32 to index
        %parallel_loop3A_365 = arith.constant 16 : index
        %parallel_loop3A_366 = tpu.vector_load %arg6[%parallel_loop3A_363, %parallel_loop3A_364, %parallel_loop3A_365] {strides = array<i32>} : memref<2x128x64xf32, #tpu.memory_space<vmem>>, vector<16xf32>,
        %parallel_loop3A_367 = arith.constant 8.000000e+00 : f32
        %parallel_loop3A_368 = vector.broadcast %parallel_loop3A_367 : f32 to vector<16xf32>
        %parallel_loop3A_369 = arith.mulf %parallel_loop3A_366, %parallel_loop3A_368 : vector<16xf32>
        %parallel_loop3A_370 = arith.constant 1 : i32
        %parallel_loop3A_371 = arith.constant 0 : i32
        %parallel_loop3A_372 = arith.constant 0 : i32
        %parallel_loop3A_373 = arith.constant 0 : i32
        %parallel_loop3A_374 = tpu.memref_slice %arg7[%parallel_loop3A_370, %parallel_loop3A_371, %parallel_loop3A_372, %parallel_loop3A_373] : memref<2x8x8x129xf32, #tpu.memory_space<vmem>> -> memref<1x8x8x129xf32, #tpu.memory_space<vmem>>
        %parallel_loop3A_375 = tpu.memref_squeeze %parallel_loop3A_374 : memref<1x8x8x129xf32, #tpu.memory_space<vmem>> -> memref<8x8x129xf32, #tpu.memory_space<vmem>>
        tpu.vector_store_idx %parallel_loop3A_375[%shift_right_logical3A_53, %and3A_64, %parallel_loop3A_347], %parallel_loop3A_369 : memref<8x8x129xf32, #tpu.memory_space<vmem>>[vector<16xi32>, vector<16xi32>, vector<16xi32>], vector<16xf32>,
        %parallel_loop3A_376 = arith.constant 1 : i32
        %parallel_loop3A_377 = arith.index_cast %parallel_loop3A_376 : i32 to index
        %parallel_loop3A_378 = arith.index_cast %parallel_loop3A_345 : i32 to index
        %parallel_loop3A_379 = arith.constant 32 : index
        %parallel_loop3A_380 = tpu.vector_load %arg6[%parallel_loop3A_377, %parallel_loop3A_378, %parallel_loop3A_379] {strides = array<i32>} : memref<2x128x64xf32, #tpu.memory_space<vmem>>, vector<16xf32>,
        %parallel_loop3A_381 = arith.constant 8.000000e+00 : f32
        %parallel_loop3A_382 = vector.broadcast %parallel_loop3A_381 : f32 to vector<16xf32>
        %parallel_loop3A_383 = arith.mulf %parallel_loop3A_380, %parallel_loop3A_382 : vector<16xf32>
        %parallel_loop3A_384 = arith.constant 1 : i32
        %parallel_loop3A_385 = arith.constant 0 : i32
        %parallel_loop3A_386 = arith.constant 0 : i32
        %parallel_loop3A_387 = arith.constant 0 : i32
        %parallel_loop3A_388 = tpu.memref_slice %arg7[%parallel_loop3A_384, %parallel_loop3A_385, %parallel_loop3A_386, %parallel_loop3A_387] : memref<2x8x8x129xf32, #tpu.memory_space<vmem>> -> memref<1x8x8x129xf32, #tpu.memory_space<vmem>>
        %parallel_loop3A_389 = tpu.memref_squeeze %parallel_loop3A_388 : memref<1x8x8x129xf32, #tpu.memory_space<vmem>> -> memref<8x8x129xf32, #tpu.memory_space<vmem>>
        tpu.vector_store_idx %parallel_loop3A_389[%shift_right_logical3A_56, %and3A_67, %parallel_loop3A_347], %parallel_loop3A_383 : memref<8x8x129xf32, #tpu.memory_space<vmem>>[vector<16xi32>, vector<16xi32>, vector<16xi32>], vector<16xf32>,
        %parallel_loop3A_390 = arith.constant 1 : i32
        %parallel_loop3A_391 = arith.index_cast %parallel_loop3A_390 : i32 to index
        %parallel_loop3A_392 = arith.index_cast %parallel_loop3A_345 : i32 to index
        %parallel_loop3A_393 = arith.constant 48 : index
        %parallel_loop3A_394 = tpu.vector_load %arg6[%parallel_loop3A_391, %parallel_loop3A_392, %parallel_loop3A_393] {strides = array<i32>} : memref<2x128x64xf32, #tpu.memory_space<vmem>>, vector<16xf32>,
        %parallel_loop3A_395 = arith.constant 8.000000e+00 : f32
        %parallel_loop3A_396 = vector.broadcast %parallel_loop3A_395 : f32 to vector<16xf32>
        %parallel_loop3A_397 = arith.mulf %parallel_loop3A_394, %parallel_loop3A_396 : vector<16xf32>
        %parallel_loop3A_398 = arith.constant 1 : i32
        %parallel_loop3A_399 = arith.constant 0 : i32
        %parallel_loop3A_400 = arith.constant 0 : i32
        %parallel_loop3A_401 = arith.constant 0 : i32
        %parallel_loop3A_402 = tpu.memref_slice %arg7[%parallel_loop3A_398, %parallel_loop3A_399, %parallel_loop3A_400, %parallel_loop3A_401] : memref<2x8x8x129xf32, #tpu.memory_space<vmem>> -> memref<1x8x8x129xf32, #tpu.memory_space<vmem>>
        %parallel_loop3A_403 = tpu.memref_squeeze %parallel_loop3A_402 : memref<1x8x8x129xf32, #tpu.memory_space<vmem>> -> memref<8x8x129xf32, #tpu.memory_space<vmem>>
        tpu.vector_store_idx %parallel_loop3A_403[%shift_right_logical3A_59, %and3A_70, %parallel_loop3A_347], %parallel_loop3A_397 : memref<8x8x129xf32, #tpu.memory_space<vmem>>[vector<16xi32>, vector<16xi32>, vector<16xi32>], vector<16xf32>,
      } {sc.loop_unroll_factor = 8 : i64, sc.parallel_access}
      %dma_start3A_324 = arith.constant 1 : i32
      %dma_start3A_325 = arith.constant 0 : i32
      %dma_start3A_326 = arith.constant 0 : i32
      %dma_start3A_327 = arith.constant 64 : i32
      %dma_start3A_328 = tpu.memref_slice %arg7[%dma_start3A_324, %dma_start3A_325, %dma_start3A_326, %dma_start3A_327] : memref<2x8x8x129xf32, #tpu.memory_space<vmem>> -> memref<1x8x8x64xf32, #tpu.memory_space<vmem>>
      %dma_start3A_329 = tpu.memref_squeeze %dma_start3A_328 : memref<1x8x8x64xf32, #tpu.memory_space<vmem>> -> memref<8x8x64xf32, #tpu.memory_space<vmem>>
      %dma_start3A_330 = arith.constant 0 : i32
      %dma_start3A_331 = arith.constant 0 : i32
      %dma_start3A_332 = arith.constant 64 : i32
      %dma_start3A_333 = tpu.memref_slice %arg4[%add3A_267, %dma_start3A_330, %add3A, %dma_start3A_331, %dma_start3A_332] : memref<200x8x32x8x128xf32, #tpu.memory_space<hbm>> -> memref<1x8x1x8x64xf32, #tpu.memory_space<hbm>>
      %dma_start3A_334 = tpu.memref_squeeze %dma_start3A_333 : memref<1x8x1x8x64xf32, #tpu.memory_space<hbm>> -> memref<8x8x64xf32, #tpu.memory_space<hbm>>
      %dma_start3A_335 = arith.constant 0 : i32
      %dma_start3A_336 = arith.constant 0 : i32
      %dma_start3A_337 = arith.constant 64 : i32
      %dma_start3A_338 = tpu.memref_slice %arg4[%add3A_267, %dma_start3A_335, %add3A, %dma_start3A_336, %dma_start3A_337] : memref<200x8x32x8x128xf32, #tpu.memory_space<hbm>> -> memref<1x8x1x8x64xf32, #tpu.memory_space<hbm>>
      %dma_start3A_339 = tpu.memref_squeeze %dma_start3A_338 : memref<1x8x1x8x64xf32, #tpu.memory_space<hbm>> -> memref<8x8x64xf32, #tpu.memory_space<hbm>>
      %dma_start3A_340 = arith.constant 0 : i32
      %dma_start3A_341 = arith.constant 0 : i32
      %dma_start3A_342 = arith.constant 64 : i32
      %dma_start3A_343 = tpu.memref_slice %arg7[%dma_start3A_324, %dma_start3A_340, %dma_start3A_341, %dma_start3A_342] : memref<2x8x8x129xf32, #tpu.memory_space<vmem>> -> memref<1x8x8x64xf32, #tpu.memory_space<vmem>>
      %dma_start3A_344 = tpu.memref_squeeze %dma_start3A_343 : memref<1x8x8x64xf32, #tpu.memory_space<vmem>> -> memref<8x8x64xf32, #tpu.memory_space<vmem>>
      tpu.enqueue_dma source(%dma_start3A_344 : memref<8x8x64xf32, #tpu.memory_space<vmem>>) target(%dma_start3A_339 : memref<8x8x64xf32, #tpu.memory_space<hbm>>) target_semaphore(%arg11 : memref<!tpu.dma_semaphore, #tpu.memory_space<semaphore_mem>>)
    }
    %scan3A_86 = arith.constant 100 : i32
    %dma_wait3A = arith.constant 0 : i32
    %dma_wait3A_87 = arith.constant 198 : i32
    %dma_wait3A_88 = arith.constant 0 : i32
    %dma_wait3A_89 = arith.constant 0 : i32
    %dma_wait3A_90 = arith.constant 0 : i32
    %dma_wait3A_91 = tpu.memref_slice %arg7[%dma_wait3A, %dma_wait3A_88, %dma_wait3A_89, %dma_wait3A_90] : memref<2x8x8x129xf32, #tpu.memory_space<vmem>> -> memref<1x8x8x64xf32, #tpu.memory_space<vmem>>
    %dma_wait3A_92 = tpu.memref_squeeze %dma_wait3A_91 : memref<1x8x8x64xf32, #tpu.memory_space<vmem>> -> memref<8x8x64xf32, #tpu.memory_space<vmem>>
    %dma_wait3A_93 = arith.constant 0 : i32
    %dma_wait3A_94 = arith.constant 0 : i32
    %dma_wait3A_95 = arith.constant 0 : i32
    %dma_wait3A_96 = tpu.memref_slice %arg4[%dma_wait3A_87, %dma_wait3A_93, %add3A, %dma_wait3A_94, %dma_wait3A_95] : memref<200x8x32x8x128xf32, #tpu.memory_space<hbm>> -> memref<1x8x1x8x64xf32, #tpu.memory_space<hbm>>
    %dma_wait3A_97 = tpu.memref_squeeze %dma_wait3A_96 : memref<1x8x1x8x64xf32, #tpu.memory_space<hbm>> -> memref<8x8x64xf32, #tpu.memory_space<hbm>>
    %dma_wait3A_98 = arith.constant 0 : i32
    %dma_wait3A_99 = arith.constant 0 : i32
    %dma_wait3A_100 = arith.constant 0 : i32
    %dma_wait3A_101 = tpu.memref_slice %arg4[%dma_wait3A_87, %dma_wait3A_98, %add3A, %dma_wait3A_99, %dma_wait3A_100] : memref<200x8x32x8x128xf32, #tpu.memory_space<hbm>> -> memref<1x8x1x8x64xf32, #tpu.memory_space<hbm>>
    %dma_wait3A_102 = tpu.memref_squeeze %dma_wait3A_101 : memref<1x8x1x8x64xf32, #tpu.memory_space<hbm>> -> memref<8x8x64xf32, #tpu.memory_space<hbm>>
    %dma_wait3A_103 = arith.constant 0 : i32
    %dma_wait3A_104 = arith.constant 0 : i32
    %dma_wait3A_105 = arith.constant 0 : i32
    %dma_wait3A_106 = tpu.memref_slice %arg7[%dma_wait3A, %dma_wait3A_103, %dma_wait3A_104, %dma_wait3A_105] : memref<2x8x8x129xf32, #tpu.memory_space<vmem>> -> memref<1x8x8x64xf32, #tpu.memory_space<vmem>>
    %dma_wait3A_107 = tpu.memref_squeeze %dma_wait3A_106 : memref<1x8x8x64xf32, #tpu.memory_space<vmem>> -> memref<8x8x64xf32, #tpu.memory_space<vmem>>
    tpu.wait_dma2 semaphore(%arg10 : memref<!tpu.dma_semaphore, #tpu.memory_space<semaphore_mem>>) src(%dma_wait3A_107 : memref<8x8x64xf32, #tpu.memory_space<vmem>>) dst(%dma_wait3A_102 : memref<8x8x64xf32, #tpu.memory_space<hbm>>)
    %dma_wait3A_108 = arith.constant 0 : i32
    %dma_wait3A_109 = arith.constant 198 : i32
    %dma_wait3A_110 = arith.constant 0 : i32
    %dma_wait3A_111 = arith.constant 0 : i32
    %dma_wait3A_112 = arith.constant 64 : i32
    %dma_wait3A_113 = tpu.memref_slice %arg7[%dma_wait3A_108, %dma_wait3A_110, %dma_wait3A_111, %dma_wait3A_112] : memref<2x8x8x129xf32, #tpu.memory_space<vmem>> -> memref<1x8x8x64xf32, #tpu.memory_space<vmem>>
    %dma_wait3A_114 = tpu.memref_squeeze %dma_wait3A_113 : memref<1x8x8x64xf32, #tpu.memory_space<vmem>> -> memref<8x8x64xf32, #tpu.memory_space<vmem>>
    %dma_wait3A_115 = arith.constant 0 : i32
    %dma_wait3A_116 = arith.constant 0 : i32
    %dma_wait3A_117 = arith.constant 64 : i32
    %dma_wait3A_118 = tpu.memref_slice %arg4[%dma_wait3A_109, %dma_wait3A_115, %add3A, %dma_wait3A_116, %dma_wait3A_117] : memref<200x8x32x8x128xf32, #tpu.memory_space<hbm>> -> memref<1x8x1x8x64xf32, #tpu.memory_space<hbm>>
    %dma_wait3A_119 = tpu.memref_squeeze %dma_wait3A_118 : memref<1x8x1x8x64xf32, #tpu.memory_space<hbm>> -> memref<8x8x64xf32, #tpu.memory_space<hbm>>
    %dma_wait3A_120 = arith.constant 0 : i32
    %dma_wait3A_121 = arith.constant 0 : i32
    %dma_wait3A_122 = arith.constant 64 : i32
    %dma_wait3A_123 = tpu.memref_slice %arg4[%dma_wait3A_109, %dma_wait3A_120, %add3A, %dma_wait3A_121, %dma_wait3A_122] : memref<200x8x32x8x128xf32, #tpu.memory_space<hbm>> -> memref<1x8x1x8x64xf32, #tpu.memory_space<hbm>>
    %dma_wait3A_124 = tpu.memref_squeeze %dma_wait3A_123 : memref<1x8x1x8x64xf32, #tpu.memory_space<hbm>> -> memref<8x8x64xf32, #tpu.memory_space<hbm>>
    %dma_wait3A_125 = arith.constant 0 : i32
    %dma_wait3A_126 = arith.constant 0 : i32
    %dma_wait3A_127 = arith.constant 64 : i32
    %dma_wait3A_128 = tpu.memref_slice %arg7[%dma_wait3A_108, %dma_wait3A_125, %dma_wait3A_126, %dma_wait3A_127] : memref<2x8x8x129xf32, #tpu.memory_space<vmem>> -> memref<1x8x8x64xf32, #tpu.memory_space<vmem>>
    %dma_wait3A_129 = tpu.memref_squeeze %dma_wait3A_128 : memref<1x8x8x64xf32, #tpu.memory_space<vmem>> -> memref<8x8x64xf32, #tpu.memory_space<vmem>>
    tpu.wait_dma2 semaphore(%arg10 : memref<!tpu.dma_semaphore, #tpu.memory_space<semaphore_mem>>) src(%dma_wait3A_129 : memref<8x8x64xf32, #tpu.memory_space<vmem>>) dst(%dma_wait3A_124 : memref<8x8x64xf32, #tpu.memory_space<hbm>>)
    %dma_wait3A_130 = arith.constant 1 : i32
    %dma_wait3A_131 = arith.constant 199 : i32
    %dma_wait3A_132 = arith.constant 0 : i32
    %dma_wait3A_133 = arith.constant 0 : i32
    %dma_wait3A_134 = arith.constant 0 : i32
    %dma_wait3A_135 = tpu.memref_slice %arg7[%dma_wait3A_130, %dma_wait3A_132, %dma_wait3A_133, %dma_wait3A_134] : memref<2x8x8x129xf32, #tpu.memory_space<vmem>> -> memref<1x8x8x64xf32, #tpu.memory_space<vmem>>
    %dma_wait3A_136 = tpu.memref_squeeze %dma_wait3A_135 : memref<1x8x8x64xf32, #tpu.memory_space<vmem>> -> memref<8x8x64xf32, #tpu.memory_space<vmem>>
    %dma_wait3A_137 = arith.constant 0 : i32
    %dma_wait3A_138 = arith.constant 0 : i32
    %dma_wait3A_139 = arith.constant 0 : i32
    %dma_wait3A_140 = tpu.memref_slice %arg4[%dma_wait3A_131, %dma_wait3A_137, %add3A, %dma_wait3A_138, %dma_wait3A_139] : memref<200x8x32x8x128xf32, #tpu.memory_space<hbm>> -> memref<1x8x1x8x64xf32, #tpu.memory_space<hbm>>
    %dma_wait3A_141 = tpu.memref_squeeze %dma_wait3A_140 : memref<1x8x1x8x64xf32, #tpu.memory_space<hbm>> -> memref<8x8x64xf32, #tpu.memory_space<hbm>>
    %dma_wait3A_142 = arith.constant 0 : i32
    %dma_wait3A_143 = arith.constant 0 : i32
    %dma_wait3A_144 = arith.constant 0 : i32
    %dma_wait3A_145 = tpu.memref_slice %arg4[%dma_wait3A_131, %dma_wait3A_142, %add3A, %dma_wait3A_143, %dma_wait3A_144] : memref<200x8x32x8x128xf32, #tpu.memory_space<hbm>> -> memref<1x8x1x8x64xf32, #tpu.memory_space<hbm>>
    %dma_wait3A_146 = tpu.memref_squeeze %dma_wait3A_145 : memref<1x8x1x8x64xf32, #tpu.memory_space<hbm>> -> memref<8x8x64xf32, #tpu.memory_space<hbm>>
    %dma_wait3A_147 = arith.constant 0 : i32
    %dma_wait3A_148 = arith.constant 0 : i32
    %dma_wait3A_149 = arith.constant 0 : i32
    %dma_wait3A_150 = tpu.memref_slice %arg7[%dma_wait3A_130, %dma_wait3A_147, %dma_wait3A_148, %dma_wait3A_149] : memref<2x8x8x129xf32, #tpu.memory_space<vmem>> -> memref<1x8x8x64xf32, #tpu.memory_space<vmem>>
    %dma_wait3A_151 = tpu.memref_squeeze %dma_wait3A_150 : memref<1x8x8x64xf32, #tpu.memory_space<vmem>> -> memref<8x8x64xf32, #tpu.memory_space<vmem>>
    tpu.wait_dma2 semaphore(%arg11 : memref<!tpu.dma_semaphore, #tpu.memory_space<semaphore_mem>>) src(%dma_wait3A_151 : memref<8x8x64xf32, #tpu.memory_space<vmem>>) dst(%dma_wait3A_146 : memref<8x8x64xf32, #tpu.memory_space<hbm>>)
    %dma_wait3A_152 = arith.constant 1 : i32
    %dma_wait3A_153 = arith.constant 199 : i32
    %dma_wait3A_154 = arith.constant 0 : i32
    %dma_wait3A_155 = arith.constant 0 : i32
    %dma_wait3A_156 = arith.constant 64 : i32
    %dma_wait3A_157 = tpu.memref_slice %arg7[%dma_wait3A_152, %dma_wait3A_154, %dma_wait3A_155, %dma_wait3A_156] : memref<2x8x8x129xf32, #tpu.memory_space<vmem>> -> memref<1x8x8x64xf32, #tpu.memory_space<vmem>>
    %dma_wait3A_158 = tpu.memref_squeeze %dma_wait3A_157 : memref<1x8x8x64xf32, #tpu.memory_space<vmem>> -> memref<8x8x64xf32, #tpu.memory_space<vmem>>
    %dma_wait3A_159 = arith.constant 0 : i32
    %dma_wait3A_160 = arith.constant 0 : i32
    %dma_wait3A_161 = arith.constant 64 : i32
    %dma_wait3A_162 = tpu.memref_slice %arg4[%dma_wait3A_153, %dma_wait3A_159, %add3A, %dma_wait3A_160, %dma_wait3A_161] : memref<200x8x32x8x128xf32, #tpu.memory_space<hbm>> -> memref<1x8x1x8x64xf32, #tpu.memory_space<hbm>>
    %dma_wait3A_163 = tpu.memref_squeeze %dma_wait3A_162 : memref<1x8x1x8x64xf32, #tpu.memory_space<hbm>> -> memref<8x8x64xf32, #tpu.memory_space<hbm>>
    %dma_wait3A_164 = arith.constant 0 : i32
    %dma_wait3A_165 = arith.constant 0 : i32
    %dma_wait3A_166 = arith.constant 64 : i32
    %dma_wait3A_167 = tpu.memref_slice %arg4[%dma_wait3A_153, %dma_wait3A_164, %add3A, %dma_wait3A_165, %dma_wait3A_166] : memref<200x8x32x8x128xf32, #tpu.memory_space<hbm>> -> memref<1x8x1x8x64xf32, #tpu.memory_space<hbm>>
    %dma_wait3A_168 = tpu.memref_squeeze %dma_wait3A_167 : memref<1x8x1x8x64xf32, #tpu.memory_space<hbm>> -> memref<8x8x64xf32, #tpu.memory_space<hbm>>
    %dma_wait3A_169 = arith.constant 0 : i32
    %dma_wait3A_170 = arith.constant 0 : i32
    %dma_wait3A_171 = arith.constant 64 : i32
    %dma_wait3A_172 = tpu.memref_slice %arg7[%dma_wait3A_152, %dma_wait3A_169, %dma_wait3A_170, %dma_wait3A_171] : memref<2x8x8x129xf32, #tpu.memory_space<vmem>> -> memref<1x8x8x64xf32, #tpu.memory_space<vmem>>
    %dma_wait3A_173 = tpu.memref_squeeze %dma_wait3A_172 : memref<1x8x8x64xf32, #tpu.memory_space<vmem>> -> memref<8x8x64xf32, #tpu.memory_space<vmem>>
    tpu.wait_dma2 semaphore(%arg11 : memref<!tpu.dma_semaphore, #tpu.memory_space<semaphore_mem>>) src(%dma_wait3A_173 : memref<8x8x64xf32, #tpu.memory_space<vmem>>) dst(%dma_wait3A_168 : memref<8x8x64xf32, #tpu.memory_space<hbm>>)
    %dma_wait3A_174 = arith.constant 200 : i32
    %dma_wait3A_175 = arith.constant 0 : i32
    %dma_wait3A_176 = arith.constant 0 : i32
    %dma_wait3A_177 = arith.constant 0 : i32
    %dma_wait3A_178 = tpu.memref_slice %arg6[%dma_wait3A_175, %dma_wait3A_176, %dma_wait3A_177] : memref<2x128x64xf32, #tpu.memory_space<vmem>> -> memref<1x128x64xf32, #tpu.memory_space<vmem>>
    %dma_wait3A_179 = tpu.memref_squeeze %dma_wait3A_178 : memref<1x128x64xf32, #tpu.memory_space<vmem>> -> memref<128x64xf32, #tpu.memory_space<vmem>>
    %dma_wait3A_180 = arith.constant 0 : i32
    %dma_wait3A_181 = tpu.memref_slice %arg5[%dma_wait3A_174, %dma_wait3A_180] : memref<201x128xi32, #tpu.memory_space<vmem>> -> memref<1x128xi32, #tpu.memory_space<vmem>>
    %dma_wait3A_182 = tpu.memref_squeeze %dma_wait3A_181 : memref<1x128xi32, #tpu.memory_space<vmem>> -> memref<128xi32, #tpu.memory_space<vmem>>
    %dma_wait3A_183 = arith.constant 0 : i32
    %dma_wait3A_184 = arith.constant 0 : i32
    %dma_wait3A_185 = tpu.memref_slice %arg2[%dma_wait3A_183, %dma_wait3A_184] : memref<1000000x64xf32, #tpu.memory_space<hbm>> -> memref<1000000x64xf32, #tpu.memory_space<hbm>>
    tpu.wait_indirect_dma semaphore(%arg8 : memref<!tpu.dma_semaphore, #tpu.memory_space<semaphore_mem>>) src(%dma_wait3A_185 : memref<1000000x64xf32, #tpu.memory_space<hbm>>) dst(%dma_wait3A_179 : memref<128x64xf32, #tpu.memory_space<vmem>>)
    return
  }
}

</mosaic_0001>

<sc_bundles>
// kernel: _sc_embed.3.cloned.1.call-start
scs
__scs_entry_jumppad:
0x0: {  	(pc) =	sbr.rel $0x88, $3  }
0x1: {  	(tag) =	ssettag $0x0;
	lr =	simm.s32 $0x1  }
0x2: {  	[smem:$0x3F9F] =	sst lr;
	_ =	strace $0xD0000000  }
0x3: {  	_ = 	snop  }
0x4: {  	_ = 	snop  }
0x5: {  	_ = 	snop  }
0x6: {  	_ = 	snop  }
0x7: {  	_ = 	snop  }
__scs_overlays_trampoline_lowered:
0x8: {  	[smem:$0x3FAE] =	sst s0  }
0x9: {  	[smem:$0x3FAF] =	sst s1  }
0xa: {  	[smem:$0x3FB0] =	sst s2  }
0xb: {  	[smem:$0x3FB1] =	sst s3  }
0xc: {  	[smem:$0x3FB2] =	sst s4  }
0xd: {  	[smem:$0x3FB3] =	sst s5  }
0xe: {  	[smem:$0x3FB4] =	sst s6  }
0xf: {  	[smem:$0x3FB5] =	sst s7  }
0x10: {  	[smem:$0x3FB6] =	sst s8  }
0x11: {  	[smem:$0x3FB7] =	sst s9;
	s0 =	simm.s32 @!p0 $0x0  }
0x12: {  	s1 =	sld [smem:$0x3F9D];
	s0 =	simm.s32 @p0 $0x1  }
0x13: {  	[smem:$0x3FB8] =	sst s0;
	s0 =	simm.s32 @!p1 $0x0  }
0x14: {  	s2 =	sld [smem:$0x3F9C];
	s0 =	simm.s32 @p1 $0x1  }
0x15: {  	[smem:$0x3FB9] =	sst s0;
	s0 =	simm.s32 @!p2 $0x0  }
0x16: {  	s3 =	sld [smem:$0x3FDB];
	s0 =	simm.s32 @p2 $0x1  }
0x17: {  	s4 =	simm.s32 $0x1BF5;
	[smem:$0x3FBB] =	sst s0  }
0x18: {  	s0 =	sld [smem:$0x3F9E];
	_ =	swait.ge [sflag:s4], $0x0  }
0x19: {  	s7 =	sld [smem:$0x3F9F]  }
0x1a: {  	s8 =	sadd.s32 $0xFFFFE003, lr  }
0x1b: {  	s9 =	sadd.s32 $0xFFFFFEF7, lr;
	s5 =	simm.s32 $0xFFFFFFFF;
	p2 =	slt.u32 s8, $0xFFFFF086  }
0x1c: {  	p1 =	slt.u32 s9, $0xF7A;
	s5 =	simm.s32 @!p2 $0x0  }
0x1d: {  	s5 =	simm.s32 @p1 $0x1;
	p0 =	seq.s32 s7, s2  }
0x1e: {  	s7 =	smul.u32 @!p0 $0xF7A, s2;
	p2 =	seq.s32 @!p0 s5, $0x0  }
0x1f: {  	s9 =	smul.u32 $0xF7A, s1;
	s8 =	simm.s32 @!p0 $0x1BF5;
	p2 =	por !p2, p0  }
0x20: {  	[sflag:s8] =	ssyncset.s32 @!p0 $0xFFFFF086;
	s6 =	sadd.s32 @!p0 s3, s7;
	s7 =	simm.s32 @!p0 $0x108  }
0x21: {  	s3 =	sadd.s32 s3, s9;
	s6 =	sadd.s32 @!p0 $0x88, s6;
	s7 =	simm.s32 @p2 $0x1082  }
0x22: {  	[simem:s7], [sflag:s8] =	dma.local @!p0 [hbm:s6], $0xF7A  }
0x23: {  	s9 =	sor.u32 $0xD0000000, s2;
	s6 =	simm.s32 $0x108;
	_ =	swait.ge @!p0 [sflag:s8], $0x0  }
0x24: {  	s3 =	sadd.s32 $0x88, s3;
	s6 =	simm.s32 @!p1 $0x1082;
	[sflag:s4] =	ssyncset.s32 $0xFFFFF086  }
0x25: {  	[simem:s6], [sflag:s4] =	dma.local [hbm:s3], $0xF7A  }
0x26: {  	[smem:$0x3F9F] =	sst s1;
	(tag) =	ssettag s2;
	_ =	strace s9  }
0x27: {  	s1 =	sld [smem:$0x3FAF]  }
0x28: {  	s2 =	sld [smem:$0x3FB0]  }
0x29: {  	s4 =	sld [smem:$0x3FB2]  }
0x2a: {  	p0 =	seq.s32 s5, $0x0;
	s5 =	sld [smem:$0x3FB3]  }
0x2b: {  	s6 =	sld [smem:$0x3FB4]  }
0x2c: {  	s7 =	sld [smem:$0x3FB5]  }
0x2d: {  	s3 =	simm.s32 $0x108;
	s8 =	sld [smem:$0x3FB6]  }
0x2e: {  	s3 =	simm.s32 @!p0 $0x1082;
	s9 =	sld [smem:$0x3FB7]  }
0x2f: {  	lr =	sadd.s32 s0, s3;
	s0 =	sld [smem:$0x3FAE]  }
0x30: {  	s3 =	sld [smem:$0x3FB1]  }
0x31: {  	[smem:$0x3FBA] =	sst s10  }
0x32: {  	s10 =	sld [smem:$0x3FB8];
	_ =	sdelay $0x3  }
0x33: {  	p0 =	seq.s32 s10, $0x1;
	s10 =	sld [smem:$0x3FBA];
	_ =	sdelay $0x3  }
0x34: {  	[smem:$0x3FBA] =	sst s10  }
0x35: {  	s10 =	sld [smem:$0x3FB9];
	_ =	sdelay $0x3  }
0x36: {  	p1 =	seq.s32 s10, $0x1;
	s10 =	sld [smem:$0x3FBA];
	_ =	sdelay $0x3  }
0x37: {  	[smem:$0x3FBA] =	sst s10  }
0x38: {  	s10 =	sld [smem:$0x3FBB]  }
0x39: {  	_ = 	snop;
	(pc) =	sbr.ind lr, $3  }
0x3a: {  	_ = 	snop  }
0x3b: {  	_ = 	snop  }
0x3c: {  	p2 =	seq.s32 s10, $0x1;
	s10 =	sld [smem:$0x3FBA]  }
0x3d: {  	_ =	shalt  }
0x3e: {  	_ =	shalt  }
0x3f: {  	_ =	shalt  }
0x40: {  	_ =	shalt  }
0x41: {  	_ =	shalt  }
0x42: {  	_ =	shalt  }
0x43: {  	_ =	shalt  }
0x44: {  	_ =	shalt  }
0x45: {  	_ =	shalt  }
0x46: {  	_ =	shalt  }
0x47: {  	_ =	shalt  }
0x48: {  	_ =	shalt  }
0x49: {  	_ =	shalt  }
0x4a: {  	_ =	shalt  }
0x4b: {  	_ =	shalt  }
0x4c: {  	_ =	shalt  }
0x4d: {  	_ =	shalt  }
0x4e: {  	_ =	shalt  }
0x4f: {  	_ =	shalt  }
0x50: {  	_ =	shalt  }
0x51: {  	_ =	shalt  }
0x52: {  	_ =	shalt  }
0x53: {  	_ =	shalt  }
0x54: {  	_ =	shalt  }
0x55: {  	_ =	shalt  }
0x56: {  	_ =	shalt  }
0x57: {  	_ =	shalt  }
0x58: {  	_ =	shalt  }
0x59: {  	_ =	shalt  }
0x5a: {  	_ =	shalt  }
0x5b: {  	_ =	shalt  }
0x5c: {  	_ =	shalt  }
0x5d: {  	_ =	shalt  }
0x5e: {  	_ =	shalt  }
0x5f: {  	_ =	shalt  }
0x60: {  	_ =	shalt  }
0x61: {  	_ =	shalt  }
0x62: {  	_ =	shalt  }
0x63: {  	_ =	shalt  }
0x64: {  	_ =	shalt  }
0x65: {  	_ =	shalt  }
0x66: {  	_ =	shalt  }
0x67: {  	_ =	shalt  }
0x68: {  	_ =	shalt  }
0x69: {  	_ =	shalt  }
0x6a: {  	_ =	shalt  }
0x6b: {  	_ =	shalt  }
0x6c: {  	_ =	shalt  }
0x6d: {  	_ =	shalt  }
0x6e: {  	_ =	shalt  }
0x6f: {  	_ =	shalt  }
0x70: {  	_ =	shalt  }
0x71: {  	_ =	shalt  }
0x72: {  	_ =	shalt  }
0x73: {  	_ =	shalt  }
0x74: {  	_ =	shalt  }
0x75: {  	_ =	shalt  }
0x76: {  	_ =	shalt  }
0x77: {  	_ =	shalt  }
0x78: {  	_ =	shalt  }
0x79: {  	_ =	shalt  }
0x7a: {  	_ =	shalt  }
0x7b: {  	_ =	shalt  }
0x7c: {  	_ =	shalt  }
0x7d: {  	_ =	shalt  }
0x7e: {  	_ =	shalt  }
0x7f: {  	_ =	shalt  }
0x80: {  	_ =	shalt  }
0x81: {  	_ =	shalt  }
0x82: {  	_ =	shalt  }
0x83: {  	_ =	shalt  }
0x84: {  	_ =	shalt  }
0x85: {  	_ =	shalt  }
0x86: {  	_ =	shalt  }
0x87: {  	_ =	shalt  }
.Lfunc_end0:
.L_simem_size_0:
called_computation_lowered:
.L_overlay_start_0:
0x88: {  	s2 =	sld [smem:$0x3FD9]  }
0x89: {  	s3 =	sld [smem:$0x3FFE];
	_ =	sdelay $0x1  }
0x8a: {  	s1 =	srdreg.scid  }
0x8b: {  	s0 =	sand.u32 $0x1, s1  }
0x8c: {  	s17 =	sshll.u32 s0, $0xA;
	s2 =	sadd.s32 s3, s2  }
0x8d: {  	s2 =	sadd.s32 s2, s17  }
0x8e: {  	[smem:$0x3FC6] =	sst s2  }
0x8f: {  	_ = 	snop  }
0x90: {  	s2 =	sld [smem:$0x3FD0];
	(tm) =	ssettm $0x1  }
0x91: {  	s18 =	sld [smem:$0x3FFB];
	_ =	sdelay $0x3  }
0x92: {  	_ =	strace s18  }
0x93: {  	s3 =	sld [smem:$0x3FFC];
	_ =	sdelay $0x3  }
0x94: {  	_ =	strace s3  }
0x95: {  	s3 =	sld [smem:$0x3FFD];
	_ =	sdelay $0x3  }
0x96: {  	_ =	strace s3  }
0x97: {  	_ =	strace $0x8FFFFFFF  }
0x98: {  	s19 =	sld [smem:$0x3FDB];
	_ =	sdelay $0x1  }
0x99: {  	s4 =	simm.s32 $_scs_section_size  }
0x9a: {  	s5 =	simm.s32 $_size__tile_overlayer_lowered;
	s6 =	simm.s32 $_tile_overlayer_lowered  }
0x9b: {  	s22 =	simm.s32 $0x1BFF;
	s21 =	sshll.u32 s6, $0x1;
	s3 =	sadd.s32 s4, s19  }
0x9c: {  	s7 =	simm.s32 $0x0;
	s20 =	sshll.u32 s5, $0x1;
	s5 =	sadd.s32 s21, s3  }
0x9d: {  	[timem:s7], [sflag:s22] =	dma.local [hbm:s5], s20  }
0x9e: {  	_ =	swait.ge [sflag:s22], s20  }
0x9f: {  	s4 =	ssub.s32 $0x0, s20;
	[sflag:s22] =	ssyncset.done $0x0  }
0xa0: {  	[sflag:s22] =	ssyncadd.s32 s4;
	_ =	sdelay $0x1  }
0xa1: {  	s23 =	simm.s32 $0x1B8B  }
0xa2: {  	_ =	swait.ge [sflag:s23], $0x1  }
0xa3: {  	[sflag:s23] =	ssyncset.done $0x0  }
0xa4: {  	s25 =	simm.s32 $0x1B8E;
	s24 =	sld [smem:$0x3FFE];
	[sflag:s23] =	ssyncadd.s32 $0xFFFFFFFF  }
0xa5: {  	s26 =	simm.s32 $execute0_lowered;
	[smem:$0x3FD2] =	sst s25  }
0xa6: {  	s5 =	sshll.u32 s26, $0x1;
	_ =	strace $0x80000046;
	[dreg:$0x1] =	wrdreg $0xFFFFFFFF  }
0xa7: {  	s28 =	simm.s32 $_size_execute0_lowered;
	s3 =	sadd.s32 s3, s5;
	[dreg:$0x0] =	wrdreg $0x0  }
0xa8: {  	s5 =	sshll.u32 s28, $0x1;
	[dreg:$0x2] =	wrdreg s3  }
0xa9: {  	[dreg:$0x3] =	wrdreg s5  }
0xaa: {  	[dreg:$0x4] =	wrdreg $0xC0  }
0xab: {  	_ =	task [dreg:s7], $0x5FFFF  }
0xac: {  	[dreg:$0x1] =	wrdreg $0xFFFFFFFF  }
0xad: {  	[dreg:$0x0] =	wrdreg $0x60  }
0xae: {  	[dreg:$0x2] =	wrdreg s24  }
0xaf: {  	[dreg:$0x3] =	wrdreg s2  }
0xb0: {  	[dreg:$0x4] =	wrdreg $0x9  }
0xb1: {  	_ =	task.clear_ibuf [dreg:s7], $0x5FFFF;
	_ =	strace $0x90000046  }
0xb2: {  	s29 =	simm.s32 $0x9;
	_ =	strace $0x80000048  }
0xb3: {  	_ =	swait.ge [sflag:s29], $0x1  }
0xb4: {  	[sflag:s29] =	ssyncadd.s32 $0xFFFFFFFF  }
0xb5: {  	_ =	strace $0x90000048  }
0xb6: {  	_ =	sfence  }
0xb7: {  	s30 =	sld [smem:$0x0];
	_ =	sdelay $0x2  }
0xb8: {  	s31 =	sshll.u32 s1, $0xD;
	s1 =	sshrl.u32 s1, $0x2  }
0xb9: {  	s3 =	sand.u32 $0x4000, s31;
	s1 =	sadd.s32 s1, s30  }
0xba: {  	s0 =	sor.u32 s3, s0;
	s1 =	sshll.u32 s1, $0x11  }
0xbb: {  	s0 =	sor.u32 s1, s0  }
0xbc: {  	s0 =	sadd.s32 $0x8F2B, s0  }
0xbd: {  	[sflag:s0] =	ssyncadd.remote.s32 $0x1  }
0xbe: {  	_ =	sfence.sel $0xFFFF  }
0xbf: {  	[dreg:$0x0] =	wrdreg $0xFFFFFFFF;
	(pc) =	sbr.abs _section_cstart, $3  }
0xc0: {  	[dreg:$0x1] =	wrdreg $0xFFFFFFFF  }
0xc1: {  	_ =	task.clear_ibuf [dreg:s7], $0x2FFFF;
	_ =	strace $0x9FFFFFFF  }
0xc2: {  	(tm) =	ssettm $0x7FFFFFFF  }
0xc3: {  	_ =	shalt  }
tec
execute0_lowered:
.L_overlay_start_1:
0x0: {  	(tag) =	ssettag $0x1  }
0x1: {  	v0 =	vlaneseq.u32  }
0x2: {  	v9 =	vmul.u32 $0x88, v0  }
0x3: {  	vm0 =	vcmask $0x300;
	v0 =	vimm.s32 $0x0  }
0x4: {  	v2 =	vsel vm0, $0x3, v0;
	v0 =	vadd.s32 $0x1980, v9  }
0x5: {  	s4 =	rddreg [dreg:$0x0];
	[tilespmem:$0x1FF10] =	vst v0;
	v0 =	vadd.s32 $0x1981, v9  }
0x6: {  	s2 =	rddreg [dreg:$0x1];
	s3 =	simm.s32 $0x0;
	[tilespmem:$0x1FF20] =	vst v0;
	v0 =	vadd.s32 $0x1102, v9  }
0x7: {  	s1 =	srdreg.scid;
	[smem:$0x7FF] =	sst s3;
	[tilespmem:$0x1FF30] =	vst v0;
	v0 =	vadd.s32 $0x1103, v9  }
0x8: {  	s5 =	sand.u32 $0x1, s1;
	s1 =	rddreg [dreg:$0x2];
	v10 =	vadd.s32 $0x1982, v9;
	_ =	strace $0x80000047;
	[tilespmem:$0x1FF40] =	vst v0  }
0x9: {  	v57 =	vadd.s32 $0x1983, v9;
	[tilespmem:$0x1FF50] =	vst v10  }
0xa: {  	v25 =	vadd.s32 $0x1104, v9;
	[tilespmem:$0x1FF60] =	vst v57  }
0xb: {  	s0 =	stileid.u32;
	v22 =	vadd.s32 $0x1984, v9;
	[tilespmem:$0x1FF70] =	vst v25  }
0xc: {  	s9 =	simm.s32 $0x80;
	s10 =	simm.s32 $0x1000;
	s11 =	simm.s32 $0x5;
	v58 =	vadd.s32 $0x880, v9;
	v5 =	vadd.s32 $0x1105, v9;
	[tilespmem:$0x1FF80] =	vst v22  }
0xd: {  	s12 =	simm.s32 $0x6480;
	s13 =	simm.s32 $0x8480;
	s14 =	simm.s32 $0x1;
	v11 =	vadd.s32 $0x1100, v9;
	v52 =	vor.u32 $0x1, v9;
	v26 =	vadd.s32 $0x1985, v9;
	[tilespmem:$0x1FF90] =	vst v5  }
0xe: {  	s15 =	simm.s32 $0xA480;
	s16 =	simm.s32 $0x2;
	s17 =	simm.s32 $0xC680;
	v16 =	vadd.s32 $0x881, v9;
	v7 =	vadd.s32 $0x1101, v9;
	v12 =	vadd.s32 $0x1106, v9;
	[tilespmem:$0x1FFA0] =	vst v26  }
0xf: {  	s18 =	simm.s32 $0x3;
	s19 =	simm.s32 $0x4;
	s6 =	sshll.u32 s0, $0x1;
	v13 =	vor.u32 $0x2, v9;
	v14 =	vadd.s32 $0x882, v9;
	v27 =	vadd.s32 $0x1986, v9;
	[tilespmem:$0x1FFB0] =	vst v12  }
0x10: {  	s20 =	simm.s32 $0x0;
	s6 =	sor.u32 s5, s6;
	s5 =	ssub.s32 $0x2, s5;
	v4 =	vor.u32 $0x3, v9;
	v61 =	vadd.s32 $0x883, v9;
	v3 =	vadd.s32 $0x1987, v9;
	[tilespmem:$0x1FFC0] =	vst v27  }
0x11: {  	s7 =	sshll.u32 s6, $0x4;
	s8 =	sshrl.u32 s5, $0x1;
	v15 =	vor.u32 $0x4, v9;
	s6 =	sshll.u32 s6, $0xA;
	v21 =	vadd.s32 $0x884, v9;
	v23 =	vor.u32 $0x5, v9;
	[tilespmem:$0x1FFD0] =	vst v3  }
0x12: {  	v24 =	vadd.s32 $0x885, v9;
	v8 =	vor.u32 $0x6, v9;
	v28 =	vadd.s32 $0x886, v9;
	s7 =	sadd.s32 s7, s4;
	s4 =	sadd.s32 $0xF42A00, s4;
	s8 =	ssub.s32 s5, s8;
	[tilespmem:$0x1FFE0] =	vst v15  }
0x13: {  	v31 =	vor.u32 $0x7, v9;
	v17 =	vadd.s32 $0x887, v9;
	v33 =	vadd.s32 $0x1107, v9;
	s5 =	sadd.s32 $0x600, s7;
	s7 =	sadd.s32 $0x8, s2;
	s8 =	smax.u32 s8, $0x1;
	[tilespmem:$0x1FFF0] =	vst v13  }
.LBB2_1:
0x14: {  	[tilespmem:s3], [sflag:$0x5] =	stream.strided.gather [hbm4b:s5+s9], $0x6400, s10, s9, $0x38;
	[tilespmem:$0xE880] =	vst v63  }
0x15: {  	_ =	swait.ge [sflag:s11], $0x6400  }
0x16: {  	[sflag:s11] =	ssyncset.done $0x0  }
0x17: {  	v0 =	vimm.s32 $0x0;
	[sflag:s11] =	ssyncadd.s32 $0xFFFF9C00  }
0x18: {  	[tilespmem:$0x6400] =	vst v0  }
0x19: {  	[tilespmem:$0x6410] =	vst v0  }
0x1a: {  	[tilespmem:$0x6420] =	vst v0  }
0x1b: {  	[tilespmem:$0x6430] =	vst v0  }
0x1c: {  	[tilespmem:$0x6440] =	vst v0  }
0x1d: {  	[tilespmem:$0x6450] =	vst v0  }
0x1e: {  	[tilespmem:$0x6460] =	vst v0  }
0x1f: {  	s21 =	simm.s32 $0x0;
	[tilespmem:$0x6470] =	vst v0  }
0x20: {  	[tilespmem:s12], [sflag:$0x1] =	stream.indirect.gather [hbm4b:s4+s9], $0x40, s3, s9, $0xb8;
	[tilespmem:$0xE880] =	vst v63  }
.LBB2_2:
0x21: {  	s22 =	sshllo.u32 s21, $0x1  }
0x22: {  	s23 =	sshll.u32 s22, $0x7  }
0x23: {  	s23 =	sand.u32 $0x3FFFFF80, s23  }
0x24: {  	[tilespmem:s13], [sflag:$0x2] =	stream.indirect.gather [hbm4b:s4+s9], $0x40, s23, s9, $0xb8;
	[tilespmem:$0xE880] =	vst v63  }
0x25: {  	p0 =	seq.s32 s21, $0x0;
	_ =	swait.ge [sflag:s14], $0x2000  }
0x26: {  	s24 =	simm.s32 $0x0;
	s25 =	simm.s32 $0x1;
	[sflag:s14] =	ssyncset.done $0x0  }
0x27: {  	s30 =	simm.s32 $0x2;
	s23 =	simm.s32 @!p0 $0x3;
	[sflag:s14] =	ssyncadd.s32 $0xFFFFE000  }
0x28: {  	s31 =	simm.s32 $0x3;
	s26 =	simm.s32 $0x4;
	v34 =	vmov s24;
	v35 =	vmov s25;
	_ =	swait.ge @!p0 [sflag:s23], $0x1000  }
0x29: {  	s28 =	simm.s32 $0x5;
	s29 =	simm.s32 $0x6;
	v36 =	vmov s30;
	v37 =	vmov s31;
	v38 =	vmov s26;
	[sflag:s23] =	ssyncset.done @!p0 $0x0  }
0x2a: {  	v39 =	vmov s28;
	v40 =	vmov s29;
	s30 =	simm.s32 $0x7;
	v34 =	vshrl.u32 v34, $0x3;
	[sflag:s23] =	ssyncadd.s32 @!p0 $0xFFFFF000  }
0x2b: {  	v35 =	vshrl.u32 v35, $0x3;
	v41 =	vmov s30;
	v36 =	vshrl.u32 v36, $0x3;
	_ =	swait.ge @!p0 [sflag:s23], $0x1000  }
0x2c: {  	v37 =	vshrl.u32 v37, $0x3;
	v38 =	vshrl.u32 v38, $0x3;
	v41 =	vshrl.u32 v41, $0x3;
	[sflag:s23] =	ssyncset.done @!p0 $0x0  }
0x2d: {  	v39 =	vshrl.u32 v39, $0x3;
	v43 =	vshrl.u32 v40, $0x3;
	v41 =	vshll.u32 v41, v2;
	[sflag:s23] =	ssyncadd.s32 @!p0 $0xFFFFF000;
	s23 =	simm.s32 $0x6580  }
0x2e: {  	v34 =	vshll.u32 v34, v2;
	v35 =	vshll.u32 v35, v2;
	v12 =	vbroadcast v41, $0x0;
	v59 =	vld [tilespmem:s23+$0xC0]  }
0x2f: {  	v36 =	vshll.u32 v36, v2;
	v37 =	vshll.u32 v37, v2;
	v30 =	vbroadcast v34, $0x0;
	v44 =	vld [tilespmem:s23+$0xFFFFFF00]  }
0x30: {  	v45 =	vshll.u32 v38, v2;
	v29 =	vbroadcast v35, $0x0;
	v47 =	vadd.s32 v31, v12;
	v46 =	vld [tilespmem:s23+$0xFFFFFF40]  }
0x31: {  	v60 =	vshll.u32 v39, v2;
	v38 =	vbroadcast v36, $0x0;
	v62 =	vadd.s32 v9, v30;
	v48 =	vld [tilespmem:s23+$0xFFFFFF80]  }
0x32: {  	v43 =	vshll.u32 v43, v2;
	v37 =	vbroadcast v37, $0x0;
	v49 =	vadd.s32 v52, v29;
	v50 =	vld [tilespmem:s23+$0xFFFFFFC0]  }
0x33: {  	v36 =	vbroadcast v45, $0x0;
	v51 =	vadd.s32 v13, v38;
	v63 =	vld [tilespmem:s23+$0x0];
	v41 =	vmul.f32 $8.000000000e+00, v59  }
0x34: {  	v34 =	vbroadcast v60, $0x0;
	v53 =	vadd.s32 v4, v37;
	v54 =	vld [tilespmem:s23+$0x40];
	v44 =	vmul.f32 $8.000000000e+00, v44  }
0x35: {  	v35 =	vbroadcast v43, $0x0;
	v55 =	vadd.s32 v15, v36;
	v56 =	vld [tilespmem:s23+$0x80];
	v46 =	vmul.f32 $8.000000000e+00, v46;
	[tilespmem:v47+s15+$0x0] =	vst.idx.msk $0xffff, v41  }
0x36: {  	v60 =	vmul.f32 $8.000000000e+00, v48;
	[tilespmem:v62+s15+$0x0] =	vst.idx.msk $0xffff, v44;
	v44 =	vadd.s32 v23, v34;
	v45 =	vld [tilespmem:s23+$0xD0]  }
0x37: {  	v48 =	vadd.s32 v8, v35;
	[tilespmem:v49+s15+$0x0] =	vst.idx.msk $0xffff, v46;
	v62 =	vmul.f32 $8.000000000e+00, v50;
	v47 =	vld [tilespmem:s23+$0xFFFFFF10]  }
0x38: {  	s31 =	simm.s32 $0x8;
	v63 =	vmul.f32 $8.000000000e+00, v63;
	[tilespmem:v51+s15+$0x0] =	vst.idx.msk $0xffff, v60;
	v51 =	vadd.s32 v17, v12;
	v50 =	vld [tilespmem:s23+$0xFFFFFF50]  }
0x39: {  	v19 =	vmovc v57;
	v15 =	vmovc v58;
	v57 =	vadd.s32 v58, v30;
	v59 =	vmov s31;
	v42 =	vmul.f32 $8.000000000e+00, v54;
	v58 =	vld [tilespmem:s23+$0xFFFFFF90];
	[tilespmem:v53+s15+$0x0] =	vst.idx.msk $0xffff, v62  }
0x3a: {  	v54 =	vadd.s32 v16, v29;
	v39 =	vmul.f32 $8.000000000e+00, v56;
	v43 =	vshrl.u32 v59, $0x3;
	[tilespmem:v55+s15+$0x0] =	vst.idx.msk $0xffff, v63;
	v59 =	vld [tilespmem:s23+$0xFFFFFFD0]  }
0x3b: {  	v56 =	vadd.s32 v14, v38;
	v60 =	vld [tilespmem:s23+$0x10];
	[tilespmem:v44+s15+$0x0] =	vst.idx.msk $0xffff, v42;
	v44 =	vmul.f32 $8.000000000e+00, v45  }
0x3c: {  	[tilespmem:v48+s15+$0x0] =	vst.idx.msk $0xffff, v39;
	v46 =	vmul.f32 $8.000000000e+00, v47;
	v47 =	vadd.s32 v61, v37  }
0x3d: {  	v48 =	vmul.f32 $8.000000000e+00, v50;
	v50 =	vadd.s32 v21, v36;
	[tilespmem:v51+s15+$0x0] =	vst.idx.msk $0xffff, v44  }
0x3e: {  	v6 =	vmov v8;
	v8 =	vmov v61;
	v61 =	vld [tilespmem:s23+$0x50];
	v63 =	vmul.f32 $8.000000000e+00, v58;
	[tilespmem:v57+s15+$0x0] =	vst.idx.msk $0xffff, v46  }
0x3f: {  	[tilespmem:v54+s15+$0x0] =	vst.idx.msk $0xffff, v48;
	v48 =	vmul.f32 $8.000000000e+00, v59  }
0x40: {  	v44 =	vshll.u32 v43, v2;
	[tilespmem:v56+s15+$0x0] =	vst.idx.msk $0xffff, v63;
	v43 =	vmul.f32 $8.000000000e+00, v60  }
0x41: {  	v62 =	vld [tilespmem:s23+$0x90];
	[tilespmem:v47+s15+$0x0] =	vst.idx.msk $0xffff, v48  }
0x42: {  	v0 =	vmov v7;
	v46 =	vadd.s32 v24, v34;
	v51 =	vld [tilespmem:s23+$0xE0];
	[tilespmem:v50+s15+$0x0] =	vst.idx.msk $0xffff, v43  }
0x43: {  	v59 =	vadd.s32 v11, v30;
	v47 =	vmul.f32 $8.000000000e+00, v61;
	v61 =	vadd.s32 v7, v29;
	v7 =	vmovc v11;
	v11 =	vmovc v0;
	v0 =	vld [tilespmem:$0x1FF30]  }
0x44: {  	v54 =	vadd.s32 v28, v35;
	v57 =	vld [tilespmem:s23+$0xFFFFFF20]  }
0x45: {  	v56 =	vadd.s32 v33, v12;
	v58 =	vld [tilespmem:s23+$0xFFFFFF60]  }
0x46: {  	v60 =	vld [tilespmem:s23+$0xFFFFFFA0]  }
0x47: {  	v62 =	vmul.f32 $8.000000000e+00, v62;
	[tilespmem:v46+s15+$0x0] =	vst.idx.msk $0xffff, v47  }
0x48: {  	s31 =	simm.s32 $0xE;
	v51 =	vmul.f32 $8.000000000e+00, v51;
	v18 =	vmov v0;
	v50 =	vadd.s32 v0, v38;
	v0 =	vld [tilespmem:$0x1FF40]  }
0x49: {  	v39 =	vmov s31;
	v46 =	vmul.f32 $8.000000000e+00, v57;
	[tilespmem:v54+s15+$0x0] =	vst.idx.msk $0xffff, v62  }
0x4a: {  	v43 =	vshrl.u32 v39, $0x3;
	v39 =	vbroadcast v44, $0x0;
	v44 =	vmul.f32 $8.000000000e+00, v58;
	[tilespmem:v56+s15+$0x0] =	vst.idx.msk $0xffff, v51  }
0x4b: {  	v63 =	vld [tilespmem:s23+$0xFFFFFFE0];
	v60 =	vmul.f32 $8.000000000e+00, v60;
	[tilespmem:v59+s15+$0x0] =	vst.idx.msk $0xffff, v46  }
0x4c: {  	v32 =	vmov v4;
	v4 =	vld [tilespmem:$0x1FF90];
	[tilespmem:v61+s15+$0x0] =	vst.idx.msk $0xffff, v44  }
0x4d: {  	v59 =	vld [tilespmem:$0x1FFB0];
	v40 =	vadd.s32 v0, v37;
	[tilespmem:v50+s15+$0x0] =	vst.idx.msk $0xffff, v60  }
0x4e: {  	v20 =	vmov v0;
	v0 =	vld [tilespmem:$0x1FF10]  }
0x4f: {  	s26 =	simm.s32 $0xA  }
0x50: {  	v5 =	vmovc v9;
	s25 =	simm.s32 $0x9;
	s29 =	simm.s32 $0xC;
	v9 =	vmov v52;
	v52 =	vmov s26;
	v1 =	vld [tilespmem:s23+$0x20];
	v63 =	vmul.f32 $8.000000000e+00, v63  }
0x51: {  	s28 =	simm.s32 $0xB;
	s30 =	simm.s32 $0xD;
	v52 =	vshrl.u32 v52, $0x3;
	v49 =	vmov s25;
	v55 =	vmov s29;
	v41 =	vld [tilespmem:s23+$0x60]  }
0x52: {  	v49 =	vshrl.u32 v49, $0x3;
	v53 =	vmov s28;
	v45 =	vmov s30;
	v62 =	vld [tilespmem:s23+$0xA0];
	[tilespmem:v40+s15+$0x0] =	vst.idx.msk $0xffff, v63  }
0x53: {  	v48 =	vshll.u32 v49, v2;
	v58 =	vadd.s32 v25, v36;
	v49 =	vadd.s32 v0, v30;
	v0 =	vld [tilespmem:$0x1FF20]  }
0x54: {  	v55 =	vshrl.u32 v55, $0x3;
	v53 =	vshrl.u32 v53, $0x3;
	v42 =	vshrl.u32 v45, $0x3;
	v57 =	vld [tilespmem:s23+$0xF0]  }
0x55: {  	v45 =	vshll.u32 v52, v2;
	v47 =	vshll.u32 v55, v2;
	v51 =	vld [tilespmem:s23+$0xFFFFFF30];
	v56 =	vadd.s32 v4, v34  }
0x56: {  	v46 =	vshll.u32 v53, v2;
	v1 =	vmul.f32 $8.000000000e+00, v1;
	v53 =	vld [tilespmem:s23+$0xFFFFFF70];
	v52 =	vadd.s32 v59, v35  }
0x57: {  	v54 =	vadd.s32 v3, v12;
	v12 =	vmovc v25;
	v44 =	vshll.u32 v42, v2;
	v50 =	vld [tilespmem:s23+$0xFFFFFFB0];
	v25 =	vmovc v4;
	v40 =	vmul.f32 $8.000000000e+00, v41  }
0x58: {  	s24 =	simm.s32 $0x10;
	s25 =	simm.s32 $0xF;
	v41 =	vmul.f32 $8.000000000e+00, v62;
	v55 =	vld [tilespmem:s23+$0xFFFFFFF0];
	[tilespmem:v58+s15+$0x0] =	vst.idx.msk $0xffff, v1;
	v30 =	vmovc v3;
	v42 =	vadd.s32 v0, v29;
	v29 =	vmov v59  }
.LBB2_3:
0x59: {  	v1 =	vmov s25;
	v58 =	vld [tilespmem:s23+$0x30]  }
0x5a: {  	v38 =	vadd.s32 v10, v38;
	v37 =	vadd.s32 v19, v37;
	v0 =	vld [tilespmem:$0x1FFE0];
	[tilespmem:v56+s15+$0x0] =	vst.idx.msk $0xffff, v40;
	v62 =	vmul.f32 $8.000000000e+00, v57  }
0x5b: {  	v36 =	vadd.s32 v22, v36;
	v1 =	vshrl.u32 v1, $0x3;
	[tilespmem:v52+s15+$0x0] =	vst.idx.msk $0xffff, v41;
	v63 =	vmul.f32 $8.000000000e+00, v51;
	v57 =	vld [tilespmem:s23+$0x70]  }
0x5c: {  	v34 =	vadd.s32 v26, v34;
	v1 =	vshll.u32 v1, v2;
	v61 =	vld [tilespmem:s23+$0xB0];
	v60 =	vmul.f32 $8.000000000e+00, v53;
	s23 =	sadd.s32 $0x200, s23;
	[tilespmem:v54+s15+$0x0] =	vst.idx.msk $0xffff, v62  }
0x5d: {  	v43 =	vshll.u32 v43, v2;
	v41 =	vbroadcast v1, $0x0;
	v1 =	vmul.f32 $8.000000000e+00, v50;
	[tilespmem:v49+s15+$0x0] =	vst.idx.msk $0xffff, v63;
	v54 =	vld [tilespmem:s23+$0xC0]  }
0x5e: {  	v35 =	vadd.s32 v27, v35;
	v40 =	vmov v39;
	[tilespmem:v42+s15+$0x0] =	vst.idx.msk $0xffff, v60;
	v62 =	vmul.f32 $8.000000000e+00, v55;
	v39 =	vld [tilespmem:s23+$0xFFFFFF00]  }
0x5f: {  	v42 =	vbroadcast v48, $0x0;
	v48 =	vadd.s32 v31, v41;
	[tilespmem:v38+s15+$0x0] =	vst.idx.msk $0xffff, v1;
	v1 =	vmul.f32 $8.000000000e+00, v58;
	v63 =	vld [tilespmem:s23+$0xFFFFFF40]  }
0x60: {  	v59 =	vadd.s32 v5, v40;
	v38 =	vbroadcast v45, $0x0;
	v60 =	vld [tilespmem:s23+$0xFFFFFF80];
	[tilespmem:v37+s15+$0x0] =	vst.idx.msk $0xffff, v62;
	v56 =	vmul.f32 $8.000000000e+00, v57  }
0x61: {  	v49 =	vadd.s32 v9, v42;
	v37 =	vbroadcast v46, $0x0;
	[tilespmem:v36+s15+$0x0] =	vst.idx.msk $0xffff, v1;
	v1 =	vmul.f32 $8.000000000e+00, v61;
	v51 =	vld [tilespmem:s23+$0xFFFFFFC0]  }
0x62: {  	v46 =	vadd.s32 v13, v38;
	v36 =	vbroadcast v47, $0x0;
	v57 =	vld [tilespmem:s23+$0x0];
	[tilespmem:v34+s15+$0x0] =	vst.idx.msk $0xffff, v56;
	v61 =	vmul.f32 $8.000000000e+00, v54  }
0x63: {  	v45 =	vadd.s32 v32, v37;
	[tilespmem:v35+s15+$0x0] =	vst.idx.msk $0xffff, v1;
	v34 =	vbroadcast v44, $0x0;
	v39 =	vmul.f32 $8.000000000e+00, v39;
	v54 =	vld [tilespmem:s23+$0x40]  }
0x64: {  	v62 =	vadd.s32 v0, v36;
	v35 =	vbroadcast v43, $0x0;
	v1 =	vmul.f32 $8.000000000e+00, v63;
	v63 =	vld [tilespmem:s23+$0x80];
	[tilespmem:v48+s15+$0x0] =	vst.idx.msk $0xffff, v61  }
0x65: {  	[tilespmem:v59+s15+$0x0] =	vst.idx.msk $0xffff, v39;
	v59 =	vmul.f32 $8.000000000e+00, v60;
	v60 =	vadd.s32 v23, v34;
	v48 =	vld [tilespmem:s23+$0xD0]  }
0x66: {  	[tilespmem:v49+s15+$0x0] =	vst.idx.msk $0xffff, v1;
	v1 =	vmul.f32 $8.000000000e+00, v51;
	v49 =	vadd.s32 v6, v35;
	v52 =	vld [tilespmem:s23+$0xFFFFFF10]  }
0x67: {  	v61 =	vmul.f32 $8.000000000e+00, v57;
	v55 =	vld [tilespmem:s23+$0xFFFFFF50];
	[tilespmem:v46+s15+$0x0] =	vst.idx.msk $0xffff, v59;
	v46 =	vadd.s32 v17, v41  }
0x68: {  	v58 =	vmov s24;
	v56 =	vadd.s32 v15, v40;
	[tilespmem:v45+s15+$0x0] =	vst.idx.msk $0xffff, v1;
	v57 =	vld [tilespmem:s23+$0xFFFFFF90];
	v1 =	vmul.f32 $8.000000000e+00, v54  }
0x69: {  	v43 =	vshrl.u32 v58, $0x3;
	[tilespmem:v62+s15+$0x0] =	vst.idx.msk $0xffff, v61;
	v54 =	vadd.s32 v16, v42;
	v58 =	vld [tilespmem:s23+$0xFFFFFFD0];
	v39 =	vmul.f32 $8.000000000e+00, v63  }
0x6a: {  	v50 =	vadd.s32 v14, v38;
	v59 =	vld [tilespmem:s23+$0x10];
	[tilespmem:v60+s15+$0x0] =	vst.idx.msk $0xffff, v1;
	v1 =	vmul.f32 $8.000000000e+00, v48  }
0x6b: {  	[tilespmem:v49+s15+$0x0] =	vst.idx.msk $0xffff, v39;
	v48 =	vmul.f32 $8.000000000e+00, v52;
	v52 =	vadd.s32 v8, v37;
	v60 =	vld [tilespmem:s23+$0x50]  }
0x6c: {  	s26 =	sadd.s32 $0x2, s24;
	v49 =	vmul.f32 $8.000000000e+00, v55;
	v55 =	vadd.s32 v21, v36;
	v61 =	vld [tilespmem:s23+$0x90];
	[tilespmem:v46+s15+$0x0] =	vst.idx.msk $0xffff, v1  }
0x6d: {  	v53 =	vmov s26;
	[tilespmem:v56+s15+$0x0] =	vst.idx.msk $0xffff, v48;
	v62 =	vmul.f32 $8.000000000e+00, v57;
	v46 =	vadd.s32 v24, v34;
	v48 =	vld [tilespmem:s23+$0xE0]  }
0x6e: {  	s30 =	sadd.s32 $0x5, s24;
	v53 =	vshrl.u32 v53, $0x3;
	[tilespmem:v54+s15+$0x0] =	vst.idx.msk $0xffff, v49;
	v63 =	vmul.f32 $8.000000000e+00, v58;
	v54 =	vadd.s32 v28, v35;
	v56 =	vld [tilespmem:s23+$0xFFFFFF20]  }
0x6f: {  	s31 =	sadd.s32 $0x1, s24;
	v47 =	vmov s30;
	v1 =	vshll.u32 v43, v2;
	v43 =	vmul.f32 $8.000000000e+00, v59;
	v57 =	vld [tilespmem:s23+$0xFFFFFF60];
	[tilespmem:v50+s15+$0x0] =	vst.idx.msk $0xffff, v62  }
0x70: {  	s28 =	sadd.s32 $0x3, s24;
	v51 =	vmov s31;
	v50 =	vadd.s32 v33, v41;
	v59 =	vld [tilespmem:s23+$0xFFFFFFA0];
	[tilespmem:v52+s15+$0x0] =	vst.idx.msk $0xffff, v63;
	v49 =	vmul.f32 $8.000000000e+00, v60  }
0x71: {  	s31 =	sadd.s32 $0x6, s24;
	v45 =	vmov s28;
	v52 =	vadd.s32 v11, v42;
	[tilespmem:v55+s15+$0x0] =	vst.idx.msk $0xffff, v43;
	v55 =	vmul.f32 $8.000000000e+00, v61;
	v60 =	vld [tilespmem:s23+$0xFFFFFFE0]  }
0x72: {  	v39 =	vmov s31;
	v58 =	vshrl.u32 v45, $0x3;
	v45 =	vadd.s32 v7, v40;
	v62 =	vld [tilespmem:s23+$0x20];
	[tilespmem:v46+s15+$0x0] =	vst.idx.msk $0xffff, v49  }
0x73: {  	v61 =	vshrl.u32 v47, $0x3;
	v47 =	vadd.s32 v18, v38;
	[tilespmem:v54+s15+$0x0] =	vst.idx.msk $0xffff, v55;
	v46 =	vmul.f32 $8.000000000e+00, v48;
	v0 =	vld [tilespmem:s23+$0x60]  }
0x74: {  	v43 =	vshrl.u32 v39, $0x3;
	v39 =	vbroadcast v1, $0x0;
	v1 =	vmul.f32 $8.000000000e+00, v57;
	v4 =	vld [tilespmem:s23+$0xA0]  }
0x75: {  	s29 =	sadd.s32 $0x4, s24;
	v63 =	vadd.s32 v20, v37;
	v56 =	vmul.f32 $8.000000000e+00, v56;
	[tilespmem:v50+s15+$0x0] =	vst.idx.msk $0xffff, v46;
	v49 =	vmul.f32 $8.000000000e+00, v59;
	v59 =	vld [tilespmem:$0x1FF10]  }
0x76: {  	p1 =	slt.u32 s24, $0x38;
	v3 =	vadd.s32 v12, v36;
	v44 =	vmov s29;
	[tilespmem:v52+s15+$0x0] =	vst.idx.msk $0xffff, v1;
	v1 =	vmul.f32 $8.000000000e+00, v60;
	v60 =	vld [tilespmem:$0x1FF20]  }
.Ltmp0:
0x77: {  	v44 =	vshrl.u32 v44, $0x3;
	v51 =	vshrl.u32 v51, $0x3;
	v54 =	vadd.s32 v30, v41;
	[tilespmem:v45+s15+$0x0] =	vst.idx.msk $0xffff, v56;
	v57 =	vld [tilespmem:s23+$0xF0];
	(pc) =	sbr.rel @p1 .LBB2_3-.Ltmp0, $4  }
0x78: {  	v48 =	vshll.u32 v51, v2;
	v56 =	vadd.s32 v25, v34;
	v45 =	vshll.u32 v53, v2;
	v51 =	vld [tilespmem:s23+$0xFFFFFF30]  }
0x79: {  	v52 =	vadd.s32 v29, v35;
	v46 =	vshll.u32 v58, v2;
	v53 =	vld [tilespmem:s23+$0xFFFFFF70];
	v62 =	vmul.f32 $8.000000000e+00, v62;
	[tilespmem:v47+s15+$0x0] =	vst.idx.msk $0xffff, v49  }
0x7a: {  	v47 =	vshll.u32 v44, v2;
	v44 =	vshll.u32 v61, v2;
	v50 =	vld [tilespmem:s23+$0xFFFFFFB0];
	[tilespmem:v63+s15+$0x0] =	vst.idx.msk $0xffff, v1;
	v41 =	vmul.f32 $8.000000000e+00, v4  }
0x7b: {  	s25 =	sadd.s32 $0x7, s24;
	s24 =	sadd.s32 $0x8, s24;
	[tilespmem:v3+s15+$0x0] =	vst.idx.msk $0xffff, v62;
	v55 =	vld [tilespmem:s23+$0xFFFFFFF0];
	v49 =	vadd.s32 v59, v40;
	v40 =	vmul.f32 $8.000000000e+00, v0;
	v42 =	vadd.s32 v60, v42  }
0x7c: {  	_ =	sdelay $0x3  }
0x7d: {  	v1 =	vadd.s32 v10, v38;
	v3 =	vld [tilespmem:s23+$0x30];
	v4 =	vmul.f32 $8.000000000e+00, v57;
	[tilespmem:v56+s15+$0x0] =	vst.idx.msk $0xffff, v40  }
0x7e: {  	v37 =	vadd.s32 v19, v37;
	[tilespmem:v52+s15+$0x0] =	vst.idx.msk $0xffff, v41;
	v56 =	vmul.f32 $8.000000000e+00, v51;
	v40 =	vld [tilespmem:s23+$0x70]  }
0x7f: {  	v36 =	vadd.s32 v22, v36;
	v61 =	vld [tilespmem:s23+$0xB0];
	v57 =	vmul.f32 $8.000000000e+00, v53;
	[tilespmem:v54+s15+$0x0] =	vst.idx.msk $0xffff, v4  }
0x80: {  	v34 =	vadd.s32 v26, v34;
	[tilespmem:v49+s15+$0x0] =	vst.idx.msk $0xffff, v56;
	v62 =	vmul.f32 $8.000000000e+00, v50  }
0x81: {  	v35 =	vadd.s32 v27, v35;
	[tilespmem:v42+s15+$0x0] =	vst.idx.msk $0xffff, v57;
	v53 =	vmul.f32 $8.000000000e+00, v55  }
0x82: {  	v0 =	vmov s25;
	[tilespmem:v1+s15+$0x0] =	vst.idx.msk $0xffff, v62;
	v1 =	vmul.f32 $8.000000000e+00, v3  }
0x83: {  	s26 =	sadd.s32 $0x200, s23;
	v0 =	vshrl.u32 v0, $0x3;
	[tilespmem:v37+s15+$0x0] =	vst.idx.msk $0xffff, v53;
	v55 =	vmul.f32 $8.000000000e+00, v40  }
0x84: {  	v63 =	vld [tilespmem:s26+$0xFFFFFF00];
	v0 =	vshll.u32 v0, v2;
	[tilespmem:v36+s15+$0x0] =	vst.idx.msk $0xffff, v1;
	v1 =	vmul.f32 $8.000000000e+00, v61  }
0x85: {  	v4 =	vld [tilespmem:s26+$0xC0];
	v0 =	vbroadcast v0, $0x0;
	[tilespmem:v34+s15+$0x0] =	vst.idx.msk $0xffff, v55  }
0x86: {  	v54 =	vld [tilespmem:s26+$0xFFFFFF40];
	[tilespmem:v35+s15+$0x0] =	vst.idx.msk $0xffff, v1  }
0x87: {  	v48 =	vbroadcast v48, $0x0;
	v50 =	vadd.s32 v31, v0;
	v53 =	vld [tilespmem:$0x1FFE0]  }
0x88: {  	v45 =	vbroadcast v45, $0x0;
	v38 =	vld [tilespmem:s26+$0xFFFFFF80];
	v3 =	vadd.s32 v5, v39  }
0x89: {  	v43 =	vshll.u32 v43, v2;
	v46 =	vbroadcast v46, $0x0;
	v56 =	vadd.s32 v9, v48;
	v57 =	vld [tilespmem:s26+$0xFFFFFFC0]  }
0x8a: {  	v47 =	vbroadcast v47, $0x0;
	v51 =	vld [tilespmem:s26+$0x0];
	v36 =	vadd.s32 v13, v45;
	v4 =	vmul.f32 $8.000000000e+00, v4  }
0x8b: {  	v44 =	vbroadcast v44, $0x0;
	v62 =	vadd.s32 v32, v46;
	v61 =	vmul.f32 $8.000000000e+00, v63;
	v63 =	vld [tilespmem:s26+$0x40]  }
0x8c: {  	v43 =	vbroadcast v43, $0x0;
	v42 =	vld [tilespmem:s26+$0x80];
	v1 =	vmul.f32 $8.000000000e+00, v54;
	[tilespmem:v50+s15+$0x0] =	vst.idx.msk $0xffff, v4;
	v35 =	vadd.s32 v53, v47  }
0x8d: {  	[tilespmem:v3+s15+$0x0] =	vst.idx.msk $0xffff, v61;
	v3 =	vmul.f32 $8.000000000e+00, v38;
	v4 =	vadd.s32 v23, v44;
	v34 =	vld [tilespmem:s26+$0xD0]  }
0x8e: {  	v38 =	vld [tilespmem:s26+$0xFFFFFF10];
	[tilespmem:v56+s15+$0x0] =	vst.idx.msk $0xffff, v1;
	v1 =	vmul.f32 $8.000000000e+00, v57;
	v57 =	vadd.s32 v6, v43  }
0x8f: {  	v61 =	vld [tilespmem:s26+$0xFFFFFF50];
	[tilespmem:v36+s15+$0x0] =	vst.idx.msk $0xffff, v3;
	v3 =	vmul.f32 $8.000000000e+00, v51;
	v36 =	vadd.s32 v17, v0  }
0x90: {  	v50 =	vadd.s32 v15, v39;
	v51 =	vld [tilespmem:s26+$0xFFFFFF90];
	[tilespmem:v62+s15+$0x0] =	vst.idx.msk $0xffff, v1;
	v1 =	vmul.f32 $8.000000000e+00, v63  }
0x91: {  	v62 =	vadd.s32 v16, v48;
	v63 =	vld [tilespmem:s26+$0xFFFFFFD0];
	[tilespmem:v35+s15+$0x0] =	vst.idx.msk $0xffff, v3;
	v3 =	vmul.f32 $8.000000000e+00, v42  }
0x92: {  	[tilespmem:v4+s15+$0x0] =	vst.idx.msk $0xffff, v1;
	v1 =	vmul.f32 $8.000000000e+00, v34;
	v35 =	vadd.s32 v14, v45;
	v52 =	vld [tilespmem:s26+$0x10]  }
0x93: {  	v55 =	vadd.s32 v8, v46;
	v4 =	vmul.f32 $8.000000000e+00, v38;
	v56 =	vld [tilespmem:s26+$0x50];
	[tilespmem:v57+s15+$0x0] =	vst.idx.msk $0xffff, v3  }
0x94: {  	[tilespmem:v36+s15+$0x0] =	vst.idx.msk $0xffff, v1;
	v3 =	vmul.f32 $8.000000000e+00, v61;
	v57 =	vadd.s32 v21, v47;
	v61 =	vld [tilespmem:s26+$0x90]  }
0x95: {  	[tilespmem:v50+s15+$0x0] =	vst.idx.msk $0xffff, v4;
	v1 =	vmul.f32 $8.000000000e+00, v51;
	v4 =	vadd.s32 v24, v44;
	v36 =	vld [tilespmem:s26+$0xE0]  }
0x96: {  	v50 =	vld [tilespmem:s26+$0xFFFFFF20];
	[tilespmem:v62+s15+$0x0] =	vst.idx.msk $0xffff, v3;
	v3 =	vmul.f32 $8.000000000e+00, v63;
	v62 =	vadd.s32 v28, v43  }
0x97: {  	v63 =	vld [tilespmem:s26+$0xFFFFFF60];
	[tilespmem:v35+s15+$0x0] =	vst.idx.msk $0xffff, v1;
	v35 =	vadd.s32 v33, v0;
	v1 =	vmul.f32 $8.000000000e+00, v52  }
0x98: {  	v42 =	vadd.s32 v7, v39;
	v51 =	vld [tilespmem:s26+$0xFFFFFFA0];
	[tilespmem:v55+s15+$0x0] =	vst.idx.msk $0xffff, v3;
	v3 =	vmul.f32 $8.000000000e+00, v56  }
0x99: {  	v34 =	vadd.s32 v11, v48;
	v52 =	vld [tilespmem:s26+$0xFFFFFFE0];
	[tilespmem:v57+s15+$0x0] =	vst.idx.msk $0xffff, v1;
	v1 =	vmul.f32 $8.000000000e+00, v61  }
0x9a: {  	v55 =	vadd.s32 v18, v45;
	[tilespmem:v4+s15+$0x0] =	vst.idx.msk $0xffff, v3;
	v3 =	vmul.f32 $8.000000000e+00, v36;
	v56 =	vld [tilespmem:s26+$0x20]  }
0x9b: {  	v4 =	vmul.f32 $8.000000000e+00, v50;
	v57 =	vadd.s32 v20, v46;
	v61 =	vld [tilespmem:s26+$0x60];
	[tilespmem:v62+s15+$0x0] =	vst.idx.msk $0xffff, v1  }
0x9c: {  	v1 =	vmul.f32 $8.000000000e+00, v63;
	v62 =	vadd.s32 v12, v47;
	[tilespmem:v35+s15+$0x0] =	vst.idx.msk $0xffff, v3;
	v63 =	vld [tilespmem:s26+$0xA0]  }
0x9d: {  	[tilespmem:v42+s15+$0x0] =	vst.idx.msk $0xffff, v4;
	v4 =	vadd.s32 v25, v44;
	v3 =	vmul.f32 $8.000000000e+00, v51;
	v35 =	vld [tilespmem:s26+$0xF0]  }
0x9e: {  	v42 =	vld [tilespmem:s26+$0xFFFFFF30];
	v51 =	vadd.s32 v29, v43;
	[tilespmem:v34+s15+$0x0] =	vst.idx.msk $0xffff, v1;
	v1 =	vmul.f32 $8.000000000e+00, v52  }
0x9f: {  	v0 =	vadd.s32 v30, v0;
	v52 =	vld [tilespmem:s26+$0xFFFFFF70];
	[tilespmem:v55+s15+$0x0] =	vst.idx.msk $0xffff, v3;
	v3 =	vmul.f32 $8.000000000e+00, v56  }
0xa0: {  	v55 =	vadd.s32 v59, v39;
	v40 =	vld [tilespmem:s26+$0xFFFFFFB0];
	[tilespmem:v57+s15+$0x0] =	vst.idx.msk $0xffff, v1;
	v1 =	vmul.f32 $8.000000000e+00, v61  }
0xa1: {  	v58 =	vmov v10;
	v56 =	vadd.s32 v60, v48;
	v57 =	vld [tilespmem:s26+$0xFFFFFFF0];
	[tilespmem:v62+s15+$0x0] =	vst.idx.msk $0xffff, v3;
	v3 =	vmul.f32 $8.000000000e+00, v63  }
0xa2: {  	v58 =	vadd.s32 v58, v45;
	[tilespmem:v4+s15+$0x0] =	vst.idx.msk $0xffff, v1;
	v1 =	vmul.f32 $8.000000000e+00, v35;
	v59 =	vld [tilespmem:s26+$0x30]  }
0xa3: {  	v60 =	vadd.s32 v19, v46;
	v4 =	vmul.f32 $8.000000000e+00, v42;
	v61 =	vld [tilespmem:s26+$0x70];
	[tilespmem:v51+s15+$0x0] =	vst.idx.msk $0xffff, v3  }
0xa4: {  	v62 =	vadd.s32 v22, v47;
	v3 =	vmul.f32 $8.000000000e+00, v52;
	[tilespmem:v0+s15+$0x0] =	vst.idx.msk $0xffff, v1;
	v63 =	vld [tilespmem:s26+$0xB0]  }
0xa5: {  	[tilespmem:v55+s15+$0x0] =	vst.idx.msk $0xffff, v4;
	v1 =	vadd.s32 v26, v44;
	v0 =	vmul.f32 $8.000000000e+00, v40  }
0xa6: {  	v4 =	vadd.s32 v27, v43;
	[tilespmem:v56+s15+$0x0] =	vst.idx.msk $0xffff, v3;
	v3 =	vmul.f32 $8.000000000e+00, v57  }
0xa7: {  	[tilespmem:v58+s15+$0x0] =	vst.idx.msk $0xffff, v0;
	v0 =	vmul.f32 $8.000000000e+00, v59  }
0xa8: {  	s30 =	sshll.u32 s21, $0x13;
	[tilespmem:v60+s15+$0x0] =	vst.idx.msk $0xffff, v3;
	v3 =	vmul.f32 $8.000000000e+00, v61  }
0xa9: {  	s23 =	sor.u32 s6, s30;
	[tilespmem:v62+s15+$0x0] =	vst.idx.msk $0xffff, v0;
	v0 =	vmul.f32 $8.000000000e+00, v63  }
0xaa: {  	s23 =	sshrl.u32 s23, $0x3;
	[tilespmem:v1+s15+$0x0] =	vst.idx.msk $0xffff, v3  }
0xab: {  	s24 =	simm.s32 $0xA480;
	s25 =	sadd.s32 s2, s23;
	[tilespmem:v4+s15+$0x0] =	vst.idx.msk $0xffff, v0  }
0xac: {  	[hbm4b:s25+s3] =	stream.linear.scatter [tilespmem:s24], [sflag:$0x3], $0x40, $0x38;
	[tilespmem:$0xE880] =	vst v63  }
0xad: {  	s31 =	simm.s32 $0xA508;
	s26 =	sadd.s32 $0x10, s25  }
0xae: {  	[hbm4b:s26+s3] =	stream.linear.scatter [tilespmem:s31], [sflag:$0x3], $0x40, $0x38;
	[tilespmem:$0xE880] =	vst v63  }
0xaf: {  	s28 =	simm.s32 $0xA838;
	s30 =	simm.s32 $0xA590;
	s31 =	sadd.s32 $0x20, s25  }
0xb0: {  	[hbm4b:s31+s3] =	stream.linear.scatter [tilespmem:s30], [sflag:$0x3], $0x40, $0x38;
	[tilespmem:$0xE880] =	vst v63  }
0xb1: {  	s29 =	sadd.s32 $0x70, s25;
	s30 =	simm.s32 $0xA618;
	s31 =	sadd.s32 $0x30, s25  }
0xb2: {  	[hbm4b:s31+s3] =	stream.linear.scatter [tilespmem:s30], [sflag:$0x3], $0x40, $0x38;
	[tilespmem:$0xE880] =	vst v63  }
0xb3: {  	s24 =	simm.s32 $0x440;
	s30 =	simm.s32 $0xA6A0;
	s31 =	sadd.s32 $0x40, s25  }
0xb4: {  	[hbm4b:s31+s3] =	stream.linear.scatter [tilespmem:s30], [sflag:$0x3], $0x40, $0x38;
	[tilespmem:$0xE880] =	vst v63  }
0xb5: {  	s26 =	simm.s32 $0x2200;
	s30 =	simm.s32 $0xA728;
	s31 =	sadd.s32 $0x50, s25  }
0xb6: {  	v10 =	vmov v16;
	v54 =	vmov v6;
	v6 =	vmov v15;
	[hbm4b:s31+s3] =	stream.linear.scatter [tilespmem:s30], [sflag:$0x3], $0x40, $0x38;
	[tilespmem:$0xE880] =	vst v63  }
0xb7: {  	v15 =	vmovc v18;
	v16 =	vmovc v53;
	v18 =	vmov v20;
	v12 =	vmov v32;
	v25 =	vmov v28;
	s30 =	simm.s32 $0xA7B0;
	s31 =	sadd.s32 $0x60, s25;
	s25 =	sadd.s32 $0x1000, s25  }
0xb8: {  	v32 =	vmovc v17;
	v19 =	vmovc v11;
	v22 =	vmov v7;
	v26 =	vmov v24;
	v27 =	vmov v54;
	[hbm4b:s31+s3] =	stream.linear.scatter [tilespmem:s30], [sflag:$0x3], $0x40, $0x38;
	[tilespmem:$0xE880] =	vst v63  }
.LBB2_5:
0xb9: {  	[hbm4b:s29+s3] =	stream.linear.scatter [tilespmem:s28], [sflag:$0x3], $0x40, $0x38;
	[tilespmem:$0xE880] =	vst v63  }
0xba: {  	s28 =	smov.u32 s24;
	s24 =	smov.u32 s26  }
0xbb: {  	s30 =	sadd.s32 $0x1100, s26;
	s24 =	sshra.s32 s24, $0x2;
	s29 =	sadd.s32 $0xA480, s28  }
0xbc: {  	[hbm4b:s25+s3] =	stream.linear.scatter [tilespmem:s29], [sflag:$0x3], $0x40, $0x38;
	[tilespmem:$0xE880] =	vst v63  }
0xbd: {  	p1 =	sne.s32 s26, $0x7700;
	s26 =	sadd.s32 $0xA508, s28;
	s29 =	sadd.s32 $0x10, s25  }
0xbe: {  	[hbm4b:s29+s3] =	stream.linear.scatter [tilespmem:s26], [sflag:$0x3], $0x40, $0x38;
	[tilespmem:$0xE880] =	vst v63  }
0xbf: {  	s26 =	sadd.s32 $0xA590, s28;
	s29 =	sadd.s32 $0x20, s25  }
0xc0: {  	[hbm4b:s29+s3] =	stream.linear.scatter [tilespmem:s26], [sflag:$0x3], $0x40, $0x38;
	[tilespmem:$0xE880] =	vst v63  }
0xc1: {  	s26 =	sadd.s32 $0xA618, s28;
	s29 =	sadd.s32 $0x30, s25  }
0xc2: {  	[hbm4b:s29+s3] =	stream.linear.scatter [tilespmem:s26], [sflag:$0x3], $0x40, $0x38;
	[tilespmem:$0xE880] =	vst v63  }
0xc3: {  	s26 =	sadd.s32 $0xA6A0, s28;
	s29 =	sadd.s32 $0x40, s25  }
0xc4: {  	[hbm4b:s29+s3] =	stream.linear.scatter [tilespmem:s26], [sflag:$0x3], $0x40, $0x38;
	[tilespmem:$0xE880] =	vst v63  }
.Ltmp1:
0xc5: {  	s26 =	sadd.s32 $0xA728, s28;
	s29 =	sadd.s32 $0x50, s25;
	(pc) =	sbr.rel @p1 .LBB2_5-.Ltmp1, $4  }
0xc6: {  	[hbm4b:s29+s3] =	stream.linear.scatter [tilespmem:s26], [sflag:$0x3], $0x40, $0x38;
	[tilespmem:$0xE880] =	vst v63  }
0xc7: {  	s26 =	sadd.s32 $0xA7B0, s28;
	s29 =	sadd.s32 $0x60, s25;
	s28 =	sadd.s32 $0xA838, s28  }
0xc8: {  	[hbm4b:s29+s3] =	stream.linear.scatter [tilespmem:s26], [sflag:$0x3], $0x40, $0x38;
	[tilespmem:$0xE880] =	vst v63  }
0xc9: {  	s29 =	sadd.s32 $0x70, s25;
	s25 =	sadd.s32 $0x1000, s25;
	s26 =	smov.u32 s30  }
0xca: {  	[hbm4b:s29+s3] =	stream.linear.scatter [tilespmem:s28], [sflag:$0x3], $0x40, $0x38;
	[tilespmem:$0xE880] =	vst v63  }
0xcb: {  	s26 =	sadd.s32 $0xA480, s24  }
0xcc: {  	[hbm4b:s25+s3] =	stream.linear.scatter [tilespmem:s26], [sflag:$0x3], $0x40, $0x38;
	[tilespmem:$0xE880] =	vst v63  }
0xcd: {  	s31 =	sadd.s32 $0xA508, s24;
	s29 =	sadd.s32 $0x10, s25  }
0xce: {  	[hbm4b:s29+s3] =	stream.linear.scatter [tilespmem:s31], [sflag:$0x3], $0x40, $0x38;
	[tilespmem:$0xE880] =	vst v63  }
0xcf: {  	s30 =	sadd.s32 $0xA590, s24;
	s31 =	sadd.s32 $0x20, s25  }
0xd0: {  	[hbm4b:s31+s3] =	stream.linear.scatter [tilespmem:s30], [sflag:$0x3], $0x40, $0x38;
	[tilespmem:$0xE880] =	vst v63  }
0xd1: {  	s29 =	sadd.s32 $0xA618, s24;
	s30 =	sadd.s32 $0x30, s25  }
0xd2: {  	[hbm4b:s30+s3] =	stream.linear.scatter [tilespmem:s29], [sflag:$0x3], $0x40, $0x38;
	[tilespmem:$0xE880] =	vst v63  }
0xd3: {  	s31 =	sadd.s32 $0xA6A0, s24;
	s29 =	sadd.s32 $0x40, s25  }
0xd4: {  	[hbm4b:s29+s3] =	stream.linear.scatter [tilespmem:s31], [sflag:$0x3], $0x40, $0x38;
	[tilespmem:$0xE880] =	vst v63  }
0xd5: {  	s26 =	simm.s32 $0x42;
	s30 =	sadd.s32 $0xA728, s24;
	s31 =	sadd.s32 $0x50, s25  }
0xd6: {  	v3 =	vmov s26;
	[hbm4b:s31+s3] =	stream.linear.scatter [tilespmem:s30], [sflag:$0x3], $0x40, $0x38;
	[tilespmem:$0xE880] =	vst v63  }
0xd7: {  	v3 =	vshrl.u32 v3, $0x3;
	s29 =	sadd.s32 $0xA7B0, s24;
	s30 =	sadd.s32 $0x60, s25;
	s31 =	simm.s32 $0x40  }
0xd8: {  	v3 =	vshll.u32 v3, v2;
	[hbm4b:s30+s3] =	stream.linear.scatter [tilespmem:s29], [sflag:$0x3], $0x40, $0x38;
	[tilespmem:$0xE880] =	vst v63  }
0xd9: {  	v38 =	vbroadcast v3, $0x0;
	v0 =	vmov s31;
	s31 =	simm.s32 $0x44;
	s29 =	simm.s32 $0x41  }
0xda: {  	s30 =	simm.s32 $0x43;
	v34 =	vmov s31;
	v0 =	vshrl.u32 v0, $0x3;
	s31 =	simm.s32 $0x47;
	v1 =	vmov s29  }
0xdb: {  	s28 =	sadd.s32 $0xA838, s24;
	v4 =	vmov s30;
	s29 =	simm.s32 $0x45;
	v0 =	vshll.u32 v0, v2;
	v37 =	vmov s31  }
0xdc: {  	s24 =	simm.s32 $0x7670;
	s30 =	simm.s32 $0x46;
	v34 =	vshrl.u32 v34, $0x3;
	v35 =	vmov s29;
	s29 =	sadd.s32 $0x70, s25;
	v37 =	vshrl.u32 v37, $0x3  }
0xdd: {  	v36 =	vmov s30;
	v1 =	vshrl.u32 v1, $0x3;
	[hbm4b:s29+s3] =	stream.linear.scatter [tilespmem:s28], [sflag:$0x3], $0x40, $0x38;
	v37 =	vshll.u32 v37, v2;
	[tilespmem:$0xE880] =	vst v63  }
0xde: {  	v4 =	vshrl.u32 v4, $0x3;
	v40 =	vbroadcast v0, $0x0;
	v0 =	vld [tilespmem:s24+$0xFFFFFFD0];
	v42 =	vbroadcast v37, $0x0  }
0xdf: {  	v34 =	vshll.u32 v34, v2;
	v35 =	vshrl.u32 v35, $0x3;
	v1 =	vshll.u32 v1, v2;
	v39 =	vld [tilespmem:s24+$0xFFFFFE10]  }
0xe0: {  	v36 =	vshrl.u32 v36, $0x3;
	v43 =	vld [tilespmem:s24+$0xFFFFFE50];
	v7 =	vbroadcast v1, $0x0;
	v1 =	vadd.s32 v31, v42  }
0xe1: {  	v4 =	vshll.u32 v4, v2;
	v35 =	vshll.u32 v35, v2;
	v44 =	vadd.s32 v5, v40;
	v45 =	vld [tilespmem:s24+$0xFFFFFE90]  }
0xe2: {  	v3 =	vshll.u32 v36, v2;
	v47 =	vld [tilespmem:s24+$0xFFFFFED0];
	v37 =	vbroadcast v4, $0x0;
	v46 =	vadd.s32 v9, v7  }
0xe3: {  	v4 =	vadd.s32 v13, v38;
	v48 =	vld [tilespmem:s24+$0xFFFFFF10];
	v36 =	vbroadcast v34, $0x0;
	v0 =	vmul.f32 $8.000000000e+00, v0  }
0xe4: {  	v50 =	vld [tilespmem:s24+$0xFFFFFF50];
	v34 =	vbroadcast v35, $0x0;
	v49 =	vadd.s32 v12, v37;
	v39 =	vmul.f32 $8.000000000e+00, v39  }
0xe5: {  	v52 =	vld [tilespmem:s24+$0xFFFFFF90];
	v35 =	vbroadcast v3, $0x0;
	v51 =	vadd.s32 v16, v36;
	v43 =	vmul.f32 $8.000000000e+00, v43;
	[tilespmem:v1+s15+$0x0] =	vst.idx.msk $0xffff, v0  }
0xe6: {  	v3 =	vadd.s32 v23, v34;
	[tilespmem:v44+s15+$0x0] =	vst.idx.msk $0xffff, v39;
	v1 =	vmul.f32 $8.000000000e+00, v45;
	v60 =	vld [tilespmem:s24+$0xFFFFFFE0]  }
0xe7: {  	v61 =	vmul.f32 $8.000000000e+00, v47;
	[tilespmem:v46+s15+$0x0] =	vst.idx.msk $0xffff, v43;
	v45 =	vadd.s32 v27, v35;
	v44 =	vld [tilespmem:s24+$0xFFFFFE20]  }
0xe8: {  	v47 =	vld [tilespmem:s24+$0xFFFFFE60];
	[tilespmem:v4+s15+$0x0] =	vst.idx.msk $0xffff, v1;
	v1 =	vmul.f32 $8.000000000e+00, v48;
	v4 =	vadd.s32 v32, v42  }
0xe9: {  	v53 =	vadd.s32 v6, v40;
	v62 =	vmul.f32 $8.000000000e+00, v50;
	[tilespmem:v49+s15+$0x0] =	vst.idx.msk $0xffff, v61;
	v54 =	vld [tilespmem:s24+$0xFFFFFEA0]  }
0xea: {  	v63 =	vadd.s32 v10, v7;
	v55 =	vld [tilespmem:s24+$0xFFFFFEE0];
	[tilespmem:v51+s15+$0x0] =	vst.idx.msk $0xffff, v1;
	v1 =	vmul.f32 $8.000000000e+00, v52  }
0xeb: {  	[tilespmem:v3+s15+$0x0] =	vst.idx.msk $0xffff, v62;
	v52 =	vadd.s32 v14, v38;
	v56 =	vld [tilespmem:s24+$0xFFFFFF20];
	v3 =	vmul.f32 $8.000000000e+00, v60  }
0xec: {  	v61 =	vadd.s32 v8, v37;
	v57 =	vld [tilespmem:s24+$0xFFFFFF60];
	v60 =	vmul.f32 $8.000000000e+00, v44;
	[tilespmem:v45+s15+$0x0] =	vst.idx.msk $0xffff, v1  }
0xed: {  	v62 =	vmul.f32 $8.000000000e+00, v47;
	v47 =	vadd.s32 v21, v36;
	v58 =	vld [tilespmem:s24+$0xFFFFFFA0];
	[tilespmem:v4+s15+$0x0] =	vst.idx.msk $0xffff, v3  }
0xee: {  	s26 =	simm.s32 $0x4A;
	[tilespmem:v53+s15+$0x0] =	vst.idx.msk $0xffff, v60;
	v3 =	vmul.f32 $8.000000000e+00, v54;
	v4 =	vadd.s32 v26, v34;
	v43 =	vld [tilespmem:s24+$0xFFFFFFF0]  }
0xef: {  	v50 =	vadd.s32 v25, v35;
	v48 =	vmov s26;
	[tilespmem:v63+s15+$0x0] =	vst.idx.msk $0xffff, v62;
	v63 =	vmul.f32 $8.000000000e+00, v55;
	v53 =	vld [tilespmem:s24+$0xFFFFFE30]  }
0xf0: {  	v54 =	vshrl.u32 v48, $0x3;
	v48 =	vld [tilespmem:s24+$0xFFFFFE70];
	[tilespmem:v52+s15+$0x0] =	vst.idx.msk $0xffff, v3;
	v3 =	vmul.f32 $8.000000000e+00, v56;
	v52 =	vadd.s32 v33, v42  }
0xf1: {  	s31 =	simm.s32 $0x49;
	v41 =	vmul.f32 $8.000000000e+00, v57;
	v55 =	vadd.s32 v22, v40;
	[tilespmem:v61+s15+$0x0] =	vst.idx.msk $0xffff, v63;
	v56 =	vld [tilespmem:s24+$0xFFFFFEB0]  }
0xf2: {  	s30 =	simm.s32 $0x48;
	v46 =	vmov s31;
	s31 =	simm.s32 $0x4E;
	v61 =	vld [tilespmem:s24+$0xFFFFFEF0];
	[tilespmem:v47+s15+$0x0] =	vst.idx.msk $0xffff, v3;
	v3 =	vmul.f32 $8.000000000e+00, v58  }
0xf3: {  	v0 =	vmov s30;
	v1 =	vmov s31;
	v62 =	vld [tilespmem:s24+$0xFFFFFF30];
	[tilespmem:v4+s15+$0x0] =	vst.idx.msk $0xffff, v41;
	v4 =	vmul.f32 $8.000000000e+00, v43  }
0xf4: {  	v60 =	vadd.s32 v19, v7;
	v43 =	vshrl.u32 v1, $0x3;
	v1 =	vmul.f32 $8.000000000e+00, v53;
	v63 =	vld [tilespmem:s24+$0xFFFFFF70];
	[tilespmem:v50+s15+$0x0] =	vst.idx.msk $0xffff, v3  }
0xf5: {  	s30 =	simm.s32 $0x4D;
	v0 =	vshrl.u32 v0, $0x3;
	v47 =	vadd.s32 v15, v38;
	v17 =	vld [tilespmem:$0x1FF70];
	[tilespmem:v52+s15+$0x0] =	vst.idx.msk $0xffff, v4  }
0xf6: {  	v39 =	vmov s30;
	v0 =	vshll.u32 v0, v2;
	v44 =	vadd.s32 v18, v37;
	v41 =	vld [tilespmem:s24+$0xFFFFFFB0];
	[tilespmem:v55+s15+$0x0] =	vst.idx.msk $0xffff, v1  }
0xf7: {  	s29 =	simm.s32 $0x4C;
	v58 =	vshrl.u32 v39, $0x3;
	v39 =	vbroadcast v0, $0x0;
	v0 =	vmul.f32 $8.000000000e+00, v48;
	v28 =	vld [tilespmem:$0x1FF90]  }
0xf8: {  	v51 =	vmov s29;
	v1 =	vmul.f32 $8.000000000e+00, v56;
	v57 =	vld [tilespmem:s24+$0x0]  }
0xf9: {  	v59 =	vshrl.u32 v51, $0x3;
	v51 =	vld [tilespmem:s24+$0xFFFFFE40];
	[tilespmem:v60+s15+$0x0] =	vst.idx.msk $0xffff, v0  }
0xfa: {  	v0 =	vmul.f32 $8.000000000e+00, v61;
	v29 =	vld [tilespmem:$0x1FFB0];
	[tilespmem:v47+s15+$0x0] =	vst.idx.msk $0xffff, v1  }
0xfb: {  	v30 =	vld [tilespmem:$0x1FFD0];
	v3 =	vadd.s32 v17, v36  }
0xfc: {  	v4 =	vld [tilespmem:$0x1FF10];
	[tilespmem:v44+s15+$0x0] =	vst.idx.msk $0xffff, v0  }
0xfd: {  	v0 =	vld [tilespmem:$0x1FF20]  }
0xfe: {  	v53 =	vld [tilespmem:s24+$0xFFFFFE80];
	v1 =	vmul.f32 $8.000000000e+00, v62  }
0xff: {  	s28 =	simm.s32 $0x4B;
	v50 =	vld [tilespmem:s24+$0xFFFFFEC0]  }
0x100: {  	v49 =	vmov s28;
	v55 =	vld [tilespmem:s24+$0xFFFFFF00];
	[tilespmem:v3+s15+$0x0] =	vst.idx.msk $0xffff, v1  }
0x101: {  	v46 =	vshrl.u32 v46, $0x3;
	v49 =	vshrl.u32 v49, $0x3;
	v13 =	vld [tilespmem:$0x1FF50]  }
0x102: {  	v45 =	vshll.u32 v54, v2;
	v54 =	vadd.s32 v30, v42;
	v42 =	vadd.s32 v0, v7;
	v7 =	vld [tilespmem:$0x1FF60]  }
0x103: {  	v11 =	vmovc v33;
	v48 =	vshll.u32 v46, v2;
	v46 =	vshll.u32 v49, v2;
	v47 =	vshll.u32 v59, v2;
	v33 =	vld [tilespmem:$0x1FF80]  }
0x104: {  	v44 =	vshll.u32 v58, v2;
	v41 =	vmul.f32 $8.000000000e+00, v41;
	v56 =	vadd.s32 v28, v34;
	v24 =	vld [tilespmem:$0x1FFA0]  }
0x105: {  	s25 =	simm.s32 $0x50;
	s26 =	simm.s32 $0x4F;
	v52 =	vadd.s32 v29, v35;
	v49 =	vadd.s32 v4, v40;
	v40 =	vmul.f32 $8.000000000e+00, v63;
	v20 =	vld [tilespmem:$0x1FFC0]  }
.LBB2_7:
0x106: {  	_ =	sdelay $0x2  }
0x107: {  	v0 =	vmov s26;
	v3 =	vld [tilespmem:s24+$0xFFFFFF40];
	[tilespmem:v56+s15+$0x0] =	vst.idx.msk $0xffff, v40  }
0x108: {  	v1 =	vadd.s32 v13, v38;
	v37 =	vadd.s32 v7, v37;
	[tilespmem:v52+s15+$0x0] =	vst.idx.msk $0xffff, v41;
	v58 =	vld [tilespmem:s24+$0xFFFFFF80];
	v4 =	vmul.f32 $8.000000000e+00, v57  }
0x109: {  	v36 =	vadd.s32 v33, v36;
	v0 =	vshrl.u32 v0, $0x3;
	v52 =	vld [tilespmem:s24+$0xFFFFFFC0];
	v57 =	vmul.f32 $8.000000000e+00, v51  }
0x10a: {  	v0 =	vshll.u32 v0, v2;
	s24 =	sadd.s32 $0x200, s24;
	v59 =	vmul.f32 $8.000000000e+00, v53;
	v60 =	vmul.f32 $8.000000000e+00, v55;
	v55 =	vld [tilespmem:$0x1FFF0];
	[tilespmem:v54+s15+$0x0] =	vst.idx.msk $0xffff, v4  }
0x10b: {  	v34 =	vadd.s32 v24, v34;
	v41 =	vbroadcast v0, $0x0;
	v0 =	vmul.f32 $8.000000000e+00, v50;
	[tilespmem:v49+s15+$0x0] =	vst.idx.msk $0xffff, v57;
	v4 =	vld [tilespmem:s24+$0xFFFFFFD0]  }
0x10c: {  	v35 =	vadd.s32 v20, v35;
	[tilespmem:v42+s15+$0x0] =	vst.idx.msk $0xffff, v59;
	v49 =	vld [tilespmem:s24+$0xFFFFFE10]  }
0x10d: {  	v40 =	vmovc v39;
	v61 =	vadd.s32 v31, v41;
	v42 =	vbroadcast v48, $0x0;
	[tilespmem:v1+s15+$0x0] =	vst.idx.msk $0xffff, v0;
	v0 =	vmul.f32 $8.000000000e+00, v3;
	v51 =	vld [tilespmem:s24+$0xFFFFFE50]  }
0x10e: {  	v1 =	vadd.s32 v5, v40;
	[tilespmem:v37+s15+$0x0] =	vst.idx.msk $0xffff, v60;
	v3 =	vld [tilespmem:s24+$0xFFFFFE90];
	v39 =	vmul.f32 $8.000000000e+00, v58  }
0x10f: {  	v38 =	vbroadcast v45, $0x0;
	v50 =	vld [tilespmem:s24+$0xFFFFFED0];
	v45 =	vadd.s32 v9, v42;
	[tilespmem:v36+s15+$0x0] =	vst.idx.msk $0xffff, v0;
	v0 =	vmul.f32 $8.000000000e+00, v52  }
0x110: {  	v43 =	vshll.u32 v43, v2;
	v37 =	vbroadcast v46, $0x0;
	v56 =	vld [tilespmem:s24+$0xFFFFFF10];
	[tilespmem:v34+s15+$0x0] =	vst.idx.msk $0xffff, v39;
	v4 =	vmul.f32 $8.000000000e+00, v4  }
0x111: {  	v36 =	vbroadcast v47, $0x0;
	v46 =	vadd.s32 v55, v38;
	v57 =	vld [tilespmem:s24+$0xFFFFFF50];
	[tilespmem:v35+s15+$0x0] =	vst.idx.msk $0xffff, v0;
	v62 =	vmul.f32 $8.000000000e+00, v49  }
0x112: {  	v63 =	vadd.s32 v12, v37;
	v34 =	vbroadcast v44, $0x0;
	v59 =	vld [tilespmem:s24+$0xFFFFFF90];
	v0 =	vmul.f32 $8.000000000e+00, v51;
	[tilespmem:v61+s15+$0x0] =	vst.idx.msk $0xffff, v4  }
0x113: {  	v58 =	vadd.s32 v16, v36;
	v35 =	vbroadcast v43, $0x0;
	[tilespmem:v1+s15+$0x0] =	vst.idx.msk $0xffff, v62;
	v60 =	vld [tilespmem:s24+$0xFFFFFFE0]  }
0x114: {  	v1 =	vmul.f32 $8.000000000e+00, v3;
	v3 =	vadd.s32 v23, v34;
	[tilespmem:v45+s15+$0x0] =	vst.idx.msk $0xffff, v0;
	v61 =	vld [tilespmem:s24+$0xFFFFFE20]  }
0x115: {  	v0 =	vmul.f32 $8.000000000e+00, v50;
	v45 =	vadd.s32 v27, v35;
	v62 =	vld [tilespmem:s24+$0xFFFFFE60]  }
0x116: {  	[tilespmem:v46+s15+$0x0] =	vst.idx.msk $0xffff, v1;
	v1 =	vmul.f32 $8.000000000e+00, v56;
	v46 =	vadd.s32 v32, v41  }
0x117: {  	v49 =	vadd.s32 v10, v42;
	[tilespmem:v63+s15+$0x0] =	vst.idx.msk $0xffff, v0;
	v0 =	vmul.f32 $8.000000000e+00, v57;
	v54 =	vld [tilespmem:s24+$0xFFFFFEA0]  }
0x118: {  	v53 =	vadd.s32 v6, v40;
	v55 =	vld [tilespmem:s24+$0xFFFFFEE0];
	[tilespmem:v58+s15+$0x0] =	vst.idx.msk $0xffff, v1;
	v1 =	vmul.f32 $8.000000000e+00, v59  }
0x119: {  	v51 =	vadd.s32 v14, v38;
	v4 =	vmov s25;
	v56 =	vld [tilespmem:s24+$0xFFFFFF20];
	[tilespmem:v3+s15+$0x0] =	vst.idx.msk $0xffff, v0;
	v0 =	vmul.f32 $8.000000000e+00, v60  }
0x11a: {  	v63 =	vmul.f32 $8.000000000e+00, v61;
	v60 =	vadd.s32 v8, v37;
	v61 =	vld [tilespmem:s24+$0xFFFFFF60];
	[tilespmem:v45+s15+$0x0] =	vst.idx.msk $0xffff, v1;
	v62 =	vmul.f32 $8.000000000e+00, v62  }
0x11b: {  	v50 =	vadd.s32 v21, v36;
	v4 =	vshrl.u32 v4, $0x3;
	v58 =	vld [tilespmem:s24+$0xFFFFFFA0];
	[tilespmem:v46+s15+$0x0] =	vst.idx.msk $0xffff, v0  }
0x11c: {  	s30 =	sadd.s32 $0x1, s25;
	v39 =	vadd.s32 v26, v34;
	v0 =	vshll.u32 v4, v2;
	v4 =	vmul.f32 $8.000000000e+00, v54;
	[tilespmem:v49+s15+$0x0] =	vst.idx.msk $0xffff, v62;
	v46 =	vld [tilespmem:s24+$0xFFFFFFF0]  }
0x11d: {  	s31 =	sadd.s32 $0x2, s25;
	v48 =	vmov s30;
	[tilespmem:v53+s15+$0x0] =	vst.idx.msk $0xffff, v63;
	v63 =	vmul.f32 $8.000000000e+00, v55;
	v49 =	vadd.s32 v25, v35;
	v54 =	vld [tilespmem:s24+$0xFFFFFE70]  }
0x11e: {  	s28 =	sadd.s32 $0x3, s25;
	v48 =	vshrl.u32 v48, $0x3;
	v52 =	vmov s31;
	v53 =	vld [tilespmem:s24+$0xFFFFFE30];
	[tilespmem:v51+s15+$0x0] =	vst.idx.msk $0xffff, v4;
	v4 =	vmul.f32 $8.000000000e+00, v56  }
0x11f: {  	v47 =	vmov s28;
	v59 =	vadd.s32 v19, v42;
	v56 =	vld [tilespmem:s24+$0xFFFFFEB0];
	[tilespmem:v60+s15+$0x0] =	vst.idx.msk $0xffff, v63;
	v43 =	vmul.f32 $8.000000000e+00, v61  }
0x120: {  	s29 =	sadd.s32 $0x4, s25;
	v48 =	vshll.u32 v48, v2;
	v51 =	vadd.s32 v11, v41;
	v60 =	vld [tilespmem:s24+$0xFFFFFEF0];
	[tilespmem:v50+s15+$0x0] =	vst.idx.msk $0xffff, v4;
	v4 =	vmul.f32 $8.000000000e+00, v58  }
0x121: {  	v44 =	vmov s29;
	v52 =	vshrl.u32 v52, $0x3;
	v55 =	vadd.s32 v22, v40;
	v58 =	vld [tilespmem:s24+$0xFFFFFF30];
	[tilespmem:v39+s15+$0x0] =	vst.idx.msk $0xffff, v43  }
0x122: {  	s31 =	sadd.s32 $0x6, s25;
	v47 =	vshrl.u32 v47, $0x3;
	v39 =	vbroadcast v0, $0x0;
	v62 =	vld [tilespmem:s24+$0xFFFFFF70];
	[tilespmem:v49+s15+$0x0] =	vst.idx.msk $0xffff, v4;
	v0 =	vmul.f32 $8.000000000e+00, v54  }
0x123: {  	v1 =	vmov s31;
	v50 =	vadd.s32 v15, v38;
	v57 =	vmul.f32 $8.000000000e+00, v46;
	v63 =	vld [tilespmem:s24+$0xFFFFFFB0]  }
0x124: {  	s30 =	sadd.s32 $0x5, s25;
	v61 =	vadd.s32 v18, v37;
	v43 =	vshrl.u32 v1, $0x3;
	v1 =	vmul.f32 $8.000000000e+00, v53;
	[tilespmem:v59+s15+$0x0] =	vst.idx.msk $0xffff, v0;
	v59 =	vld [tilespmem:$0x1FF10]  }
0x125: {  	p1 =	slt.u32 s25, $0x78;
	v3 =	vmov s30;
	v4 =	vadd.s32 v17, v36;
	[tilespmem:v51+s15+$0x0] =	vst.idx.msk $0xffff, v57;
	v0 =	vmul.f32 $8.000000000e+00, v60;
	v60 =	vld [tilespmem:$0x1FF20]  }
.Ltmp2:
0x126: {  	v44 =	vshrl.u32 v44, $0x3;
	v3 =	vshrl.u32 v3, $0x3;
	[tilespmem:v55+s15+$0x0] =	vst.idx.msk $0xffff, v1;
	v1 =	vmul.f32 $8.000000000e+00, v56;
	v57 =	vld [tilespmem:s24+$0x0];
	(pc) =	sbr.rel @p1 .LBB2_7-.Ltmp2, $4  }
0x127: {  	v45 =	vshll.u32 v52, v2;
	v52 =	vadd.s32 v29, v35;
	v46 =	vshll.u32 v47, v2;
	v51 =	vld [tilespmem:s24+$0xFFFFFE40]  }
0x128: {  	v54 =	vadd.s32 v30, v41;
	v47 =	vshll.u32 v44, v2;
	v53 =	vld [tilespmem:s24+$0xFFFFFE80];
	[tilespmem:v50+s15+$0x0] =	vst.idx.msk $0xffff, v1;
	v1 =	vmul.f32 $8.000000000e+00, v58  }
0x129: {  	v44 =	vshll.u32 v3, v2;
	v56 =	vadd.s32 v28, v34;
	v50 =	vld [tilespmem:s24+$0xFFFFFEC0];
	[tilespmem:v61+s15+$0x0] =	vst.idx.msk $0xffff, v0;
	v41 =	vmul.f32 $8.000000000e+00, v63  }
0x12a: {  	s26 =	sadd.s32 $0x7, s25;
	s25 =	sadd.s32 $0x8, s25;
	v55 =	vld [tilespmem:s24+$0xFFFFFF00];
	[tilespmem:v4+s15+$0x0] =	vst.idx.msk $0xffff, v1;
	v49 =	vadd.s32 v59, v40;
	v40 =	vmul.f32 $8.000000000e+00, v62;
	v42 =	vadd.s32 v60, v42  }
0x12b: {  	_ =	sdelay $0x3  }
0x12c: {  	v1 =	vadd.s32 v13, v38;
	v3 =	vld [tilespmem:s24+$0xFFFFFF40];
	v4 =	vmul.f32 $8.000000000e+00, v57;
	[tilespmem:v52+s15+$0x0] =	vst.idx.msk $0xffff, v41  }
0x12d: {  	v37 =	vadd.s32 v7, v37;
	[tilespmem:v56+s15+$0x0] =	vst.idx.msk $0xffff, v40;
	v57 =	vmul.f32 $8.000000000e+00, v51  }
0x12e: {  	v36 =	vadd.s32 v33, v36;
	v58 =	vmul.f32 $8.000000000e+00, v53;
	[tilespmem:v54+s15+$0x0] =	vst.idx.msk $0xffff, v4  }
0x12f: {  	[tilespmem:v49+s15+$0x0] =	vst.idx.msk $0xffff, v57;
	v62 =	vmul.f32 $8.000000000e+00, v50  }
0x130: {  	[tilespmem:v42+s15+$0x0] =	vst.idx.msk $0xffff, v58;
	v55 =	vmul.f32 $8.000000000e+00, v55  }
0x131: {  	v61 =	vld [tilespmem:s24+$0xFFFFFFC0];
	[tilespmem:v1+s15+$0x0] =	vst.idx.msk $0xffff, v62;
	v1 =	vmul.f32 $8.000000000e+00, v3  }
0x132: {  	v0 =	vmov s26;
	s25 =	sadd.s32 $0x200, s24;
	v40 =	vld [tilespmem:s24+$0xFFFFFF80];
	[tilespmem:v37+s15+$0x0] =	vst.idx.msk $0xffff, v55  }
0x133: {  	v0 =	vshrl.u32 v0, $0x3;
	v63 =	vld [tilespmem:s25+$0xFFFFFE10];
	[tilespmem:v36+s15+$0x0] =	vst.idx.msk $0xffff, v1  }
0x134: {  	v34 =	vadd.s32 v24, v34;
	v0 =	vshll.u32 v0, v2;
	v52 =	vld [tilespmem:$0x1FFF0]  }
0x135: {  	v35 =	vadd.s32 v20, v35;
	v4 =	vld [tilespmem:s25+$0xFFFFFFD0];
	v0 =	vbroadcast v0, $0x0  }
0x136: {  	v43 =	vshll.u32 v43, v2;
	v48 =	vbroadcast v48, $0x0;
	v42 =	vld [tilespmem:s25+$0xFFFFFE50];
	v3 =	vadd.s32 v5, v39  }
0x137: {  	v45 =	vbroadcast v45, $0x0;
	v56 =	vld [tilespmem:s25+$0xFFFFFE90];
	v50 =	vadd.s32 v31, v0;
	v57 =	vmul.f32 $8.000000000e+00, v40  }
0x138: {  	v46 =	vbroadcast v46, $0x0;
	v58 =	vld [tilespmem:s25+$0xFFFFFED0];
	v40 =	vadd.s32 v9, v48;
	v1 =	vmul.f32 $8.000000000e+00, v61  }
0x139: {  	v47 =	vbroadcast v47, $0x0;
	v51 =	vld [tilespmem:s25+$0xFFFFFF10];
	v61 =	vmul.f32 $8.000000000e+00, v63;
	[tilespmem:v34+s15+$0x0] =	vst.idx.msk $0xffff, v57;
	v36 =	vadd.s32 v52, v45  }
0x13a: {  	v44 =	vbroadcast v44, $0x0;
	v62 =	vadd.s32 v12, v46;
	v4 =	vmul.f32 $8.000000000e+00, v4;
	v63 =	vld [tilespmem:s25+$0xFFFFFF50];
	[tilespmem:v35+s15+$0x0] =	vst.idx.msk $0xffff, v1  }
0x13b: {  	v43 =	vbroadcast v43, $0x0;
	v54 =	vadd.s32 v16, v47;
	v55 =	vld [tilespmem:s25+$0xFFFFFF90];
	v1 =	vmul.f32 $8.000000000e+00, v42;
	[tilespmem:v3+s15+$0x0] =	vst.idx.msk $0xffff, v61  }
0x13c: {  	[tilespmem:v50+s15+$0x0] =	vst.idx.msk $0xffff, v4;
	v3 =	vmul.f32 $8.000000000e+00, v56;
	v4 =	vadd.s32 v23, v44;
	v57 =	vld [tilespmem:s25+$0xFFFFFE20]  }
0x13d: {  	v56 =	vld [tilespmem:s25+$0xFFFFFFE0];
	[tilespmem:v40+s15+$0x0] =	vst.idx.msk $0xffff, v1;
	v1 =	vmul.f32 $8.000000000e+00, v58;
	v58 =	vadd.s32 v27, v43  }
0x13e: {  	v50 =	vadd.s32 v6, v39;
	v61 =	vld [tilespmem:s25+$0xFFFFFE60];
	[tilespmem:v36+s15+$0x0] =	vst.idx.msk $0xffff, v3;
	v3 =	vmul.f32 $8.000000000e+00, v51  }
0x13f: {  	[tilespmem:v62+s15+$0x0] =	vst.idx.msk $0xffff, v1;
	v1 =	vmul.f32 $8.000000000e+00, v63;
	v36 =	vadd.s32 v32, v0;
	v51 =	vld [tilespmem:s25+$0xFFFFFEA0]  }
0x140: {  	v62 =	vadd.s32 v10, v48;
	v63 =	vld [tilespmem:s25+$0xFFFFFEE0];
	[tilespmem:v54+s15+$0x0] =	vst.idx.msk $0xffff, v3;
	v3 =	vmul.f32 $8.000000000e+00, v55  }
0x141: {  	[tilespmem:v4+s15+$0x0] =	vst.idx.msk $0xffff, v1;
	v4 =	vmul.f32 $8.000000000e+00, v57;
	v54 =	vadd.s32 v14, v45;
	v55 =	vld [tilespmem:s25+$0xFFFFFF20]  }
0x142: {  	v1 =	vmul.f32 $8.000000000e+00, v56;
	v56 =	vadd.s32 v8, v46;
	v57 =	vld [tilespmem:s25+$0xFFFFFF60];
	[tilespmem:v58+s15+$0x0] =	vst.idx.msk $0xffff, v3  }
0x143: {  	[tilespmem:v50+s15+$0x0] =	vst.idx.msk $0xffff, v4;
	v3 =	vmul.f32 $8.000000000e+00, v61;
	v58 =	vadd.s32 v21, v47;
	v61 =	vld [tilespmem:s25+$0xFFFFFFA0]  }
0x144: {  	v4 =	vadd.s32 v26, v44;
	v50 =	vld [tilespmem:s25+$0xFFFFFE30];
	[tilespmem:v36+s15+$0x0] =	vst.idx.msk $0xffff, v1;
	v1 =	vmul.f32 $8.000000000e+00, v51  }
0x145: {  	v36 =	vld [tilespmem:s25+$0xFFFFFFF0];
	[tilespmem:v62+s15+$0x0] =	vst.idx.msk $0xffff, v3;
	v3 =	vmul.f32 $8.000000000e+00, v63;
	v62 =	vadd.s32 v25, v43  }
0x146: {  	v42 =	vadd.s32 v22, v39;
	v63 =	vld [tilespmem:s25+$0xFFFFFE70];
	[tilespmem:v54+s15+$0x0] =	vst.idx.msk $0xffff, v1;
	v1 =	vmul.f32 $8.000000000e+00, v55  }
0x147: {  	v35 =	vadd.s32 v11, v0;
	[tilespmem:v56+s15+$0x0] =	vst.idx.msk $0xffff, v3;
	v3 =	vmul.f32 $8.000000000e+00, v57;
	v51 =	vld [tilespmem:s25+$0xFFFFFEB0]  }
0x148: {  	v54 =	vadd.s32 v19, v48;
	v55 =	vld [tilespmem:s25+$0xFFFFFEF0];
	[tilespmem:v58+s15+$0x0] =	vst.idx.msk $0xffff, v1;
	v1 =	vmul.f32 $8.000000000e+00, v61  }
0x149: {  	v56 =	vadd.s32 v15, v45;
	[tilespmem:v4+s15+$0x0] =	vst.idx.msk $0xffff, v3;
	v4 =	vmul.f32 $8.000000000e+00, v50;
	v57 =	vld [tilespmem:s25+$0xFFFFFF30]  }
0x14a: {  	v58 =	vadd.s32 v18, v46;
	v3 =	vmul.f32 $8.000000000e+00, v36;
	v61 =	vld [tilespmem:s25+$0xFFFFFF70];
	[tilespmem:v62+s15+$0x0] =	vst.idx.msk $0xffff, v1  }
0x14b: {  	v1 =	vmul.f32 $8.000000000e+00, v63;
	v62 =	vadd.s32 v17, v47;
	[tilespmem:v42+s15+$0x0] =	vst.idx.msk $0xffff, v4;
	v63 =	vld [tilespmem:s25+$0xFFFFFFB0]  }
0x14c: {  	v4 =	vadd.s32 v28, v44;
	[tilespmem:v35+s15+$0x0] =	vst.idx.msk $0xffff, v3;
	v42 =	vld [tilespmem:s25+$0xFFFFFE40];
	v3 =	vmul.f32 $8.000000000e+00, v51  }
0x14d: {  	v35 =	vld [tilespmem:s25+$0x0];
	[tilespmem:v54+s15+$0x0] =	vst.idx.msk $0xffff, v1;
	v1 =	vmul.f32 $8.000000000e+00, v55;
	v51 =	vadd.s32 v29, v43  }
0x14e: {  	v55 =	vadd.s32 v59, v39;
	v54 =	vld [tilespmem:s25+$0xFFFFFE80];
	[tilespmem:v56+s15+$0x0] =	vst.idx.msk $0xffff, v3;
	v3 =	vmul.f32 $8.000000000e+00, v57  }
0x14f: {  	v0 =	vadd.s32 v30, v0;
	[tilespmem:v58+s15+$0x0] =	vst.idx.msk $0xffff, v1;
	v1 =	vmul.f32 $8.000000000e+00, v61;
	v40 =	vld [tilespmem:s25+$0xFFFFFEC0]  }
0x150: {  	v56 =	vadd.s32 v60, v48;
	v57 =	vld [tilespmem:s25+$0xFFFFFF00];
	[tilespmem:v62+s15+$0x0] =	vst.idx.msk $0xffff, v3;
	v3 =	vmul.f32 $8.000000000e+00, v63  }
0x151: {  	v58 =	vadd.s32 v13, v45;
	[tilespmem:v4+s15+$0x0] =	vst.idx.msk $0xffff, v1;
	v4 =	vmul.f32 $8.000000000e+00, v42;
	v59 =	vld [tilespmem:s25+$0xFFFFFF40]  }
0x152: {  	v60 =	vadd.s32 v7, v46;
	v1 =	vmul.f32 $8.000000000e+00, v35;
	v61 =	vld [tilespmem:s25+$0xFFFFFF80];
	[tilespmem:v51+s15+$0x0] =	vst.idx.msk $0xffff, v3  }
0x153: {  	v62 =	vadd.s32 v33, v47;
	v3 =	vmul.f32 $8.000000000e+00, v54;
	[tilespmem:v55+s15+$0x0] =	vst.idx.msk $0xffff, v4;
	v63 =	vld [tilespmem:s25+$0xFFFFFFC0]  }
0x154: {  	[tilespmem:v0+s15+$0x0] =	vst.idx.msk $0xffff, v1;
	v1 =	vadd.s32 v24, v44;
	v0 =	vmul.f32 $8.000000000e+00, v40  }
0x155: {  	v4 =	vadd.s32 v20, v43;
	[tilespmem:v56+s15+$0x0] =	vst.idx.msk $0xffff, v3;
	v3 =	vmul.f32 $8.000000000e+00, v57  }
0x156: {  	[tilespmem:v58+s15+$0x0] =	vst.idx.msk $0xffff, v0;
	v0 =	vmul.f32 $8.000000000e+00, v59  }
0x157: {  	[tilespmem:v60+s15+$0x0] =	vst.idx.msk $0xffff, v3;
	v3 =	vmul.f32 $8.000000000e+00, v61  }
0x158: {  	[tilespmem:v62+s15+$0x0] =	vst.idx.msk $0xffff, v0;
	v0 =	vmul.f32 $8.000000000e+00, v63  }
0x159: {  	[tilespmem:v1+s15+$0x0] =	vst.idx.msk $0xffff, v3  }
0x15a: {  	s26 =	simm.s32 $0xA4C0;
	s24 =	sadd.s32 s23, s7;
	[tilespmem:v4+s15+$0x0] =	vst.idx.msk $0xffff, v0  }
0x15b: {  	[hbm4b:s24+s3] =	stream.linear.scatter [tilespmem:s26], [sflag:$0x3], $0x40, $0x38;
	[tilespmem:$0xE880] =	vst v63  }
0x15c: {  	s29 =	simm.s32 $0xA548;
	s25 =	sadd.s32 $0x10, s24  }
0x15d: {  	[hbm4b:s25+s3] =	stream.linear.scatter [tilespmem:s29], [sflag:$0x3], $0x40, $0x38;
	[tilespmem:$0xE880] =	vst v63  }
0x15e: {  	s30 =	simm.s32 $0xA5D0;
	s23 =	simm.s32 $0x440;
	s31 =	sadd.s32 $0x20, s24  }
0x15f: {  	[hbm4b:s31+s3] =	stream.linear.scatter [tilespmem:s30], [sflag:$0x3], $0x40, $0x38;
	[tilespmem:$0xE880] =	vst v63  }
0x160: {  	s28 =	sadd.s32 $0x70, s24;
	s26 =	simm.s32 $0xA658;
	s29 =	sadd.s32 $0x30, s24  }
0x161: {  	[hbm4b:s29+s3] =	stream.linear.scatter [tilespmem:s26], [sflag:$0x3], $0x40, $0x38;
	[tilespmem:$0xE880] =	vst v63  }
0x162: {  	s25 =	simm.s32 $0x2200;
	s30 =	simm.s32 $0xA6E0;
	s31 =	sadd.s32 $0x40, s24  }
0x163: {  	[hbm4b:s31+s3] =	stream.linear.scatter [tilespmem:s30], [sflag:$0x3], $0x40, $0x38;
	[tilespmem:$0xE880] =	vst v63  }
0x164: {  	s26 =	simm.s32 $0xA768;
	s29 =	sadd.s32 $0x50, s24;
	s30 =	simm.s32 $0xA7F0  }
0x165: {  	[hbm4b:s29+s3] =	stream.linear.scatter [tilespmem:s26], [sflag:$0x3], $0x40, $0x38;
	[tilespmem:$0xE880] =	vst v63  }
0x166: {  	v53 =	vmov v16;
	v16 =	vmov v10;
	v10 =	vmov v11;
	s31 =	sadd.s32 $0x60, s24;
	s24 =	sadd.s32 $0x1000, s24;
	s26 =	simm.s32 $0xA878  }
0x167: {  	v11 =	vmovc v19;
	v7 =	vmovc v22;
	v13 =	vmov v52;
	v33 =	vmov v10;
	v20 =	vmov v53;
	[hbm4b:s31+s3] =	stream.linear.scatter [tilespmem:s30], [sflag:$0x3], $0x40, $0x38;
	[tilespmem:$0xE880] =	vst v63  }
.LBB2_9:
0x168: {  	[hbm4b:s28+s3] =	stream.linear.scatter [tilespmem:s26], [sflag:$0x3], $0x40, $0x38;
	[tilespmem:$0xE880] =	vst v63  }
0x169: {  	s26 =	smov.u32 s23;
	s23 =	smov.u32 s25  }
0x16a: {  	s29 =	sadd.s32 $0x1100, s25;
	s23 =	sshra.s32 s23, $0x2;
	s28 =	sadd.s32 $0xA4C0, s26  }
0x16b: {  	[hbm4b:s24+s3] =	stream.linear.scatter [tilespmem:s28], [sflag:$0x3], $0x40, $0x38;
	[tilespmem:$0xE880] =	vst v63  }
0x16c: {  	p1 =	sne.s32 s25, $0x7700;
	s25 =	sadd.s32 $0xA548, s26;
	s28 =	sadd.s32 $0x10, s24  }
0x16d: {  	[hbm4b:s28+s3] =	stream.linear.scatter [tilespmem:s25], [sflag:$0x3], $0x40, $0x38;
	[tilespmem:$0xE880] =	vst v63  }
0x16e: {  	s25 =	sadd.s32 $0xA5D0, s26;
	s28 =	sadd.s32 $0x20, s24  }
0x16f: {  	[hbm4b:s28+s3] =	stream.linear.scatter [tilespmem:s25], [sflag:$0x3], $0x40, $0x38;
	[tilespmem:$0xE880] =	vst v63  }
0x170: {  	s25 =	sadd.s32 $0xA658, s26;
	s28 =	sadd.s32 $0x30, s24  }
0x171: {  	[hbm4b:s28+s3] =	stream.linear.scatter [tilespmem:s25], [sflag:$0x3], $0x40, $0x38;
	[tilespmem:$0xE880] =	vst v63  }
0x172: {  	s25 =	sadd.s32 $0xA6E0, s26;
	s28 =	sadd.s32 $0x40, s24  }
0x173: {  	[hbm4b:s28+s3] =	stream.linear.scatter [tilespmem:s25], [sflag:$0x3], $0x40, $0x38;
	[tilespmem:$0xE880] =	vst v63  }
.Ltmp3:
0x174: {  	s25 =	sadd.s32 $0xA768, s26;
	s28 =	sadd.s32 $0x50, s24;
	(pc) =	sbr.rel @p1 .LBB2_9-.Ltmp3, $4  }
0x175: {  	[hbm4b:s28+s3] =	stream.linear.scatter [tilespmem:s25], [sflag:$0x3], $0x40, $0x38;
	[tilespmem:$0xE880] =	vst v63  }
0x176: {  	s25 =	sadd.s32 $0xA7F0, s26;
	s28 =	sadd.s32 $0x60, s24;
	s26 =	sadd.s32 $0xA878, s26  }
0x177: {  	[hbm4b:s28+s3] =	stream.linear.scatter [tilespmem:s25], [sflag:$0x3], $0x40, $0x38;
	[tilespmem:$0xE880] =	vst v63  }
0x178: {  	s28 =	sadd.s32 $0x70, s24;
	s24 =	sadd.s32 $0x1000, s24;
	s25 =	smov.u32 s29  }
0x179: {  	[hbm4b:s28+s3] =	stream.linear.scatter [tilespmem:s26], [sflag:$0x3], $0x40, $0x38;
	[tilespmem:$0xE880] =	vst v63  }
0x17a: {  	s25 =	sadd.s32 $0xA4C0, s23  }
0x17b: {  	[hbm4b:s24+s3] =	stream.linear.scatter [tilespmem:s25], [sflag:$0x3], $0x40, $0x38;
	[tilespmem:$0xE880] =	vst v63  }
0x17c: {  	s28 =	sadd.s32 $0xA548, s23;
	s29 =	sadd.s32 $0x10, s24  }
0x17d: {  	[hbm4b:s29+s3] =	stream.linear.scatter [tilespmem:s28], [sflag:$0x3], $0x40, $0x38;
	[tilespmem:$0xE880] =	vst v63  }
0x17e: {  	s30 =	sadd.s32 $0xA5D0, s23;
	s31 =	sadd.s32 $0x20, s24  }
0x17f: {  	[hbm4b:s31+s3] =	stream.linear.scatter [tilespmem:s30], [sflag:$0x3], $0x40, $0x38;
	[tilespmem:$0xE880] =	vst v63  }
0x180: {  	s28 =	sadd.s32 $0xA658, s23;
	s29 =	sadd.s32 $0x30, s24  }
0x181: {  	[hbm4b:s29+s3] =	stream.linear.scatter [tilespmem:s28], [sflag:$0x3], $0x40, $0x38;
	[tilespmem:$0xE880] =	vst v63  }
0x182: {  	s30 =	sadd.s32 $0xA6E0, s23;
	s31 =	sadd.s32 $0x40, s24  }
0x183: {  	[hbm4b:s31+s3] =	stream.linear.scatter [tilespmem:s30], [sflag:$0x3], $0x40, $0x38;
	[tilespmem:$0xE880] =	vst v63  }
0x184: {  	s26 =	sadd.s32 $0xA768, s23;
	s28 =	sadd.s32 $0x50, s24  }
0x185: {  	[hbm4b:s28+s3] =	stream.linear.scatter [tilespmem:s26], [sflag:$0x3], $0x40, $0x38;
	[tilespmem:$0xE880] =	vst v63  }
0x186: {  	s29 =	sadd.s32 $0xA7F0, s23;
	s30 =	sadd.s32 $0x60, s24;
	s26 =	sshll.u32 s21, $0x8  }
0x187: {  	[hbm4b:s30+s3] =	stream.linear.scatter [tilespmem:s29], [sflag:$0x3], $0x40, $0x38;
	[tilespmem:$0xE880] =	vst v63  }
0x188: {  	s25 =	sadd.s32 $0x70, s24;
	s31 =	sadd.s32 $0xA878, s23;
	s23 =	sand.u32 $0x3FFFFF00, s26  }
0x189: {  	[hbm4b:s25+s3] =	stream.linear.scatter [tilespmem:s31], [sflag:$0x3], $0x40, $0x38;
	[tilespmem:$0xE880] =	vst v63  }
0x18a: {  	s23 =	sadd.s32 $0x100, s23  }
0x18b: {  	[tilespmem:s12], [sflag:$0x1] =	stream.indirect.gather [hbm4b:s4+s9], $0x40, s23, s9, $0xb8;
	[tilespmem:$0xE880] =	vst v63  }
0x18c: {  	_ =	swait.ge [sflag:s16], $0x2000  }
0x18d: {  	s28 =	simm.s32 $0x0;
	[sflag:s16] =	ssyncset.done $0x0  }
0x18e: {  	v0 =	vmov s28;
	s26 =	simm.s32 $0x4;
	s23 =	simm.s32 @!p0 $0x4;
	[sflag:s16] =	ssyncadd.s32 $0xFFFFE000  }
0x18f: {  	s28 =	simm.s32 $0x5;
	v0 =	vshrl.u32 v0, $0x3;
	s29 =	simm.s32 $0x1;
	_ =	swait.ge @!p0 [sflag:s23], $0x1000  }
0x190: {  	s30 =	simm.s32 $0x2;
	v34 =	vmov s26;
	v35 =	vmov s28;
	v1 =	vmov s29;
	[sflag:s23] =	ssyncset.done @!p0 $0x0  }
0x191: {  	v3 =	vmov s30;
	s29 =	simm.s32 $0x6;
	s30 =	simm.s32 $0x7;
	v0 =	vshll.u32 v0, v2;
	v34 =	vshrl.u32 v34, $0x3;
	[sflag:s23] =	ssyncadd.s32 @!p0 $0xFFFFF000  }
0x192: {  	v35 =	vshrl.u32 v35, $0x3;
	v36 =	vmov s29;
	v37 =	vmov s30;
	_ =	swait.ge @!p0 [sflag:s23], $0x1000  }
0x193: {  	v1 =	vshrl.u32 v1, $0x3;
	v3 =	vshrl.u32 v3, $0x3;
	v37 =	vshrl.u32 v37, $0x3;
	[sflag:s23] =	ssyncset.done @!p0 $0x0  }
0x194: {  	s31 =	simm.s32 $0x3;
	v40 =	vbroadcast v0, $0x0;
	v34 =	vshll.u32 v34, v2;
	v37 =	vshll.u32 v37, v2;
	[sflag:s23] =	ssyncadd.s32 @!p0 $0xFFFFF000;
	s23 =	simm.s32 $0x8670  }
0x195: {  	v35 =	vshll.u32 v35, v2;
	v4 =	vmov s31;
	v42 =	vbroadcast v37, $0x0;
	v0 =	vld [tilespmem:s23+$0xFFFFFFD0]  }
0x196: {  	v36 =	vshrl.u32 v36, $0x3;
	v1 =	vshll.u32 v1, v2;
	v3 =	vshll.u32 v3, v2;
	v39 =	vld [tilespmem:s23+$0xFFFFFE10]  }
0x197: {  	v4 =	vshrl.u32 v4, $0x3;
	v17 =	vbroadcast v1, $0x0;
	v1 =	vadd.s32 v31, v42;
	v43 =	vld [tilespmem:s23+$0xFFFFFE50]  }
0x198: {  	v44 =	vadd.s32 v5, v40;
	v38 =	vbroadcast v3, $0x0;
	v4 =	vshll.u32 v4, v2;
	v45 =	vld [tilespmem:s23+$0xFFFFFE90]  }
0x199: {  	v3 =	vshll.u32 v36, v2;
	v46 =	vadd.s32 v9, v17;
	v37 =	vbroadcast v4, $0x0;
	v47 =	vld [tilespmem:s23+$0xFFFFFED0]  }
0x19a: {  	v36 =	vbroadcast v34, $0x0;
	v4 =	vadd.s32 v13, v38;
	v48 =	vld [tilespmem:s23+$0xFFFFFF10];
	v0 =	vmul.f32 $8.000000000e+00, v0  }
0x19b: {  	v34 =	vbroadcast v35, $0x0;
	v49 =	vadd.s32 v12, v37;
	v50 =	vld [tilespmem:s23+$0xFFFFFF50];
	v39 =	vmul.f32 $8.000000000e+00, v39  }
0x19c: {  	v35 =	vbroadcast v3, $0x0;
	v51 =	vadd.s32 v20, v36;
	v52 =	vld [tilespmem:s23+$0xFFFFFF90];
	v43 =	vmul.f32 $8.000000000e+00, v43;
	[tilespmem:v1+s17+$0x0] =	vst.idx.msk $0xffff, v0  }
0x19d: {  	v3 =	vadd.s32 v23, v34;
	[tilespmem:v44+s17+$0x0] =	vst.idx.msk $0xffff, v39;
	v1 =	vmul.f32 $8.000000000e+00, v45;
	v60 =	vld [tilespmem:s23+$0xFFFFFFE0]  }
0x19e: {  	v61 =	vmul.f32 $8.000000000e+00, v47;
	[tilespmem:v46+s17+$0x0] =	vst.idx.msk $0xffff, v43;
	v45 =	vadd.s32 v27, v35;
	v44 =	vld [tilespmem:s23+$0xFFFFFE20]  }
0x19f: {  	v47 =	vld [tilespmem:s23+$0xFFFFFE60];
	[tilespmem:v4+s17+$0x0] =	vst.idx.msk $0xffff, v1;
	v1 =	vmul.f32 $8.000000000e+00, v48;
	v4 =	vadd.s32 v32, v42  }
0x1a0: {  	v53 =	vadd.s32 v6, v40;
	v62 =	vmul.f32 $8.000000000e+00, v50;
	[tilespmem:v49+s17+$0x0] =	vst.idx.msk $0xffff, v61;
	v54 =	vld [tilespmem:s23+$0xFFFFFEA0]  }
0x1a1: {  	v63 =	vadd.s32 v16, v17;
	v55 =	vld [tilespmem:s23+$0xFFFFFEE0];
	[tilespmem:v51+s17+$0x0] =	vst.idx.msk $0xffff, v1;
	v1 =	vmul.f32 $8.000000000e+00, v52  }
0x1a2: {  	[tilespmem:v3+s17+$0x0] =	vst.idx.msk $0xffff, v62;
	v52 =	vadd.s32 v14, v38;
	v56 =	vld [tilespmem:s23+$0xFFFFFF20];
	v3 =	vmul.f32 $8.000000000e+00, v60  }
0x1a3: {  	v61 =	vadd.s32 v8, v37;
	v57 =	vld [tilespmem:s23+$0xFFFFFF60];
	v60 =	vmul.f32 $8.000000000e+00, v44;
	[tilespmem:v45+s17+$0x0] =	vst.idx.msk $0xffff, v1  }
0x1a4: {  	v62 =	vmul.f32 $8.000000000e+00, v47;
	v47 =	vadd.s32 v21, v36;
	v58 =	vld [tilespmem:s23+$0xFFFFFFA0];
	[tilespmem:v4+s17+$0x0] =	vst.idx.msk $0xffff, v3  }
0x1a5: {  	s26 =	simm.s32 $0xA;
	[tilespmem:v53+s17+$0x0] =	vst.idx.msk $0xffff, v60;
	v3 =	vmul.f32 $8.000000000e+00, v54;
	v4 =	vadd.s32 v26, v34;
	v43 =	vld [tilespmem:s23+$0xFFFFFFF0]  }
0x1a6: {  	v50 =	vadd.s32 v25, v35;
	v48 =	vmov s26;
	[tilespmem:v63+s17+$0x0] =	vst.idx.msk $0xffff, v62;
	v63 =	vmul.f32 $8.000000000e+00, v55;
	v53 =	vld [tilespmem:s23+$0xFFFFFE30]  }
0x1a7: {  	v54 =	vshrl.u32 v48, $0x3;
	v48 =	vld [tilespmem:s23+$0xFFFFFE70];
	[tilespmem:v52+s17+$0x0] =	vst.idx.msk $0xffff, v3;
	v3 =	vmul.f32 $8.000000000e+00, v56;
	v52 =	vadd.s32 v33, v42  }
0x1a8: {  	s31 =	simm.s32 $0x8;
	v41 =	vmul.f32 $8.000000000e+00, v57;
	v55 =	vadd.s32 v7, v40;
	[tilespmem:v61+s17+$0x0] =	vst.idx.msk $0xffff, v63;
	v56 =	vld [tilespmem:s23+$0xFFFFFEB0]  }
0x1a9: {  	v0 =	vmov s31;
	s31 =	simm.s32 $0xE;
	v61 =	vld [tilespmem:s23+$0xFFFFFEF0];
	[tilespmem:v47+s17+$0x0] =	vst.idx.msk $0xffff, v3;
	v3 =	vmul.f32 $8.000000000e+00, v58  }
0x1aa: {  	v1 =	vmov s31;
	v62 =	vld [tilespmem:s23+$0xFFFFFF30];
	[tilespmem:v4+s17+$0x0] =	vst.idx.msk $0xffff, v41;
	v4 =	vmul.f32 $8.000000000e+00, v43  }
0x1ab: {  	v60 =	vadd.s32 v11, v17;
	v43 =	vshrl.u32 v1, $0x3;
	v1 =	vmul.f32 $8.000000000e+00, v53;
	v63 =	vld [tilespmem:s23+$0xFFFFFF70];
	[tilespmem:v50+s17+$0x0] =	vst.idx.msk $0xffff, v3  }
0x1ac: {  	s30 =	simm.s32 $0xD;
	v0 =	vshrl.u32 v0, $0x3;
	v13 =	vld [tilespmem:$0x1FF70];
	[tilespmem:v52+s17+$0x0] =	vst.idx.msk $0xffff, v4  }
0x1ad: {  	v39 =	vmov s30;
	v0 =	vshll.u32 v0, v2;
	v47 =	vadd.s32 v15, v38;
	v41 =	vld [tilespmem:s23+$0xFFFFFFB0];
	[tilespmem:v55+s17+$0x0] =	vst.idx.msk $0xffff, v1  }
0x1ae: {  	v28 =	vmovc v25;
	s29 =	simm.s32 $0xC;
	v58 =	vshrl.u32 v39, $0x3;
	v39 =	vbroadcast v0, $0x0;
	v0 =	vmul.f32 $8.000000000e+00, v48;
	v25 =	vld [tilespmem:$0x1FF90]  }
0x1af: {  	v51 =	vmov s29;
	v57 =	vld [tilespmem:s23+$0x0]  }
0x1b0: {  	v59 =	vshrl.u32 v51, $0x3;
	v44 =	vadd.s32 v18, v37;
	v1 =	vmul.f32 $8.000000000e+00, v56;
	v51 =	vld [tilespmem:s23+$0xFFFFFE40];
	[tilespmem:v60+s17+$0x0] =	vst.idx.msk $0xffff, v0  }
0x1b1: {  	v29 =	vld [tilespmem:$0x1FFB0]  }
0x1b2: {  	v53 =	vld [tilespmem:s23+$0xFFFFFE80];
	[tilespmem:v47+s17+$0x0] =	vst.idx.msk $0xffff, v1;
	v3 =	vadd.s32 v13, v36  }
0x1b3: {  	v0 =	vmul.f32 $8.000000000e+00, v61;
	v30 =	vld [tilespmem:$0x1FFD0]  }
0x1b4: {  	v4 =	vld [tilespmem:$0x1FF10]  }
0x1b5: {  	v1 =	vmul.f32 $8.000000000e+00, v62;
	v50 =	vld [tilespmem:s23+$0xFFFFFEC0];
	[tilespmem:v44+s17+$0x0] =	vst.idx.msk $0xffff, v0  }
0x1b6: {  	s28 =	simm.s32 $0xB;
	s25 =	simm.s32 $0x9;
	v0 =	vld [tilespmem:$0x1FF20]  }
0x1b7: {  	v46 =	vmov s25;
	v49 =	vmov s28;
	v55 =	vld [tilespmem:s23+$0xFFFFFF00];
	[tilespmem:v3+s17+$0x0] =	vst.idx.msk $0xffff, v1  }
0x1b8: {  	v10 =	vmov v16;
	v46 =	vshrl.u32 v46, $0x3;
	v49 =	vshrl.u32 v49, $0x3;
	v16 =	vld [tilespmem:$0x1FF50]  }
0x1b9: {  	v45 =	vshll.u32 v54, v2;
	v48 =	vshll.u32 v46, v2;
	v46 =	vshll.u32 v49, v2;
	v19 =	vld [tilespmem:$0x1FF60]  }
0x1ba: {  	v47 =	vshll.u32 v59, v2;
	v44 =	vshll.u32 v58, v2;
	v41 =	vmul.f32 $8.000000000e+00, v41;
	v22 =	vld [tilespmem:$0x1FF80]  }
0x1bb: {  	v24 =	vmovc v26;
	v56 =	vadd.s32 v25, v34;
	v52 =	vadd.s32 v29, v35;
	v54 =	vadd.s32 v30, v42;
	v26 =	vld [tilespmem:$0x1FFA0]  }
0x1bc: {  	s24 =	simm.s32 $0x10;
	s25 =	simm.s32 $0xF;
	v49 =	vadd.s32 v4, v40;
	v40 =	vmul.f32 $8.000000000e+00, v63;
	v42 =	vadd.s32 v0, v17;
	v17 =	vld [tilespmem:$0x1FFC0]  }
.LBB2_11:
0x1bd: {  	_ =	sdelay $0x2  }
0x1be: {  	v0 =	vmov s25;
	v3 =	vld [tilespmem:s23+$0xFFFFFF40];
	[tilespmem:v56+s17+$0x0] =	vst.idx.msk $0xffff, v40  }
0x1bf: {  	v1 =	vadd.s32 v16, v38;
	v37 =	vadd.s32 v19, v37;
	[tilespmem:v52+s17+$0x0] =	vst.idx.msk $0xffff, v41;
	v58 =	vld [tilespmem:s23+$0xFFFFFF80];
	v4 =	vmul.f32 $8.000000000e+00, v57  }
0x1c0: {  	v36 =	vadd.s32 v22, v36;
	v0 =	vshrl.u32 v0, $0x3;
	v52 =	vld [tilespmem:s23+$0xFFFFFFC0];
	v57 =	vmul.f32 $8.000000000e+00, v51  }
0x1c1: {  	v0 =	vshll.u32 v0, v2;
	s23 =	sadd.s32 $0x200, s23;
	v59 =	vmul.f32 $8.000000000e+00, v53;
	v60 =	vmul.f32 $8.000000000e+00, v55;
	v55 =	vld [tilespmem:$0x1FFF0];
	[tilespmem:v54+s17+$0x0] =	vst.idx.msk $0xffff, v4  }
0x1c2: {  	v34 =	vadd.s32 v26, v34;
	v41 =	vbroadcast v0, $0x0;
	v0 =	vmul.f32 $8.000000000e+00, v50;
	[tilespmem:v49+s17+$0x0] =	vst.idx.msk $0xffff, v57;
	v4 =	vld [tilespmem:s23+$0xFFFFFFD0]  }
0x1c3: {  	v35 =	vadd.s32 v17, v35;
	[tilespmem:v42+s17+$0x0] =	vst.idx.msk $0xffff, v59;
	v49 =	vld [tilespmem:s23+$0xFFFFFE10]  }
0x1c4: {  	v40 =	vmovc v39;
	v61 =	vadd.s32 v31, v41;
	v42 =	vbroadcast v48, $0x0;
	[tilespmem:v1+s17+$0x0] =	vst.idx.msk $0xffff, v0;
	v0 =	vmul.f32 $8.000000000e+00, v3;
	v51 =	vld [tilespmem:s23+$0xFFFFFE50]  }
0x1c5: {  	v1 =	vadd.s32 v5, v40;
	[tilespmem:v37+s17+$0x0] =	vst.idx.msk $0xffff, v60;
	v3 =	vld [tilespmem:s23+$0xFFFFFE90];
	v39 =	vmul.f32 $8.000000000e+00, v58  }
0x1c6: {  	v38 =	vbroadcast v45, $0x0;
	v50 =	vld [tilespmem:s23+$0xFFFFFED0];
	v45 =	vadd.s32 v9, v42;
	[tilespmem:v36+s17+$0x0] =	vst.idx.msk $0xffff, v0;
	v0 =	vmul.f32 $8.000000000e+00, v52  }
0x1c7: {  	v43 =	vshll.u32 v43, v2;
	v37 =	vbroadcast v46, $0x0;
	v56 =	vld [tilespmem:s23+$0xFFFFFF10];
	[tilespmem:v34+s17+$0x0] =	vst.idx.msk $0xffff, v39;
	v4 =	vmul.f32 $8.000000000e+00, v4  }
0x1c8: {  	v36 =	vbroadcast v47, $0x0;
	v46 =	vadd.s32 v55, v38;
	v57 =	vld [tilespmem:s23+$0xFFFFFF50];
	[tilespmem:v35+s17+$0x0] =	vst.idx.msk $0xffff, v0;
	v62 =	vmul.f32 $8.000000000e+00, v49  }
0x1c9: {  	v63 =	vadd.s32 v12, v37;
	v34 =	vbroadcast v44, $0x0;
	v59 =	vld [tilespmem:s23+$0xFFFFFF90];
	v0 =	vmul.f32 $8.000000000e+00, v51;
	[tilespmem:v61+s17+$0x0] =	vst.idx.msk $0xffff, v4  }
0x1ca: {  	v58 =	vadd.s32 v20, v36;
	v35 =	vbroadcast v43, $0x0;
	[tilespmem:v1+s17+$0x0] =	vst.idx.msk $0xffff, v62;
	v60 =	vld [tilespmem:s23+$0xFFFFFFE0]  }
0x1cb: {  	v1 =	vmul.f32 $8.000000000e+00, v3;
	v3 =	vadd.s32 v23, v34;
	[tilespmem:v45+s17+$0x0] =	vst.idx.msk $0xffff, v0;
	v61 =	vld [tilespmem:s23+$0xFFFFFE20]  }
0x1cc: {  	v0 =	vmul.f32 $8.000000000e+00, v50;
	v45 =	vadd.s32 v27, v35;
	v62 =	vld [tilespmem:s23+$0xFFFFFE60]  }
0x1cd: {  	[tilespmem:v46+s17+$0x0] =	vst.idx.msk $0xffff, v1;
	v1 =	vmul.f32 $8.000000000e+00, v56;
	v46 =	vadd.s32 v32, v41  }
0x1ce: {  	v49 =	vadd.s32 v10, v42;
	[tilespmem:v63+s17+$0x0] =	vst.idx.msk $0xffff, v0;
	v0 =	vmul.f32 $8.000000000e+00, v57;
	v54 =	vld [tilespmem:s23+$0xFFFFFEA0]  }
0x1cf: {  	v53 =	vadd.s32 v6, v40;
	v55 =	vld [tilespmem:s23+$0xFFFFFEE0];
	[tilespmem:v58+s17+$0x0] =	vst.idx.msk $0xffff, v1;
	v1 =	vmul.f32 $8.000000000e+00, v59  }
0x1d0: {  	v51 =	vadd.s32 v14, v38;
	v4 =	vmov s24;
	v56 =	vld [tilespmem:s23+$0xFFFFFF20];
	[tilespmem:v3+s17+$0x0] =	vst.idx.msk $0xffff, v0;
	v0 =	vmul.f32 $8.000000000e+00, v60  }
0x1d1: {  	v63 =	vmul.f32 $8.000000000e+00, v61;
	v60 =	vadd.s32 v8, v37;
	v61 =	vld [tilespmem:s23+$0xFFFFFF60];
	[tilespmem:v45+s17+$0x0] =	vst.idx.msk $0xffff, v1;
	v62 =	vmul.f32 $8.000000000e+00, v62  }
0x1d2: {  	v50 =	vadd.s32 v21, v36;
	v4 =	vshrl.u32 v4, $0x3;
	v58 =	vld [tilespmem:s23+$0xFFFFFFA0];
	[tilespmem:v46+s17+$0x0] =	vst.idx.msk $0xffff, v0  }
0x1d3: {  	s31 =	sadd.s32 $0x1, s24;
	v39 =	vadd.s32 v24, v34;
	v0 =	vshll.u32 v4, v2;
	v4 =	vmul.f32 $8.000000000e+00, v54;
	[tilespmem:v49+s17+$0x0] =	vst.idx.msk $0xffff, v62;
	v46 =	vld [tilespmem:s23+$0xFFFFFFF0]  }
0x1d4: {  	s26 =	sadd.s32 $0x2, s24;
	v48 =	vmov s31;
	[tilespmem:v53+s17+$0x0] =	vst.idx.msk $0xffff, v63;
	v63 =	vmul.f32 $8.000000000e+00, v55;
	v49 =	vadd.s32 v28, v35;
	v54 =	vld [tilespmem:s23+$0xFFFFFE70]  }
0x1d5: {  	s28 =	sadd.s32 $0x3, s24;
	v48 =	vshrl.u32 v48, $0x3;
	v52 =	vmov s26;
	v53 =	vld [tilespmem:s23+$0xFFFFFE30];
	[tilespmem:v51+s17+$0x0] =	vst.idx.msk $0xffff, v4;
	v4 =	vmul.f32 $8.000000000e+00, v56  }
0x1d6: {  	v47 =	vmov s28;
	v59 =	vadd.s32 v11, v42;
	v56 =	vld [tilespmem:s23+$0xFFFFFEB0];
	[tilespmem:v60+s17+$0x0] =	vst.idx.msk $0xffff, v63;
	v43 =	vmul.f32 $8.000000000e+00, v61  }
0x1d7: {  	s29 =	sadd.s32 $0x4, s24;
	v48 =	vshll.u32 v48, v2;
	v51 =	vadd.s32 v33, v41;
	v60 =	vld [tilespmem:s23+$0xFFFFFEF0];
	[tilespmem:v50+s17+$0x0] =	vst.idx.msk $0xffff, v4;
	v4 =	vmul.f32 $8.000000000e+00, v58  }
0x1d8: {  	v44 =	vmov s29;
	v52 =	vshrl.u32 v52, $0x3;
	v55 =	vadd.s32 v7, v40;
	v58 =	vld [tilespmem:s23+$0xFFFFFF30];
	[tilespmem:v39+s17+$0x0] =	vst.idx.msk $0xffff, v43  }
0x1d9: {  	s31 =	sadd.s32 $0x6, s24;
	v47 =	vshrl.u32 v47, $0x3;
	v39 =	vbroadcast v0, $0x0;
	v62 =	vld [tilespmem:s23+$0xFFFFFF70];
	[tilespmem:v49+s17+$0x0] =	vst.idx.msk $0xffff, v4;
	v0 =	vmul.f32 $8.000000000e+00, v54  }
0x1da: {  	v1 =	vmov s31;
	v50 =	vadd.s32 v15, v38;
	v57 =	vmul.f32 $8.000000000e+00, v46;
	v63 =	vld [tilespmem:s23+$0xFFFFFFB0]  }
0x1db: {  	s30 =	sadd.s32 $0x5, s24;
	v61 =	vadd.s32 v18, v37;
	v43 =	vshrl.u32 v1, $0x3;
	v1 =	vmul.f32 $8.000000000e+00, v53;
	[tilespmem:v59+s17+$0x0] =	vst.idx.msk $0xffff, v0;
	v59 =	vld [tilespmem:$0x1FF10]  }
0x1dc: {  	p0 =	slt.u32 s24, $0x38;
	v3 =	vmov s30;
	v4 =	vadd.s32 v13, v36;
	[tilespmem:v51+s17+$0x0] =	vst.idx.msk $0xffff, v57;
	v0 =	vmul.f32 $8.000000000e+00, v60;
	v60 =	vld [tilespmem:$0x1FF20]  }
.Ltmp4:
0x1dd: {  	v44 =	vshrl.u32 v44, $0x3;
	v3 =	vshrl.u32 v3, $0x3;
	[tilespmem:v55+s17+$0x0] =	vst.idx.msk $0xffff, v1;
	v1 =	vmul.f32 $8.000000000e+00, v56;
	v57 =	vld [tilespmem:s23+$0x0];
	(pc) =	sbr.rel @p0 .LBB2_11-.Ltmp4, $4  }
0x1de: {  	v45 =	vshll.u32 v52, v2;
	v52 =	vadd.s32 v29, v35;
	v46 =	vshll.u32 v47, v2;
	v51 =	vld [tilespmem:s23+$0xFFFFFE40]  }
0x1df: {  	v54 =	vadd.s32 v30, v41;
	v47 =	vshll.u32 v44, v2;
	v53 =	vld [tilespmem:s23+$0xFFFFFE80];
	[tilespmem:v50+s17+$0x0] =	vst.idx.msk $0xffff, v1;
	v1 =	vmul.f32 $8.000000000e+00, v58  }
0x1e0: {  	v44 =	vshll.u32 v3, v2;
	v56 =	vadd.s32 v25, v34;
	v50 =	vld [tilespmem:s23+$0xFFFFFEC0];
	[tilespmem:v61+s17+$0x0] =	vst.idx.msk $0xffff, v0;
	v41 =	vmul.f32 $8.000000000e+00, v63  }
0x1e1: {  	s25 =	sadd.s32 $0x7, s24;
	s24 =	sadd.s32 $0x8, s24;
	v55 =	vld [tilespmem:s23+$0xFFFFFF00];
	[tilespmem:v4+s17+$0x0] =	vst.idx.msk $0xffff, v1;
	v49 =	vadd.s32 v59, v40;
	v40 =	vmul.f32 $8.000000000e+00, v62;
	v42 =	vadd.s32 v60, v42  }
0x1e2: {  	_ =	sdelay $0x3  }
0x1e3: {  	v1 =	vadd.s32 v16, v38;
	v3 =	vld [tilespmem:s23+$0xFFFFFF40];
	v4 =	vmul.f32 $8.000000000e+00, v57;
	[tilespmem:v52+s17+$0x0] =	vst.idx.msk $0xffff, v41  }
0x1e4: {  	v37 =	vadd.s32 v19, v37;
	[tilespmem:v56+s17+$0x0] =	vst.idx.msk $0xffff, v40;
	v58 =	vmul.f32 $8.000000000e+00, v51  }
0x1e5: {  	v36 =	vadd.s32 v22, v36;
	v61 =	vmul.f32 $8.000000000e+00, v53;
	[tilespmem:v54+s17+$0x0] =	vst.idx.msk $0xffff, v4  }
0x1e6: {  	[tilespmem:v49+s17+$0x0] =	vst.idx.msk $0xffff, v58;
	v62 =	vmul.f32 $8.000000000e+00, v50  }
0x1e7: {  	[tilespmem:v42+s17+$0x0] =	vst.idx.msk $0xffff, v61;
	v55 =	vmul.f32 $8.000000000e+00, v55  }
0x1e8: {  	v51 =	vld [tilespmem:s23+$0xFFFFFFC0];
	[tilespmem:v1+s17+$0x0] =	vst.idx.msk $0xffff, v62;
	v1 =	vmul.f32 $8.000000000e+00, v3  }
0x1e9: {  	v0 =	vmov s25;
	s24 =	sadd.s32 $0x200, s23;
	v40 =	vld [tilespmem:s23+$0xFFFFFF80];
	[tilespmem:v37+s17+$0x0] =	vst.idx.msk $0xffff, v55  }
0x1ea: {  	v0 =	vshrl.u32 v0, $0x3;
	v63 =	vld [tilespmem:s24+$0xFFFFFE10];
	[tilespmem:v36+s17+$0x0] =	vst.idx.msk $0xffff, v1  }
0x1eb: {  	v34 =	vadd.s32 v26, v34;
	v0 =	vshll.u32 v0, v2;
	v52 =	vld [tilespmem:$0x1FFF0]  }
0x1ec: {  	v35 =	vadd.s32 v17, v35;
	v4 =	vld [tilespmem:s24+$0xFFFFFFD0];
	v0 =	vbroadcast v0, $0x0  }
0x1ed: {  	v43 =	vshll.u32 v43, v2;
	v48 =	vbroadcast v48, $0x0;
	v42 =	vld [tilespmem:s24+$0xFFFFFE50];
	v3 =	vadd.s32 v5, v39  }
0x1ee: {  	v45 =	vbroadcast v45, $0x0;
	v56 =	vld [tilespmem:s24+$0xFFFFFE90];
	v50 =	vadd.s32 v31, v0;
	v57 =	vmul.f32 $8.000000000e+00, v40  }
0x1ef: {  	v46 =	vbroadcast v46, $0x0;
	v58 =	vadd.s32 v9, v48;
	v61 =	vld [tilespmem:s24+$0xFFFFFED0];
	v1 =	vmul.f32 $8.000000000e+00, v51  }
0x1f0: {  	v47 =	vbroadcast v47, $0x0;
	v62 =	vmul.f32 $8.000000000e+00, v63;
	v51 =	vld [tilespmem:s24+$0xFFFFFF10];
	[tilespmem:v34+s17+$0x0] =	vst.idx.msk $0xffff, v57;
	v36 =	vadd.s32 v52, v45  }
0x1f1: {  	v44 =	vbroadcast v44, $0x0;
	v37 =	vadd.s32 v12, v46;
	v63 =	vld [tilespmem:s24+$0xFFFFFF50];
	v4 =	vmul.f32 $8.000000000e+00, v4;
	[tilespmem:v35+s17+$0x0] =	vst.idx.msk $0xffff, v1  }
0x1f2: {  	v43 =	vbroadcast v43, $0x0;
	v54 =	vadd.s32 v20, v47;
	v55 =	vld [tilespmem:s24+$0xFFFFFF90];
	v1 =	vmul.f32 $8.000000000e+00, v42;
	[tilespmem:v3+s17+$0x0] =	vst.idx.msk $0xffff, v62  }
0x1f3: {  	[tilespmem:v50+s17+$0x0] =	vst.idx.msk $0xffff, v4;
	v3 =	vmul.f32 $8.000000000e+00, v56;
	v4 =	vadd.s32 v23, v44;
	v57 =	vld [tilespmem:s24+$0xFFFFFE20]  }
0x1f4: {  	v56 =	vld [tilespmem:s24+$0xFFFFFFE0];
	[tilespmem:v58+s17+$0x0] =	vst.idx.msk $0xffff, v1;
	v1 =	vmul.f32 $8.000000000e+00, v61;
	v58 =	vadd.s32 v27, v43  }
0x1f5: {  	v50 =	vadd.s32 v6, v39;
	v61 =	vld [tilespmem:s24+$0xFFFFFE60];
	[tilespmem:v36+s17+$0x0] =	vst.idx.msk $0xffff, v3;
	v3 =	vmul.f32 $8.000000000e+00, v51  }
0x1f6: {  	[tilespmem:v37+s17+$0x0] =	vst.idx.msk $0xffff, v1;
	v1 =	vmul.f32 $8.000000000e+00, v63;
	v36 =	vadd.s32 v32, v0;
	v62 =	vld [tilespmem:s24+$0xFFFFFEA0]  }
0x1f7: {  	v63 =	vadd.s32 v10, v48;
	v53 =	vld [tilespmem:s24+$0xFFFFFEE0];
	[tilespmem:v54+s17+$0x0] =	vst.idx.msk $0xffff, v3;
	v3 =	vmul.f32 $8.000000000e+00, v55  }
0x1f8: {  	[tilespmem:v4+s17+$0x0] =	vst.idx.msk $0xffff, v1;
	v4 =	vmul.f32 $8.000000000e+00, v57;
	v54 =	vadd.s32 v14, v45;
	v55 =	vld [tilespmem:s24+$0xFFFFFF20]  }
0x1f9: {  	v1 =	vmul.f32 $8.000000000e+00, v56;
	v56 =	vadd.s32 v8, v46;
	v57 =	vld [tilespmem:s24+$0xFFFFFF60];
	[tilespmem:v58+s17+$0x0] =	vst.idx.msk $0xffff, v3  }
0x1fa: {  	[tilespmem:v50+s17+$0x0] =	vst.idx.msk $0xffff, v4;
	v3 =	vmul.f32 $8.000000000e+00, v61;
	v58 =	vadd.s32 v21, v47;
	v61 =	vld [tilespmem:s24+$0xFFFFFFA0]  }
0x1fb: {  	v4 =	vadd.s32 v24, v44;
	v50 =	vld [tilespmem:s24+$0xFFFFFE30];
	[tilespmem:v36+s17+$0x0] =	vst.idx.msk $0xffff, v1;
	v1 =	vmul.f32 $8.000000000e+00, v62  }
0x1fc: {  	v36 =	vld [tilespmem:s24+$0xFFFFFFF0];
	[tilespmem:v63+s17+$0x0] =	vst.idx.msk $0xffff, v3;
	v3 =	vmul.f32 $8.000000000e+00, v53;
	v62 =	vadd.s32 v28, v43  }
0x1fd: {  	v42 =	vadd.s32 v7, v39;
	v63 =	vld [tilespmem:s24+$0xFFFFFE70];
	[tilespmem:v54+s17+$0x0] =	vst.idx.msk $0xffff, v1;
	v1 =	vmul.f32 $8.000000000e+00, v55  }
0x1fe: {  	v35 =	vadd.s32 v33, v0;
	[tilespmem:v56+s17+$0x0] =	vst.idx.msk $0xffff, v3;
	v3 =	vmul.f32 $8.000000000e+00, v57;
	v51 =	vld [tilespmem:s24+$0xFFFFFEB0]  }
0x1ff: {  	v54 =	vadd.s32 v11, v48;
	v55 =	vld [tilespmem:s24+$0xFFFFFEF0];
	[tilespmem:v58+s17+$0x0] =	vst.idx.msk $0xffff, v1;
	v1 =	vmul.f32 $8.000000000e+00, v61  }
0x200: {  	v56 =	vadd.s32 v15, v45;
	[tilespmem:v4+s17+$0x0] =	vst.idx.msk $0xffff, v3;
	v4 =	vmul.f32 $8.000000000e+00, v50;
	v57 =	vld [tilespmem:s24+$0xFFFFFF30]  }
0x201: {  	v58 =	vadd.s32 v18, v46;
	v3 =	vmul.f32 $8.000000000e+00, v36;
	v61 =	vld [tilespmem:s24+$0xFFFFFF70];
	[tilespmem:v62+s17+$0x0] =	vst.idx.msk $0xffff, v1  }
0x202: {  	v1 =	vmul.f32 $8.000000000e+00, v63;
	v62 =	vadd.s32 v13, v47;
	[tilespmem:v42+s17+$0x0] =	vst.idx.msk $0xffff, v4;
	v63 =	vld [tilespmem:s24+$0xFFFFFFB0]  }
0x203: {  	v4 =	vadd.s32 v25, v44;
	[tilespmem:v35+s17+$0x0] =	vst.idx.msk $0xffff, v3;
	v42 =	vld [tilespmem:s24+$0xFFFFFE40];
	v3 =	vmul.f32 $8.000000000e+00, v51  }
0x204: {  	v53 =	vadd.s32 v29, v43;
	v35 =	vld [tilespmem:s24+$0x0];
	[tilespmem:v54+s17+$0x0] =	vst.idx.msk $0xffff, v1;
	v1 =	vmul.f32 $8.000000000e+00, v55  }
0x205: {  	v55 =	vadd.s32 v59, v39;
	v54 =	vld [tilespmem:s24+$0xFFFFFE80];
	[tilespmem:v56+s17+$0x0] =	vst.idx.msk $0xffff, v3;
	v3 =	vmul.f32 $8.000000000e+00, v57  }
0x206: {  	v0 =	vadd.s32 v30, v0;
	[tilespmem:v58+s17+$0x0] =	vst.idx.msk $0xffff, v1;
	v1 =	vmul.f32 $8.000000000e+00, v61;
	v40 =	vld [tilespmem:s24+$0xFFFFFEC0]  }
0x207: {  	v56 =	vadd.s32 v60, v48;
	v57 =	vld [tilespmem:s24+$0xFFFFFF00];
	[tilespmem:v62+s17+$0x0] =	vst.idx.msk $0xffff, v3;
	v3 =	vmul.f32 $8.000000000e+00, v63  }
0x208: {  	v58 =	vadd.s32 v16, v45;
	[tilespmem:v4+s17+$0x0] =	vst.idx.msk $0xffff, v1;
	v4 =	vmul.f32 $8.000000000e+00, v42;
	v59 =	vld [tilespmem:s24+$0xFFFFFF40]  }
0x209: {  	v60 =	vadd.s32 v19, v46;
	v1 =	vmul.f32 $8.000000000e+00, v35;
	v61 =	vld [tilespmem:s24+$0xFFFFFF80];
	[tilespmem:v53+s17+$0x0] =	vst.idx.msk $0xffff, v3  }
0x20a: {  	v62 =	vadd.s32 v22, v47;
	v3 =	vmul.f32 $8.000000000e+00, v54;
	[tilespmem:v55+s17+$0x0] =	vst.idx.msk $0xffff, v4;
	v63 =	vld [tilespmem:s24+$0xFFFFFFC0]  }
0x20b: {  	[tilespmem:v0+s17+$0x0] =	vst.idx.msk $0xffff, v1;
	v1 =	vadd.s32 v26, v44;
	v0 =	vmul.f32 $8.000000000e+00, v40  }
0x20c: {  	v4 =	vadd.s32 v17, v43;
	[tilespmem:v56+s17+$0x0] =	vst.idx.msk $0xffff, v3;
	v3 =	vmul.f32 $8.000000000e+00, v57  }
0x20d: {  	[tilespmem:v58+s17+$0x0] =	vst.idx.msk $0xffff, v0;
	v0 =	vmul.f32 $8.000000000e+00, v59  }
0x20e: {  	s22 =	sshll.u32 s22, $0x12;
	[tilespmem:v60+s17+$0x0] =	vst.idx.msk $0xffff, v3;
	v3 =	vmul.f32 $8.000000000e+00, v61  }
0x20f: {  	s22 =	sor.u32 s6, s22;
	[tilespmem:v62+s17+$0x0] =	vst.idx.msk $0xffff, v0;
	v0 =	vmul.f32 $8.000000000e+00, v63  }
0x210: {  	s22 =	sshrl.u32 s22, $0x3;
	[tilespmem:v1+s17+$0x0] =	vst.idx.msk $0xffff, v3  }
0x211: {  	s25 =	simm.s32 $0xC680;
	s24 =	sadd.s32 s2, s22;
	[tilespmem:v4+s17+$0x0] =	vst.idx.msk $0xffff, v0  }
0x212: {  	[hbm4b:s24+s3] =	stream.linear.scatter [tilespmem:s25], [sflag:$0x4], $0x40, $0x38;
	[tilespmem:$0xE880] =	vst v63  }
0x213: {  	s26 =	simm.s32 $0xC708;
	s29 =	sadd.s32 $0x10, s24  }
0x214: {  	[hbm4b:s29+s3] =	stream.linear.scatter [tilespmem:s26], [sflag:$0x4], $0x40, $0x38;
	[tilespmem:$0xE880] =	vst v63  }
0x215: {  	s30 =	simm.s32 $0xC790;
	s23 =	simm.s32 $0x440;
	s31 =	sadd.s32 $0x20, s24  }
0x216: {  	[hbm4b:s31+s3] =	stream.linear.scatter [tilespmem:s30], [sflag:$0x4], $0x40, $0x38;
	[tilespmem:$0xE880] =	vst v63  }
0x217: {  	s28 =	sadd.s32 $0x70, s24;
	s26 =	simm.s32 $0xC818;
	s29 =	sadd.s32 $0x30, s24  }
0x218: {  	[hbm4b:s29+s3] =	stream.linear.scatter [tilespmem:s26], [sflag:$0x4], $0x40, $0x38;
	[tilespmem:$0xE880] =	vst v63  }
0x219: {  	s25 =	simm.s32 $0x2200;
	s30 =	simm.s32 $0xC8A0;
	s31 =	sadd.s32 $0x40, s24  }
0x21a: {  	[hbm4b:s31+s3] =	stream.linear.scatter [tilespmem:s30], [sflag:$0x4], $0x40, $0x38;
	[tilespmem:$0xE880] =	vst v63  }
0x21b: {  	s26 =	simm.s32 $0xC928;
	s29 =	sadd.s32 $0x50, s24;
	s30 =	simm.s32 $0xC9B0  }
0x21c: {  	[hbm4b:s29+s3] =	stream.linear.scatter [tilespmem:s26], [sflag:$0x4], $0x40, $0x38;
	[tilespmem:$0xE880] =	vst v63  }
0x21d: {  	s31 =	sadd.s32 $0x60, s24;
	s24 =	sadd.s32 $0x1000, s24;
	s26 =	simm.s32 $0xCA38  }
0x21e: {  	v13 =	vmov v52;
	v17 =	vmov v12;
	[hbm4b:s31+s3] =	stream.linear.scatter [tilespmem:s30], [sflag:$0x4], $0x40, $0x38;
	[tilespmem:$0xE880] =	vst v63  }
.LBB2_13:
0x21f: {  	[hbm4b:s28+s3] =	stream.linear.scatter [tilespmem:s26], [sflag:$0x4], $0x40, $0x38;
	[tilespmem:$0xE880] =	vst v63  }
0x220: {  	s26 =	smov.u32 s23;
	s23 =	smov.u32 s25  }
0x221: {  	s29 =	sadd.s32 $0x1100, s25;
	s23 =	sshra.s32 s23, $0x2;
	s28 =	sadd.s32 $0xC680, s26  }
0x222: {  	[hbm4b:s24+s3] =	stream.linear.scatter [tilespmem:s28], [sflag:$0x4], $0x40, $0x38;
	[tilespmem:$0xE880] =	vst v63  }
0x223: {  	p0 =	sne.s32 s25, $0x7700;
	s25 =	sadd.s32 $0xC708, s26;
	s28 =	sadd.s32 $0x10, s24  }
0x224: {  	[hbm4b:s28+s3] =	stream.linear.scatter [tilespmem:s25], [sflag:$0x4], $0x40, $0x38;
	[tilespmem:$0xE880] =	vst v63  }
0x225: {  	s25 =	sadd.s32 $0xC790, s26;
	s28 =	sadd.s32 $0x20, s24  }
0x226: {  	[hbm4b:s28+s3] =	stream.linear.scatter [tilespmem:s25], [sflag:$0x4], $0x40, $0x38;
	[tilespmem:$0xE880] =	vst v63  }
0x227: {  	s25 =	sadd.s32 $0xC818, s26;
	s28 =	sadd.s32 $0x30, s24  }
0x228: {  	[hbm4b:s28+s3] =	stream.linear.scatter [tilespmem:s25], [sflag:$0x4], $0x40, $0x38;
	[tilespmem:$0xE880] =	vst v63  }
0x229: {  	s25 =	sadd.s32 $0xC8A0, s26;
	s28 =	sadd.s32 $0x40, s24  }
0x22a: {  	[hbm4b:s28+s3] =	stream.linear.scatter [tilespmem:s25], [sflag:$0x4], $0x40, $0x38;
	[tilespmem:$0xE880] =	vst v63  }
.Ltmp5:
0x22b: {  	s25 =	sadd.s32 $0xC928, s26;
	s28 =	sadd.s32 $0x50, s24;
	(pc) =	sbr.rel @p0 .LBB2_13-.Ltmp5, $4  }
0x22c: {  	[hbm4b:s28+s3] =	stream.linear.scatter [tilespmem:s25], [sflag:$0x4], $0x40, $0x38;
	[tilespmem:$0xE880] =	vst v63  }
0x22d: {  	s25 =	sadd.s32 $0xC9B0, s26;
	s28 =	sadd.s32 $0x60, s24;
	s26 =	sadd.s32 $0xCA38, s26  }
0x22e: {  	[hbm4b:s28+s3] =	stream.linear.scatter [tilespmem:s25], [sflag:$0x4], $0x40, $0x38;
	[tilespmem:$0xE880] =	vst v63  }
0x22f: {  	s28 =	sadd.s32 $0x70, s24;
	s24 =	sadd.s32 $0x1000, s24;
	s25 =	smov.u32 s29  }
0x230: {  	[hbm4b:s28+s3] =	stream.linear.scatter [tilespmem:s26], [sflag:$0x4], $0x40, $0x38;
	[tilespmem:$0xE880] =	vst v63  }
0x231: {  	s25 =	sadd.s32 $0xC680, s23  }
0x232: {  	[hbm4b:s24+s3] =	stream.linear.scatter [tilespmem:s25], [sflag:$0x4], $0x40, $0x38;
	[tilespmem:$0xE880] =	vst v63  }
0x233: {  	s28 =	sadd.s32 $0xC708, s23;
	s29 =	sadd.s32 $0x10, s24  }
0x234: {  	[hbm4b:s29+s3] =	stream.linear.scatter [tilespmem:s28], [sflag:$0x4], $0x40, $0x38;
	[tilespmem:$0xE880] =	vst v63  }
0x235: {  	s30 =	sadd.s32 $0xC790, s23;
	s31 =	sadd.s32 $0x20, s24  }
0x236: {  	[hbm4b:s31+s3] =	stream.linear.scatter [tilespmem:s30], [sflag:$0x4], $0x40, $0x38;
	[tilespmem:$0xE880] =	vst v63  }
0x237: {  	s28 =	sadd.s32 $0xC818, s23;
	s29 =	sadd.s32 $0x30, s24  }
0x238: {  	[hbm4b:s29+s3] =	stream.linear.scatter [tilespmem:s28], [sflag:$0x4], $0x40, $0x38;
	[tilespmem:$0xE880] =	vst v63  }
0x239: {  	s30 =	sadd.s32 $0xC8A0, s23;
	s31 =	sadd.s32 $0x40, s24  }
0x23a: {  	[hbm4b:s31+s3] =	stream.linear.scatter [tilespmem:s30], [sflag:$0x4], $0x40, $0x38;
	[tilespmem:$0xE880] =	vst v63  }
0x23b: {  	s28 =	sadd.s32 $0xC928, s23;
	s29 =	sadd.s32 $0x50, s24  }
0x23c: {  	[hbm4b:s29+s3] =	stream.linear.scatter [tilespmem:s28], [sflag:$0x4], $0x40, $0x38;
	[tilespmem:$0xE880] =	vst v63  }
0x23d: {  	s30 =	sadd.s32 $0xC9B0, s23;
	s29 =	simm.s32 $0x41  }
0x23e: {  	s31 =	sadd.s32 $0x60, s24;
	s28 =	simm.s32 $0x40;
	v1 =	vmov s29;
	s29 =	simm.s32 $0x44  }
0x23f: {  	v0 =	vmov s28;
	[hbm4b:s31+s3] =	stream.linear.scatter [tilespmem:s30], [sflag:$0x4], $0x40, $0x38;
	[tilespmem:$0xE880] =	vst v63  }
0x240: {  	s28 =	simm.s32 $0x47;
	s30 =	simm.s32 $0x42;
	s31 =	simm.s32 $0x43;
	v34 =	vmov s29;
	v0 =	vshrl.u32 v0, $0x3;
	v1 =	vshrl.u32 v1, $0x3  }
0x241: {  	v37 =	vmov s28;
	v3 =	vmov s30;
	v4 =	vmov s31  }
0x242: {  	s30 =	simm.s32 $0x45;
	s31 =	simm.s32 $0x46;
	v0 =	vshll.u32 v0, v2;
	v37 =	vshrl.u32 v37, $0x3;
	v34 =	vshrl.u32 v34, $0x3  }
0x243: {  	s29 =	sadd.s32 $0xCA38, s23;
	s23 =	simm.s32 $0x9670;
	v1 =	vshll.u32 v1, v2;
	v35 =	vmov s30;
	v36 =	vmov s31;
	s30 =	sadd.s32 $0x70, s24  }
0x244: {  	v3 =	vshrl.u32 v3, $0x3;
	v4 =	vshrl.u32 v4, $0x3;
	v37 =	vshll.u32 v37, v2;
	[hbm4b:s30+s3] =	stream.linear.scatter [tilespmem:s29], [sflag:$0x4], $0x40, $0x38;
	[tilespmem:$0xE880] =	vst v63  }
0x245: {  	v40 =	vbroadcast v0, $0x0;
	v34 =	vshll.u32 v34, v2;
	v42 =	vbroadcast v37, $0x0;
	v0 =	vld [tilespmem:s23+$0xFFFFFFD0]  }
0x246: {  	v12 =	vbroadcast v1, $0x0;
	v35 =	vshrl.u32 v35, $0x3;
	v36 =	vshrl.u32 v36, $0x3;
	v39 =	vld [tilespmem:s23+$0xFFFFFE10]  }
0x247: {  	v3 =	vshll.u32 v3, v2;
	v4 =	vshll.u32 v4, v2;
	v43 =	vld [tilespmem:s23+$0xFFFFFE50];
	v1 =	vadd.s32 v31, v42  }
0x248: {  	v35 =	vshll.u32 v35, v2;
	v44 =	vadd.s32 v5, v40;
	v45 =	vld [tilespmem:s23+$0xFFFFFE90];
	v38 =	vbroadcast v3, $0x0  }
0x249: {  	v3 =	vshll.u32 v36, v2;
	v46 =	vadd.s32 v9, v12;
	v47 =	vld [tilespmem:s23+$0xFFFFFED0];
	v37 =	vbroadcast v4, $0x0  }
0x24a: {  	v48 =	vld [tilespmem:s23+$0xFFFFFF10];
	v36 =	vbroadcast v34, $0x0;
	v4 =	vadd.s32 v13, v38;
	v0 =	vmul.f32 $8.000000000e+00, v0  }
0x24b: {  	v50 =	vld [tilespmem:s23+$0xFFFFFF50];
	v34 =	vbroadcast v35, $0x0;
	v49 =	vadd.s32 v17, v37;
	v39 =	vmul.f32 $8.000000000e+00, v39  }
0x24c: {  	v52 =	vld [tilespmem:s23+$0xFFFFFF90];
	v35 =	vbroadcast v3, $0x0;
	v51 =	vadd.s32 v20, v36;
	v43 =	vmul.f32 $8.000000000e+00, v43;
	[tilespmem:v1+s17+$0x0] =	vst.idx.msk $0xffff, v0  }
0x24d: {  	v3 =	vadd.s32 v23, v34;
	[tilespmem:v44+s17+$0x0] =	vst.idx.msk $0xffff, v39;
	v1 =	vmul.f32 $8.000000000e+00, v45;
	v60 =	vld [tilespmem:s23+$0xFFFFFFE0]  }
0x24e: {  	v61 =	vmul.f32 $8.000000000e+00, v47;
	[tilespmem:v46+s17+$0x0] =	vst.idx.msk $0xffff, v43;
	v45 =	vadd.s32 v27, v35;
	v44 =	vld [tilespmem:s23+$0xFFFFFE20]  }
0x24f: {  	v47 =	vld [tilespmem:s23+$0xFFFFFE60];
	[tilespmem:v4+s17+$0x0] =	vst.idx.msk $0xffff, v1;
	v1 =	vmul.f32 $8.000000000e+00, v48;
	v4 =	vadd.s32 v32, v42  }
0x250: {  	v53 =	vadd.s32 v6, v40;
	v62 =	vmul.f32 $8.000000000e+00, v50;
	[tilespmem:v49+s17+$0x0] =	vst.idx.msk $0xffff, v61;
	v54 =	vld [tilespmem:s23+$0xFFFFFEA0]  }
0x251: {  	v63 =	vadd.s32 v10, v12;
	v55 =	vld [tilespmem:s23+$0xFFFFFEE0];
	[tilespmem:v51+s17+$0x0] =	vst.idx.msk $0xffff, v1;
	v1 =	vmul.f32 $8.000000000e+00, v52  }
0x252: {  	[tilespmem:v3+s17+$0x0] =	vst.idx.msk $0xffff, v62;
	v52 =	vadd.s32 v14, v38;
	v56 =	vld [tilespmem:s23+$0xFFFFFF20];
	v3 =	vmul.f32 $8.000000000e+00, v60  }
0x253: {  	v61 =	vadd.s32 v8, v37;
	v57 =	vld [tilespmem:s23+$0xFFFFFF60];
	v60 =	vmul.f32 $8.000000000e+00, v44;
	[tilespmem:v45+s17+$0x0] =	vst.idx.msk $0xffff, v1  }
0x254: {  	v62 =	vmul.f32 $8.000000000e+00, v47;
	v47 =	vadd.s32 v21, v36;
	v58 =	vld [tilespmem:s23+$0xFFFFFFA0];
	[tilespmem:v4+s17+$0x0] =	vst.idx.msk $0xffff, v3  }
0x255: {  	s26 =	simm.s32 $0x4A;
	[tilespmem:v53+s17+$0x0] =	vst.idx.msk $0xffff, v60;
	v3 =	vmul.f32 $8.000000000e+00, v54;
	v4 =	vadd.s32 v24, v34;
	v43 =	vld [tilespmem:s23+$0xFFFFFFF0]  }
0x256: {  	v50 =	vadd.s32 v28, v35;
	v48 =	vmov s26;
	[tilespmem:v63+s17+$0x0] =	vst.idx.msk $0xffff, v62;
	v63 =	vmul.f32 $8.000000000e+00, v55;
	v53 =	vld [tilespmem:s23+$0xFFFFFE30]  }
0x257: {  	s31 =	simm.s32 $0x48;
	v54 =	vshrl.u32 v48, $0x3;
	v48 =	vld [tilespmem:s23+$0xFFFFFE70];
	[tilespmem:v52+s17+$0x0] =	vst.idx.msk $0xffff, v3;
	v3 =	vmul.f32 $8.000000000e+00, v56;
	v52 =	vadd.s32 v33, v42  }
0x258: {  	v0 =	vmov s31;
	v41 =	vmul.f32 $8.000000000e+00, v57;
	v55 =	vadd.s32 v7, v40;
	[tilespmem:v61+s17+$0x0] =	vst.idx.msk $0xffff, v63;
	v56 =	vld [tilespmem:s23+$0xFFFFFEB0]  }
0x259: {  	s31 =	simm.s32 $0x4E;
	v0 =	vshrl.u32 v0, $0x3;
	v61 =	vld [tilespmem:s23+$0xFFFFFEF0];
	[tilespmem:v47+s17+$0x0] =	vst.idx.msk $0xffff, v3;
	v3 =	vmul.f32 $8.000000000e+00, v58  }
0x25a: {  	v1 =	vmov s31;
	v60 =	vadd.s32 v11, v12;
	v62 =	vld [tilespmem:s23+$0xFFFFFF30];
	[tilespmem:v4+s17+$0x0] =	vst.idx.msk $0xffff, v41;
	v4 =	vmul.f32 $8.000000000e+00, v43  }
0x25b: {  	s30 =	simm.s32 $0x4D;
	v47 =	vadd.s32 v15, v38;
	v43 =	vshrl.u32 v1, $0x3;
	v1 =	vmul.f32 $8.000000000e+00, v53;
	v63 =	vld [tilespmem:s23+$0xFFFFFF70];
	[tilespmem:v50+s17+$0x0] =	vst.idx.msk $0xffff, v3  }
0x25c: {  	v39 =	vmov s30;
	v0 =	vshll.u32 v0, v2;
	v44 =	vadd.s32 v18, v37;
	v13 =	vld [tilespmem:$0x1FF70];
	[tilespmem:v52+s17+$0x0] =	vst.idx.msk $0xffff, v4  }
0x25d: {  	v58 =	vshrl.u32 v39, $0x3;
	v39 =	vbroadcast v0, $0x0;
	v0 =	vmul.f32 $8.000000000e+00, v48;
	v41 =	vld [tilespmem:s23+$0xFFFFFFB0];
	[tilespmem:v55+s17+$0x0] =	vst.idx.msk $0xffff, v1  }
0x25e: {  	v1 =	vmul.f32 $8.000000000e+00, v56;
	v25 =	vld [tilespmem:$0x1FF90]  }
0x25f: {  	v57 =	vld [tilespmem:s23+$0x0];
	[tilespmem:v60+s17+$0x0] =	vst.idx.msk $0xffff, v0  }
0x260: {  	v0 =	vmul.f32 $8.000000000e+00, v61;
	v29 =	vld [tilespmem:$0x1FFB0];
	[tilespmem:v47+s17+$0x0] =	vst.idx.msk $0xffff, v1  }
0x261: {  	v30 =	vld [tilespmem:$0x1FFD0]  }
0x262: {  	s29 =	simm.s32 $0x4C;
	v4 =	vld [tilespmem:$0x1FF10];
	[tilespmem:v44+s17+$0x0] =	vst.idx.msk $0xffff, v0;
	v3 =	vadd.s32 v13, v36  }
0x263: {  	v51 =	vmov s29;
	v0 =	vld [tilespmem:$0x1FF20]  }
0x264: {  	v59 =	vshrl.u32 v51, $0x3;
	v51 =	vld [tilespmem:s23+$0xFFFFFE40]  }
0x265: {  	v53 =	vld [tilespmem:s23+$0xFFFFFE80];
	v1 =	vmul.f32 $8.000000000e+00, v62  }
0x266: {  	s25 =	simm.s32 $0x49;
	s28 =	simm.s32 $0x4B;
	v50 =	vld [tilespmem:s23+$0xFFFFFEC0]  }
0x267: {  	v46 =	vmov s25;
	v49 =	vmov s28;
	v55 =	vld [tilespmem:s23+$0xFFFFFF00];
	[tilespmem:v3+s17+$0x0] =	vst.idx.msk $0xffff, v1  }
0x268: {  	v45 =	vshll.u32 v54, v2;
	v54 =	vadd.s32 v30, v42;
	v42 =	vadd.s32 v0, v12;
	v12 =	vld [tilespmem:$0x1FF50]  }
0x269: {  	v46 =	vshrl.u32 v46, $0x3;
	v49 =	vshrl.u32 v49, $0x3;
	v16 =	vld [tilespmem:$0x1FF60]  }
0x26a: {  	v48 =	vshll.u32 v46, v2;
	v46 =	vshll.u32 v49, v2;
	v47 =	vshll.u32 v59, v2;
	v19 =	vld [tilespmem:$0x1FF80]  }
0x26b: {  	v44 =	vshll.u32 v58, v2;
	v41 =	vmul.f32 $8.000000000e+00, v41;
	v56 =	vadd.s32 v25, v34;
	v22 =	vld [tilespmem:$0x1FFA0]  }
0x26c: {  	s24 =	simm.s32 $0x50;
	s25 =	simm.s32 $0x4F;
	v52 =	vadd.s32 v29, v35;
	v49 =	vadd.s32 v4, v40;
	v40 =	vmul.f32 $8.000000000e+00, v63;
	v26 =	vld [tilespmem:$0x1FFC0]  }
.LBB2_15:
0x26d: {  	_ =	sdelay $0x2  }
0x26e: {  	v0 =	vmov s25;
	v3 =	vld [tilespmem:s23+$0xFFFFFF40];
	[tilespmem:v56+s17+$0x0] =	vst.idx.msk $0xffff, v40  }
0x26f: {  	v1 =	vadd.s32 v12, v38;
	v37 =	vadd.s32 v16, v37;
	[tilespmem:v52+s17+$0x0] =	vst.idx.msk $0xffff, v41;
	v58 =	vld [tilespmem:s23+$0xFFFFFF80];
	v4 =	vmul.f32 $8.000000000e+00, v57  }
0x270: {  	v36 =	vadd.s32 v19, v36;
	v0 =	vshrl.u32 v0, $0x3;
	v52 =	vld [tilespmem:s23+$0xFFFFFFC0];
	v57 =	vmul.f32 $8.000000000e+00, v51  }
0x271: {  	v0 =	vshll.u32 v0, v2;
	s23 =	sadd.s32 $0x200, s23;
	v59 =	vmul.f32 $8.000000000e+00, v53;
	v60 =	vmul.f32 $8.000000000e+00, v55;
	v55 =	vld [tilespmem:$0x1FFF0];
	[tilespmem:v54+s17+$0x0] =	vst.idx.msk $0xffff, v4  }
0x272: {  	v34 =	vadd.s32 v22, v34;
	v41 =	vbroadcast v0, $0x0;
	v0 =	vmul.f32 $8.000000000e+00, v50;
	[tilespmem:v49+s17+$0x0] =	vst.idx.msk $0xffff, v57;
	v4 =	vld [tilespmem:s23+$0xFFFFFFD0]  }
0x273: {  	v35 =	vadd.s32 v26, v35;
	[tilespmem:v42+s17+$0x0] =	vst.idx.msk $0xffff, v59;
	v49 =	vld [tilespmem:s23+$0xFFFFFE10]  }
0x274: {  	v40 =	vmovc v39;
	v61 =	vadd.s32 v31, v41;
	v42 =	vbroadcast v48, $0x0;
	[tilespmem:v1+s17+$0x0] =	vst.idx.msk $0xffff, v0;
	v0 =	vmul.f32 $8.000000000e+00, v3;
	v51 =	vld [tilespmem:s23+$0xFFFFFE50]  }
0x275: {  	v1 =	vadd.s32 v5, v40;
	[tilespmem:v37+s17+$0x0] =	vst.idx.msk $0xffff, v60;
	v3 =	vld [tilespmem:s23+$0xFFFFFE90];
	v39 =	vmul.f32 $8.000000000e+00, v58  }
0x276: {  	v38 =	vbroadcast v45, $0x0;
	v50 =	vld [tilespmem:s23+$0xFFFFFED0];
	v45 =	vadd.s32 v9, v42;
	[tilespmem:v36+s17+$0x0] =	vst.idx.msk $0xffff, v0;
	v0 =	vmul.f32 $8.000000000e+00, v52  }
0x277: {  	v43 =	vshll.u32 v43, v2;
	v37 =	vbroadcast v46, $0x0;
	v56 =	vld [tilespmem:s23+$0xFFFFFF10];
	[tilespmem:v34+s17+$0x0] =	vst.idx.msk $0xffff, v39;
	v4 =	vmul.f32 $8.000000000e+00, v4  }
0x278: {  	v36 =	vbroadcast v47, $0x0;
	v46 =	vadd.s32 v55, v38;
	v57 =	vld [tilespmem:s23+$0xFFFFFF50];
	[tilespmem:v35+s17+$0x0] =	vst.idx.msk $0xffff, v0;
	v62 =	vmul.f32 $8.000000000e+00, v49  }
0x279: {  	v63 =	vadd.s32 v17, v37;
	v34 =	vbroadcast v44, $0x0;
	v59 =	vld [tilespmem:s23+$0xFFFFFF90];
	v0 =	vmul.f32 $8.000000000e+00, v51;
	[tilespmem:v61+s17+$0x0] =	vst.idx.msk $0xffff, v4  }
0x27a: {  	v58 =	vadd.s32 v20, v36;
	v35 =	vbroadcast v43, $0x0;
	[tilespmem:v1+s17+$0x0] =	vst.idx.msk $0xffff, v62;
	v60 =	vld [tilespmem:s23+$0xFFFFFFE0]  }
0x27b: {  	v1 =	vmul.f32 $8.000000000e+00, v3;
	v3 =	vadd.s32 v23, v34;
	[tilespmem:v45+s17+$0x0] =	vst.idx.msk $0xffff, v0;
	v61 =	vld [tilespmem:s23+$0xFFFFFE20]  }
0x27c: {  	v0 =	vmul.f32 $8.000000000e+00, v50;
	v45 =	vadd.s32 v27, v35;
	v62 =	vld [tilespmem:s23+$0xFFFFFE60]  }
0x27d: {  	[tilespmem:v46+s17+$0x0] =	vst.idx.msk $0xffff, v1;
	v1 =	vmul.f32 $8.000000000e+00, v56;
	v46 =	vadd.s32 v32, v41  }
0x27e: {  	v49 =	vadd.s32 v10, v42;
	[tilespmem:v63+s17+$0x0] =	vst.idx.msk $0xffff, v0;
	v0 =	vmul.f32 $8.000000000e+00, v57;
	v54 =	vld [tilespmem:s23+$0xFFFFFEA0]  }
0x27f: {  	v53 =	vadd.s32 v6, v40;
	v55 =	vld [tilespmem:s23+$0xFFFFFEE0];
	[tilespmem:v58+s17+$0x0] =	vst.idx.msk $0xffff, v1;
	v1 =	vmul.f32 $8.000000000e+00, v59  }
0x280: {  	v51 =	vadd.s32 v14, v38;
	v4 =	vmov s24;
	v56 =	vld [tilespmem:s23+$0xFFFFFF20];
	[tilespmem:v3+s17+$0x0] =	vst.idx.msk $0xffff, v0;
	v0 =	vmul.f32 $8.000000000e+00, v60  }
0x281: {  	v63 =	vmul.f32 $8.000000000e+00, v61;
	v60 =	vadd.s32 v8, v37;
	v61 =	vld [tilespmem:s23+$0xFFFFFF60];
	[tilespmem:v45+s17+$0x0] =	vst.idx.msk $0xffff, v1;
	v62 =	vmul.f32 $8.000000000e+00, v62  }
0x282: {  	v50 =	vadd.s32 v21, v36;
	v4 =	vshrl.u32 v4, $0x3;
	v58 =	vld [tilespmem:s23+$0xFFFFFFA0];
	[tilespmem:v46+s17+$0x0] =	vst.idx.msk $0xffff, v0  }
0x283: {  	s31 =	sadd.s32 $0x1, s24;
	v39 =	vadd.s32 v24, v34;
	v0 =	vshll.u32 v4, v2;
	v4 =	vmul.f32 $8.000000000e+00, v54;
	[tilespmem:v49+s17+$0x0] =	vst.idx.msk $0xffff, v62;
	v46 =	vld [tilespmem:s23+$0xFFFFFFF0]  }
0x284: {  	s26 =	sadd.s32 $0x2, s24;
	v48 =	vmov s31;
	[tilespmem:v53+s17+$0x0] =	vst.idx.msk $0xffff, v63;
	v63 =	vmul.f32 $8.000000000e+00, v55;
	v49 =	vadd.s32 v28, v35;
	v54 =	vld [tilespmem:s23+$0xFFFFFE70]  }
0x285: {  	s28 =	sadd.s32 $0x3, s24;
	v48 =	vshrl.u32 v48, $0x3;
	v52 =	vmov s26;
	v53 =	vld [tilespmem:s23+$0xFFFFFE30];
	[tilespmem:v51+s17+$0x0] =	vst.idx.msk $0xffff, v4;
	v4 =	vmul.f32 $8.000000000e+00, v56  }
0x286: {  	v47 =	vmov s28;
	v59 =	vadd.s32 v11, v42;
	v56 =	vld [tilespmem:s23+$0xFFFFFEB0];
	[tilespmem:v60+s17+$0x0] =	vst.idx.msk $0xffff, v63;
	v43 =	vmul.f32 $8.000000000e+00, v61  }
0x287: {  	s29 =	sadd.s32 $0x4, s24;
	v48 =	vshll.u32 v48, v2;
	v51 =	vadd.s32 v33, v41;
	v60 =	vld [tilespmem:s23+$0xFFFFFEF0];
	[tilespmem:v50+s17+$0x0] =	vst.idx.msk $0xffff, v4;
	v4 =	vmul.f32 $8.000000000e+00, v58  }
0x288: {  	v44 =	vmov s29;
	v52 =	vshrl.u32 v52, $0x3;
	v55 =	vadd.s32 v7, v40;
	v58 =	vld [tilespmem:s23+$0xFFFFFF30];
	[tilespmem:v39+s17+$0x0] =	vst.idx.msk $0xffff, v43  }
0x289: {  	s31 =	sadd.s32 $0x6, s24;
	v47 =	vshrl.u32 v47, $0x3;
	v39 =	vbroadcast v0, $0x0;
	v62 =	vld [tilespmem:s23+$0xFFFFFF70];
	[tilespmem:v49+s17+$0x0] =	vst.idx.msk $0xffff, v4;
	v0 =	vmul.f32 $8.000000000e+00, v54  }
0x28a: {  	v1 =	vmov s31;
	v50 =	vadd.s32 v15, v38;
	v57 =	vmul.f32 $8.000000000e+00, v46;
	v63 =	vld [tilespmem:s23+$0xFFFFFFB0]  }
0x28b: {  	s30 =	sadd.s32 $0x5, s24;
	v61 =	vadd.s32 v18, v37;
	v43 =	vshrl.u32 v1, $0x3;
	v1 =	vmul.f32 $8.000000000e+00, v53;
	[tilespmem:v59+s17+$0x0] =	vst.idx.msk $0xffff, v0;
	v59 =	vld [tilespmem:$0x1FF10]  }
0x28c: {  	p0 =	slt.u32 s24, $0x78;
	v3 =	vmov s30;
	v4 =	vadd.s32 v13, v36;
	[tilespmem:v51+s17+$0x0] =	vst.idx.msk $0xffff, v57;
	v0 =	vmul.f32 $8.000000000e+00, v60;
	v60 =	vld [tilespmem:$0x1FF20]  }
.Ltmp6:
0x28d: {  	v44 =	vshrl.u32 v44, $0x3;
	v3 =	vshrl.u32 v3, $0x3;
	[tilespmem:v55+s17+$0x0] =	vst.idx.msk $0xffff, v1;
	v1 =	vmul.f32 $8.000000000e+00, v56;
	v57 =	vld [tilespmem:s23+$0x0];
	(pc) =	sbr.rel @p0 .LBB2_15-.Ltmp6, $4  }
0x28e: {  	v45 =	vshll.u32 v52, v2;
	v52 =	vadd.s32 v29, v35;
	v46 =	vshll.u32 v47, v2;
	v51 =	vld [tilespmem:s23+$0xFFFFFE40]  }
0x28f: {  	v54 =	vadd.s32 v30, v41;
	v47 =	vshll.u32 v44, v2;
	v53 =	vld [tilespmem:s23+$0xFFFFFE80];
	[tilespmem:v50+s17+$0x0] =	vst.idx.msk $0xffff, v1;
	v1 =	vmul.f32 $8.000000000e+00, v58  }
0x290: {  	v44 =	vshll.u32 v3, v2;
	v56 =	vadd.s32 v25, v34;
	v50 =	vld [tilespmem:s23+$0xFFFFFEC0];
	[tilespmem:v61+s17+$0x0] =	vst.idx.msk $0xffff, v0;
	v41 =	vmul.f32 $8.000000000e+00, v63  }
0x291: {  	s25 =	sadd.s32 $0x7, s24;
	s24 =	sadd.s32 $0x8, s24;
	v55 =	vld [tilespmem:s23+$0xFFFFFF00];
	[tilespmem:v4+s17+$0x0] =	vst.idx.msk $0xffff, v1;
	v49 =	vadd.s32 v59, v40;
	v40 =	vmul.f32 $8.000000000e+00, v62;
	v42 =	vadd.s32 v60, v42  }
0x292: {  	_ =	sdelay $0x3  }
0x293: {  	v1 =	vadd.s32 v12, v38;
	v3 =	vld [tilespmem:s23+$0xFFFFFF40];
	v4 =	vmul.f32 $8.000000000e+00, v57;
	[tilespmem:v52+s17+$0x0] =	vst.idx.msk $0xffff, v41  }
0x294: {  	v37 =	vadd.s32 v16, v37;
	[tilespmem:v56+s17+$0x0] =	vst.idx.msk $0xffff, v40;
	v61 =	vmul.f32 $8.000000000e+00, v51  }
0x295: {  	v36 =	vadd.s32 v19, v36;
	v62 =	vmul.f32 $8.000000000e+00, v53;
	[tilespmem:v54+s17+$0x0] =	vst.idx.msk $0xffff, v4  }
0x296: {  	[tilespmem:v49+s17+$0x0] =	vst.idx.msk $0xffff, v61;
	v63 =	vmul.f32 $8.000000000e+00, v50  }
0x297: {  	[tilespmem:v42+s17+$0x0] =	vst.idx.msk $0xffff, v62;
	v58 =	vmul.f32 $8.000000000e+00, v55  }
0x298: {  	v0 =	vmov s25;
	v51 =	vld [tilespmem:s23+$0xFFFFFFC0];
	[tilespmem:v1+s17+$0x0] =	vst.idx.msk $0xffff, v63;
	v1 =	vmul.f32 $8.000000000e+00, v3  }
0x299: {  	s24 =	sadd.s32 $0x200, s23;
	v0 =	vshrl.u32 v0, $0x3;
	v40 =	vld [tilespmem:s23+$0xFFFFFF80];
	[tilespmem:v37+s17+$0x0] =	vst.idx.msk $0xffff, v58  }
0x29a: {  	v0 =	vshll.u32 v0, v2;
	v4 =	vld [tilespmem:s24+$0xFFFFFFD0];
	[tilespmem:v36+s17+$0x0] =	vst.idx.msk $0xffff, v1  }
0x29b: {  	v34 =	vadd.s32 v22, v34;
	v0 =	vbroadcast v0, $0x0;
	v12 =	vld [tilespmem:$0x1FFF0]  }
0x29c: {  	v35 =	vadd.s32 v26, v35;
	v49 =	vld [tilespmem:s24+$0xFFFFFE10]  }
0x29d: {  	v43 =	vshll.u32 v43, v2;
	v48 =	vbroadcast v48, $0x0;
	v61 =	vld [tilespmem:s24+$0xFFFFFE50];
	v50 =	vadd.s32 v31, v0  }
0x29e: {  	v45 =	vbroadcast v45, $0x0;
	v62 =	vld [tilespmem:s24+$0xFFFFFE90];
	v3 =	vadd.s32 v5, v39;
	v63 =	vmul.f32 $8.000000000e+00, v40  }
0x29f: {  	v46 =	vbroadcast v46, $0x0;
	v41 =	vld [tilespmem:s24+$0xFFFFFED0];
	v40 =	vadd.s32 v9, v48;
	v1 =	vmul.f32 $8.000000000e+00, v51  }
0x2a0: {  	v47 =	vbroadcast v47, $0x0;
	v58 =	vld [tilespmem:s24+$0xFFFFFF10];
	v4 =	vmul.f32 $8.000000000e+00, v4;
	[tilespmem:v34+s17+$0x0] =	vst.idx.msk $0xffff, v63;
	v56 =	vadd.s32 v12, v45  }
0x2a1: {  	v44 =	vbroadcast v44, $0x0;
	v55 =	vld [tilespmem:s24+$0xFFFFFF50];
	v37 =	vadd.s32 v17, v46;
	v63 =	vmul.f32 $8.000000000e+00, v49;
	[tilespmem:v35+s17+$0x0] =	vst.idx.msk $0xffff, v1  }
0x2a2: {  	v43 =	vbroadcast v43, $0x0;
	v1 =	vmul.f32 $8.000000000e+00, v61;
	v35 =	vadd.s32 v20, v47;
	v61 =	vld [tilespmem:s24+$0xFFFFFF90];
	[tilespmem:v50+s17+$0x0] =	vst.idx.msk $0xffff, v4  }
0x2a3: {  	v4 =	vadd.s32 v23, v44;
	[tilespmem:v3+s17+$0x0] =	vst.idx.msk $0xffff, v63;
	v3 =	vmul.f32 $8.000000000e+00, v62;
	v62 =	vld [tilespmem:s24+$0xFFFFFFE0]  }
0x2a4: {  	v63 =	vld [tilespmem:s24+$0xFFFFFE20];
	[tilespmem:v40+s17+$0x0] =	vst.idx.msk $0xffff, v1;
	v1 =	vmul.f32 $8.000000000e+00, v41;
	v40 =	vadd.s32 v27, v43  }
0x2a5: {  	v36 =	vadd.s32 v32, v0;
	v41 =	vld [tilespmem:s24+$0xFFFFFE60];
	[tilespmem:v56+s17+$0x0] =	vst.idx.msk $0xffff, v3;
	v3 =	vmul.f32 $8.000000000e+00, v58  }
0x2a6: {  	v50 =	vadd.s32 v6, v39;
	[tilespmem:v37+s17+$0x0] =	vst.idx.msk $0xffff, v1;
	v1 =	vmul.f32 $8.000000000e+00, v55;
	v51 =	vld [tilespmem:s24+$0xFFFFFEA0]  }
0x2a7: {  	v55 =	vadd.s32 v10, v48;
	v56 =	vld [tilespmem:s24+$0xFFFFFEE0];
	[tilespmem:v35+s17+$0x0] =	vst.idx.msk $0xffff, v3;
	v3 =	vmul.f32 $8.000000000e+00, v61  }
0x2a8: {  	[tilespmem:v4+s17+$0x0] =	vst.idx.msk $0xffff, v1;
	v1 =	vmul.f32 $8.000000000e+00, v62;
	v35 =	vadd.s32 v14, v45;
	v42 =	vld [tilespmem:s24+$0xFFFFFF20]  }
0x2a9: {  	v62 =	vadd.s32 v8, v46;
	v4 =	vmul.f32 $8.000000000e+00, v63;
	v63 =	vld [tilespmem:s24+$0xFFFFFF60];
	[tilespmem:v40+s17+$0x0] =	vst.idx.msk $0xffff, v3  }
0x2aa: {  	[tilespmem:v36+s17+$0x0] =	vst.idx.msk $0xffff, v1;
	v3 =	vmul.f32 $8.000000000e+00, v41;
	v40 =	vadd.s32 v21, v47;
	v41 =	vld [tilespmem:s24+$0xFFFFFFA0]  }
0x2ab: {  	[tilespmem:v50+s17+$0x0] =	vst.idx.msk $0xffff, v4;
	v4 =	vadd.s32 v24, v44;
	v36 =	vld [tilespmem:s24+$0xFFFFFFF0];
	v1 =	vmul.f32 $8.000000000e+00, v51  }
0x2ac: {  	v50 =	vld [tilespmem:s24+$0xFFFFFE30];
	[tilespmem:v55+s17+$0x0] =	vst.idx.msk $0xffff, v3;
	v3 =	vmul.f32 $8.000000000e+00, v56;
	v55 =	vadd.s32 v28, v43  }
0x2ad: {  	v56 =	vld [tilespmem:s24+$0xFFFFFE70];
	[tilespmem:v35+s17+$0x0] =	vst.idx.msk $0xffff, v1;
	v1 =	vmul.f32 $8.000000000e+00, v42;
	v35 =	vadd.s32 v33, v0  }
0x2ae: {  	v42 =	vadd.s32 v7, v39;
	[tilespmem:v62+s17+$0x0] =	vst.idx.msk $0xffff, v3;
	v3 =	vmul.f32 $8.000000000e+00, v63;
	v51 =	vld [tilespmem:s24+$0xFFFFFEB0]  }
0x2af: {  	v62 =	vadd.s32 v11, v48;
	v63 =	vld [tilespmem:s24+$0xFFFFFEF0];
	[tilespmem:v40+s17+$0x0] =	vst.idx.msk $0xffff, v1;
	v1 =	vmul.f32 $8.000000000e+00, v41  }
0x2b0: {  	v40 =	vadd.s32 v15, v45;
	[tilespmem:v4+s17+$0x0] =	vst.idx.msk $0xffff, v3;
	v3 =	vmul.f32 $8.000000000e+00, v36;
	v41 =	vld [tilespmem:s24+$0xFFFFFF30]  }
0x2b1: {  	v4 =	vmul.f32 $8.000000000e+00, v50;
	v36 =	vadd.s32 v18, v46;
	[tilespmem:v55+s17+$0x0] =	vst.idx.msk $0xffff, v1  }
0x2b2: {  	v1 =	vmul.f32 $8.000000000e+00, v56;
	v55 =	vadd.s32 v13, v47;
	[tilespmem:v35+s17+$0x0] =	vst.idx.msk $0xffff, v3  }
0x2b3: {  	[tilespmem:v42+s17+$0x0] =	vst.idx.msk $0xffff, v4;
	v3 =	vmul.f32 $8.000000000e+00, v51  }
0x2b4: {  	[tilespmem:v62+s17+$0x0] =	vst.idx.msk $0xffff, v1;
	v1 =	vmul.f32 $8.000000000e+00, v63  }
0x2b5: {  	v50 =	vld [tilespmem:s24+$0xFFFFFF70];
	[tilespmem:v40+s17+$0x0] =	vst.idx.msk $0xffff, v3;
	v3 =	vmul.f32 $8.000000000e+00, v41  }
0x2b6: {  	v56 =	vld [tilespmem:s24+$0xFFFFFFB0];
	[tilespmem:v36+s17+$0x0] =	vst.idx.msk $0xffff, v1  }
0x2b7: {  	v35 =	vld [tilespmem:s24+$0x0];
	[tilespmem:v55+s17+$0x0] =	vst.idx.msk $0xffff, v3  }
0x2b8: {  	v61 =	vmov v8;
	v4 =	vadd.s32 v25, v44;
	v8 =	vld [tilespmem:$0x1FF50]  }
0x2b9: {  	v42 =	vld [tilespmem:s24+$0xFFFFFE40];
	v62 =	vadd.s32 v29, v43  }
0x2ba: {  	v0 =	vadd.s32 v30, v0;
	v63 =	vld [tilespmem:s24+$0xFFFFFE80]  }
0x2bb: {  	v39 =	vadd.s32 v59, v39;
	v1 =	vmul.f32 $8.000000000e+00, v50;
	v40 =	vld [tilespmem:s24+$0xFFFFFEC0]  }
0x2bc: {  	v50 =	vadd.s32 v60, v48;
	v51 =	vld [tilespmem:s24+$0xFFFFFF00];
	v3 =	vmul.f32 $8.000000000e+00, v56  }
0x2bd: {  	v56 =	vld [tilespmem:s24+$0xFFFFFF40];
	[tilespmem:v4+s17+$0x0] =	vst.idx.msk $0xffff, v1;
	v1 =	vmul.f32 $8.000000000e+00, v35;
	v55 =	vadd.s32 v8, v45  }
0x2be: {  	v59 =	vadd.s32 v16, v46;
	v4 =	vmul.f32 $8.000000000e+00, v42;
	v60 =	vld [tilespmem:s24+$0xFFFFFF80];
	[tilespmem:v62+s17+$0x0] =	vst.idx.msk $0xffff, v3  }
0x2bf: {  	v3 =	vmul.f32 $8.000000000e+00, v63;
	v62 =	vadd.s32 v19, v47;
	v63 =	vld [tilespmem:s24+$0xFFFFFFC0];
	[tilespmem:v0+s17+$0x0] =	vst.idx.msk $0xffff, v1  }
0x2c0: {  	[tilespmem:v39+s17+$0x0] =	vst.idx.msk $0xffff, v4;
	v1 =	vadd.s32 v22, v44;
	v0 =	vmul.f32 $8.000000000e+00, v40  }
0x2c1: {  	v4 =	vadd.s32 v26, v43;
	[tilespmem:v50+s17+$0x0] =	vst.idx.msk $0xffff, v3;
	v3 =	vmul.f32 $8.000000000e+00, v51  }
0x2c2: {  	[tilespmem:v55+s17+$0x0] =	vst.idx.msk $0xffff, v0;
	v0 =	vmul.f32 $8.000000000e+00, v56  }
0x2c3: {  	[tilespmem:v59+s17+$0x0] =	vst.idx.msk $0xffff, v3;
	v3 =	vmul.f32 $8.000000000e+00, v60  }
0x2c4: {  	[tilespmem:v62+s17+$0x0] =	vst.idx.msk $0xffff, v0;
	v0 =	vmul.f32 $8.000000000e+00, v63  }
0x2c5: {  	[tilespmem:v1+s17+$0x0] =	vst.idx.msk $0xffff, v3  }
0x2c6: {  	s25 =	simm.s32 $0xC6C0;
	s23 =	sadd.s32 s22, s7;
	[tilespmem:v4+s17+$0x0] =	vst.idx.msk $0xffff, v0  }
0x2c7: {  	[hbm4b:s23+s3] =	stream.linear.scatter [tilespmem:s25], [sflag:$0x4], $0x40, $0x38;
	[tilespmem:$0xE880] =	vst v63  }
0x2c8: {  	s26 =	simm.s32 $0xC748;
	s24 =	sadd.s32 $0x10, s23  }
0x2c9: {  	[hbm4b:s24+s3] =	stream.linear.scatter [tilespmem:s26], [sflag:$0x4], $0x40, $0x38;
	[tilespmem:$0xE880] =	vst v63  }
0x2ca: {  	s28 =	simm.s32 $0xC7D0;
	s30 =	simm.s32 $0xC858;
	s29 =	sadd.s32 $0x20, s23  }
0x2cb: {  	[hbm4b:s29+s3] =	stream.linear.scatter [tilespmem:s28], [sflag:$0x4], $0x40, $0x38;
	[tilespmem:$0xE880] =	vst v63  }
0x2cc: {  	s22 =	simm.s32 $0x440;
	s31 =	sadd.s32 $0x30, s23;
	s25 =	simm.s32 $0xC8E0  }
0x2cd: {  	[hbm4b:s31+s3] =	stream.linear.scatter [tilespmem:s30], [sflag:$0x4], $0x40, $0x38;
	[tilespmem:$0xE880] =	vst v63  }
0x2ce: {  	s26 =	sadd.s32 $0x40, s23;
	s24 =	simm.s32 $0x2200;
	s28 =	simm.s32 $0xC968  }
0x2cf: {  	[hbm4b:s26+s3] =	stream.linear.scatter [tilespmem:s25], [sflag:$0x4], $0x40, $0x38;
	[tilespmem:$0xE880] =	vst v63  }
0x2d0: {  	v57 =	vmovc v16;
	v52 =	vmov v9;
	v54 =	vmov v22;
	v53 =	vmov v26;
	s29 =	sadd.s32 $0x50, s23;
	s30 =	simm.s32 $0xC9F0;
	s31 =	sadd.s32 $0x60, s23  }
0x2d1: {  	v9 =	vmovc v5;
	v58 =	vmovc v6;
	v6 =	vmov v11;
	v11 =	vmov v7;
	v16 =	vmov v10;
	[hbm4b:s29+s3] =	stream.linear.scatter [tilespmem:s28], [sflag:$0x4], $0x40, $0x38;
	[tilespmem:$0xE880] =	vst v63  }
0x2d2: {  	v7 =	vmovc v6;
	v15 =	vmovc v20;
	v13 =	vmov v12;
	v22 =	vmov v19;
	v26 =	vmov v54;
	s25 =	simm.s32 $0xCA78;
	s26 =	sadd.s32 $0x70, s23;
	s23 =	sadd.s32 $0x1000, s23  }
0x2d3: {  	v10 =	vmovc v8;
	v8 =	vmovc v27;
	v27 =	vmov v53;
	v4 =	vmov v17;
	v17 =	vmov v32;
	[hbm4b:s31+s3] =	stream.linear.scatter [tilespmem:s30], [sflag:$0x4], $0x40, $0x38;
	[tilespmem:$0xE880] =	vst v63  }
.LBB2_17:
0x2d4: {  	[hbm4b:s26+s3] =	stream.linear.scatter [tilespmem:s25], [sflag:$0x4], $0x40, $0x38;
	[tilespmem:$0xE880] =	vst v63  }
0x2d5: {  	s25 =	smov.u32 s22;
	s22 =	smov.u32 s24  }
0x2d6: {  	s28 =	sadd.s32 $0x1100, s24;
	s22 =	sshra.s32 s22, $0x2;
	s26 =	sadd.s32 $0xC6C0, s25  }
0x2d7: {  	[hbm4b:s23+s3] =	stream.linear.scatter [tilespmem:s26], [sflag:$0x4], $0x40, $0x38;
	[tilespmem:$0xE880] =	vst v63  }
0x2d8: {  	p0 =	sne.s32 s24, $0x7700;
	s24 =	sadd.s32 $0xC748, s25;
	s26 =	sadd.s32 $0x10, s23  }
0x2d9: {  	[hbm4b:s26+s3] =	stream.linear.scatter [tilespmem:s24], [sflag:$0x4], $0x40, $0x38;
	[tilespmem:$0xE880] =	vst v63  }
0x2da: {  	s24 =	sadd.s32 $0xC7D0, s25;
	s26 =	sadd.s32 $0x20, s23  }
0x2db: {  	[hbm4b:s26+s3] =	stream.linear.scatter [tilespmem:s24], [sflag:$0x4], $0x40, $0x38;
	[tilespmem:$0xE880] =	vst v63  }
0x2dc: {  	s24 =	sadd.s32 $0xC858, s25;
	s26 =	sadd.s32 $0x30, s23  }
0x2dd: {  	[hbm4b:s26+s3] =	stream.linear.scatter [tilespmem:s24], [sflag:$0x4], $0x40, $0x38;
	[tilespmem:$0xE880] =	vst v63  }
0x2de: {  	s24 =	sadd.s32 $0xC8E0, s25;
	s26 =	sadd.s32 $0x40, s23  }
0x2df: {  	[hbm4b:s26+s3] =	stream.linear.scatter [tilespmem:s24], [sflag:$0x4], $0x40, $0x38;
	[tilespmem:$0xE880] =	vst v63  }
.Ltmp7:
0x2e0: {  	s24 =	sadd.s32 $0xC968, s25;
	s26 =	sadd.s32 $0x50, s23;
	(pc) =	sbr.rel @p0 .LBB2_17-.Ltmp7, $4  }
0x2e1: {  	[hbm4b:s26+s3] =	stream.linear.scatter [tilespmem:s24], [sflag:$0x4], $0x40, $0x38;
	[tilespmem:$0xE880] =	vst v63  }
0x2e2: {  	s24 =	sadd.s32 $0xC9F0, s25;
	s26 =	sadd.s32 $0x60, s23;
	s25 =	sadd.s32 $0xCA78, s25  }
0x2e3: {  	[hbm4b:s26+s3] =	stream.linear.scatter [tilespmem:s24], [sflag:$0x4], $0x40, $0x38;
	[tilespmem:$0xE880] =	vst v63  }
0x2e4: {  	s26 =	sadd.s32 $0x70, s23;
	s23 =	sadd.s32 $0x1000, s23;
	s24 =	smov.u32 s28  }
0x2e5: {  	[hbm4b:s26+s3] =	stream.linear.scatter [tilespmem:s25], [sflag:$0x4], $0x40, $0x38;
	[tilespmem:$0xE880] =	vst v63  }
0x2e6: {  	s24 =	sadd.s32 $0xC6C0, s22  }
0x2e7: {  	[hbm4b:s23+s3] =	stream.linear.scatter [tilespmem:s24], [sflag:$0x4], $0x40, $0x38;
	[tilespmem:$0xE880] =	vst v63  }
0x2e8: {  	s30 =	sadd.s32 $0xC748, s22;
	s31 =	sadd.s32 $0x10, s23  }
0x2e9: {  	[hbm4b:s31+s3] =	stream.linear.scatter [tilespmem:s30], [sflag:$0x4], $0x40, $0x38;
	[tilespmem:$0xE880] =	vst v63  }
0x2ea: {  	s25 =	sadd.s32 $0xC7D0, s22;
	s26 =	sadd.s32 $0x20, s23  }
0x2eb: {  	[hbm4b:s26+s3] =	stream.linear.scatter [tilespmem:s25], [sflag:$0x4], $0x40, $0x38;
	[tilespmem:$0xE880] =	vst v63  }
0x2ec: {  	s28 =	sadd.s32 $0xC858, s22;
	s29 =	sadd.s32 $0x30, s23  }
0x2ed: {  	[hbm4b:s29+s3] =	stream.linear.scatter [tilespmem:s28], [sflag:$0x4], $0x40, $0x38;
	[tilespmem:$0xE880] =	vst v63  }
0x2ee: {  	s21 =	sadd.s32 $0x1, s21;
	s30 =	sadd.s32 $0xC8E0, s22;
	s31 =	sadd.s32 $0x40, s23  }
0x2ef: {  	[hbm4b:s31+s3] =	stream.linear.scatter [tilespmem:s30], [sflag:$0x4], $0x40, $0x38;
	[tilespmem:$0xE880] =	vst v63  }
0x2f0: {  	p0 =	sne.s32 s21, $0x64;
	s25 =	sadd.s32 $0xC968, s22;
	s26 =	sadd.s32 $0x50, s23  }
0x2f1: {  	[hbm4b:s26+s3] =	stream.linear.scatter [tilespmem:s25], [sflag:$0x4], $0x40, $0x38;
	[tilespmem:$0xE880] =	vst v63  }
.Ltmp8:
0x2f2: {  	_ = 	snop;
	(pc) =	sbr.rel @p0 .LBB2_2-.Ltmp8, $4  }
0x2f3: {  	s28 =	sadd.s32 $0xC9F0, s22;
	s29 =	sadd.s32 $0x60, s23  }
0x2f4: {  	[hbm4b:s29+s3] =	stream.linear.scatter [tilespmem:s28], [sflag:$0x4], $0x40, $0x38;
	[tilespmem:$0xE880] =	vst v63  }
0x2f5: {  	v25 =	vld [tilespmem:$0x1FF70];
	s30 =	sadd.s32 $0xCA78, s22;
	s31 =	sadd.s32 $0x70, s23  }
0x2f6: {  	v3 =	vld [tilespmem:$0x1FFD0];
	[hbm4b:s31+s3] =	stream.linear.scatter [tilespmem:s30], [sflag:$0x4], $0x40, $0x38  }
0x2f7: {  	_ =	swait.ge [sflag:s18], $0x1000  }
0x2f8: {  	[sflag:s18] =	ssyncset.done $0x0  }
0x2f9: {  	[sflag:s18] =	ssyncadd.s32 $0xFFFFF000  }
0x2fa: {  	_ =	swait.ge [sflag:s18], $0x1000  }
0x2fb: {  	[sflag:s18] =	ssyncset.done $0x0  }
0x2fc: {  	[sflag:s18] =	ssyncadd.s32 $0xFFFFF000  }
0x2fd: {  	_ =	swait.ge [sflag:s19], $0x1000  }
0x2fe: {  	[sflag:s19] =	ssyncset.done $0x0  }
0x2ff: {  	s20 =	sadd.s32 $0x1, s20;
	[sflag:s19] =	ssyncadd.s32 $0xFFFFF000  }
0x300: {  	p0 =	sne.s32 s20, s8;
	_ =	swait.ge [sflag:s19], $0x1000  }
.Ltmp9:
0x301: {  	[sflag:s19] =	ssyncset.done $0x0;
	(pc) =	sbr.rel @p0 .LBB2_1-.Ltmp9, $4  }
0x302: {  	[sflag:s19] =	ssyncadd.s32 $0xFFFFF000  }
0x303: {  	_ =	swait.ge [sflag:s14], $0x2000  }
0x304: {  	[sflag:s14] =	ssyncset.done $0x0  }
0x305: {  	[sflag:s14] =	ssyncadd.s32 $0xFFFFE000  }
0x306: {  	_ =	sfence.sel $0x180000  }
0x307: {  	[bflag:$0x0] =	sbarrier.arrive $0xFFFF  }
0x308: {  	p0 =	sne.s32 s0, $0x0;
	_ =	strace $0x90000047  }
0x309: {  	s0 =	sadd.s32 @!p0 $0x100000, s1;
	[bflag:$0x2] =	sbarrier.arrive $0xFFFF  }
0x30a: {  	[sflag:s0] =	ssyncadd.tile.s32 @!p0 $0x1;
	_ =	shalt  }
.Lfunc_end2:
_tile_overlayer_lowered:
.L_overlay_start_2:
0x30b: {  	(tag) =	ssettag $0x2  }
0x30c: {  	s0 =	rddreg [dreg:$0x0];
	s2 =	stileid.u32  }
0x30d: {  	s1 =	rddreg [dreg:$0x1];
	p0 =	sne.s32 s2, $0x0  }
0x30e: {  	s3 =	rddreg [dreg:$0x2];
	[bflag:$0x3] =	sbarrier.arrive $0xFFFF;
	s2 =	simm.s32 @!p0 $0x1C05  }
0x30f: {  	[timem:s3], [sflag:s2] =	dma.local @!p0 [hbm:s0], s1  }
0x310: {  	s0 =	simm.s32 @!p0 $0x5  }
0x311: {  	_ =	swait.ge @!p0 [sflag:s0], s1  }
0x312: {  	s1 =	ssub.s32 @!p0 $0x0, s1;
	[sflag:s0] =	ssyncset.done @!p0 $0x0  }
0x313: {  	[sflag:s0] =	ssyncadd.s32 @!p0 s1  }
0x314: {  	[bflag:$0x3] =	sbarrier.arrive $0xFFFF  }
0x315: {  	_ =	shalt  }

</sc_bundles>
